<compile_context>
chip_gen: v7x
topology: tpu7x:2x2x1
jax: 0.10.2.dev20260603
libtpu: 0.0.44.dev20260713+nightly
codegen_flags: <defaults>
</compile_context>

<pallas_src>
import functools

import jax
import jax.numpy as jnp
from jax import lax
from jax.experimental import pallas as pl
from jax.experimental.pallas import tpu as pltpu
from jax.experimental.pallas import tpu_sc as plsc

_B = 16384
_D = 32
_NC = 2
_NS = 16
_NW = _NC * _NS
_BPW = _B // _NW
_NG = _BPW // 16
_DCH = 4
_NSL = _D // _DCH

_mesh = plsc.VectorSubcoreMesh(core_axis_name="c", subcore_axis_name="s")
_params = pltpu.CompilerParams(
    use_tc_tiling_on_sc=False, needs_layout_passes=False)


def _strategy_half(sid, semb):
    @functools.partial(
        pl.kernel,
        mesh=_mesh,
        out_type=jax.ShapeDtypeStruct((_D, _B), jnp.float32),
        compiler_params=_params,
        scratch_types=[
            pltpu.VMEM((_BPW,), jnp.int32),
            pltpu.VMEM((8, _D), jnp.float32),
            pltpu.VMEM((8 * _D,), jnp.float32),
            pltpu.VMEM((_D, _BPW), jnp.float32),
        ],
    )
    def body(sid_hbm, semb_hbm, out_hbm, sidx, sv2, sv, combt):
        wid = lax.axis_index("s") * _NC + lax.axis_index("c")
        base = wid * _BPW
        pltpu.sync_copy(sid_hbm.at[wid], sidx)
        pltpu.sync_copy(semb_hbm, sv2)
        for i in range(8):
            for j in range(_D // 16):
                sv[pl.ds(i * _D + j * 16, 16)] = sv2[i, pl.ds(j * 16, 16)]

        def sgroup(g, _):
            sofs = sidx[pl.ds(g * 16, 16)] * _D
            for d in range(_D):
                combt[d, pl.ds(g * 16, 16)] = plsc.load_gather(
                    sv, [sofs + d])
            return _

        lax.fori_loop(0, _NG, sgroup, None)
        pltpu.sync_copy(combt, out_hbm.at[:, pl.ds(base, _BPW)])

    return body(sid, semb)


def _cause_half(cid, cembt, st):
    @functools.partial(
        pl.kernel,
        mesh=_mesh,
        out_type=jax.ShapeDtypeStruct((2 * _D, _B), jnp.float32),
        compiler_params=_params,
        scratch_types=[
            pltpu.VMEM((_BPW,), jnp.int32),
            pltpu.VMEM((2 * _D, _BPW), jnp.float32),
            pltpu.VMEM_SHARED((_DCH, 100000), jnp.float32),
            pltpu.VMEM_SHARED((_DCH, 100000), jnp.float32),
            pltpu.SemaphoreType.DMA,
            pltpu.SemaphoreType.DMA,
        ],
    )
    def body(cid_hbm, cembt_hbm, st_hbm, out_hbm, cidx, combt,
             slab0, slab1, gsem, ssem):
        sub = lax.axis_index("s")
        wid = sub * _NC + lax.axis_index("c")
        base = wid * _BPW
        pltpu.sync_copy(cid_hbm.at[wid], cidx)
        pltpu.sync_copy(st_hbm.at[:, pl.ds(base, _BPW)],
                        combt.at[pl.ds(0, _D)])

        slabs = [slab0, slab1]
        _SEG = 100000 // (_NS // _DCH)
        srow = sub // (_NS // _DCH)
        scol = (sub % (_NS // _DCH)) * _SEG

        def _stage(k, dst, wait):
            h = (pltpu.make_async_copy if wait else pltpu.async_copy)(
                cembt_hbm.at[k * _DCH + srow, pl.ds(scol, _SEG)],
                dst.at[srow, pl.ds(scol, _SEG)], ssem)
            if wait:
                h.wait()

        _stage(0, slab0, wait=False)

        for k in range(_NSL):
            cur = slabs[k % 2]
            _stage(k, cur, wait=True)
            plsc.subcore_barrier()

            if k + 1 < _NSL:
                _stage(k + 1, slabs[(k + 1) % 2], wait=False)

            copies = []
            for d in range(_DCH):
                copies.append(pltpu.async_copy(
                    cur.at[d].at[cidx],
                    combt.at[_D + k * _DCH + d], gsem))
            for c in copies:
                c.wait()
            plsc.subcore_barrier()

        pltpu.sync_copy(combt, out_hbm.at[:, pl.ds(base, _BPW)])

    return body(cid, cembt, st)


def kernel(strategy_id, cause_index, strategy_emb, cause_emb):
    sid = strategy_id.astype(jnp.int32).reshape(_NW, _BPW)
    cid = cause_index.astype(jnp.int32).reshape(_NW, _BPW)
    st = _strategy_half(sid, strategy_emb)
    return _cause_half(cid, cause_emb.T, st).T

# --- scband reference (transcript-rebuilt; emitter-appended) ---
"""Pipeline reference for scband-action-embedder-11957188952510 (READ-ONLY COPY).

The authoritative reference and input builder live on the scoring server;
editing this copy changes nothing except your own understanding.
"""

import jax, jax.numpy as jnp
import numpy as np

NUM_STRATEGIES = 8
NUM_CAUSES = 100000
STRATEGY_EMB_DIM = 32
CAUSE_EMB_DIM = 32
BATCH = 16384


def setup_inputs(seed: int = 0) -> dict:
    key = jax.random.key(seed)
    k1, k2, k3, k4 = jax.random.split(key, 4)
    strategy_id = jax.random.randint(k1, (BATCH,), 0, NUM_STRATEGIES, dtype=jnp.int64 if jax.config.jax_enable_x64 else jnp.int32)
    cause_index = jax.random.randint(k2, (BATCH,), 0, NUM_CAUSES, dtype=jnp.int64 if jax.config.jax_enable_x64 else jnp.int32)
    strategy_emb = jax.random.normal(k3, (NUM_STRATEGIES, STRATEGY_EMB_DIM), dtype=jnp.float32)
    cause_emb = jax.random.normal(k4, (NUM_CAUSES, CAUSE_EMB_DIM), dtype=jnp.float32)
    return {
        "strategy_id": strategy_id,
        "cause_index": cause_index,
        "strategy_emb": strategy_emb,
        "cause_emb": cause_emb,
    }


def reference(strategy_id, cause_index, strategy_emb, cause_emb):
    # Faithful (vectorized) translation of ActionEmbedder.forward:
    # psi(sigma, c_i) = concat(strategy_emb[sigma], cause_emb[c_i])
    s_vec = jnp.take(strategy_emb, strategy_id, axis=0)  # [B, 32]
    c_vec = jnp.take(cause_emb, cause_index, axis=0)     # [B, 32]
    return jnp.concatenate([s_vec, c_vec], axis=-1)      # [B, 64]

if __name__ == "__main__":
    import jax
    _d = setup_inputs()
    print(jax.jit(kernel)(*tuple(_d.values())))

</pallas_src>

<mosaic_0001>
#map = affine_map<(d0, d1) -> (0, 0)>
module attributes {stable_mosaic.version = 14 : i64} {
  func.func @body(%arg0: i32, %arg1: i32, %arg2: memref<32x512xi32, #tpu.memory_space<hbm>>, %arg3: memref<8x32xf32, #tpu.memory_space<hbm>>, %arg4: memref<32x16384xf32, #tpu.memory_space<hbm>>, %arg5: memref<512xi32, #tpu.memory_space<vmem>>, %arg6: memref<8x32xf32, #tpu.memory_space<vmem>>, %arg7: memref<256xf32, #tpu.memory_space<vmem>>, %arg8: memref<32x512xf32, #tpu.memory_space<vmem>>) attributes {dimension_semantics = [#tpu.dimension_semantics<core_parallel>, #tpu.dimension_semantics<subcore_parallel>], iteration_bounds = array<i64: 2, 16>, scalar_prefetch = 0 : i64, scratch_operands = 4 : i64, tpu.core_type = #tpu.core_type<sc_vector_subcore>, window_params = [{transform_indices = #map}, {transform_indices = #map}, {transform_indices = #map}]} {
    %mul3A = arith.constant 2 : i32
    %mul3A_0 = arith.muli %arg1, %mul3A : i32
    %add3A = arith.addi %mul3A_0, %arg0 : i32
    %mul3A_1 = arith.constant 512 : i32
    %mul3A_2 = arith.muli %add3A, %mul3A_1 : i32
    "tpu.region"() ({
      %run_scoped3A = tpu.sem_alloc : memref<!tpu.dma_semaphore, #tpu.memory_space<semaphore_mem>>
      %dma_start3A = arith.constant 0 : i32
      %dma_start3A_101 = tpu.memref_slice %arg2[%add3A, %dma_start3A] : memref<32x512xi32, #tpu.memory_space<hbm>> -> memref<1x512xi32, #tpu.memory_space<hbm>>
      %dma_start3A_102 = tpu.memref_squeeze %dma_start3A_101 : memref<1x512xi32, #tpu.memory_space<hbm>> -> memref<512xi32, #tpu.memory_space<hbm>>
      %dma_start3A_103 = arith.constant 0 : i32
      %dma_start3A_104 = tpu.memref_slice %arg2[%add3A, %dma_start3A_103] : memref<32x512xi32, #tpu.memory_space<hbm>> -> memref<1x512xi32, #tpu.memory_space<hbm>>
      %dma_start3A_105 = tpu.memref_squeeze %dma_start3A_104 : memref<1x512xi32, #tpu.memory_space<hbm>> -> memref<512xi32, #tpu.memory_space<hbm>>
      tpu.enqueue_dma source(%dma_start3A_105 : memref<512xi32, #tpu.memory_space<hbm>>) target(%arg5 : memref<512xi32, #tpu.memory_space<vmem>>) target_semaphore(%run_scoped3A : memref<!tpu.dma_semaphore, #tpu.memory_space<semaphore_mem>>)
      %dma_wait3A = arith.constant 0 : i32
      %dma_wait3A_106 = tpu.memref_slice %arg2[%add3A, %dma_wait3A] : memref<32x512xi32, #tpu.memory_space<hbm>> -> memref<1x512xi32, #tpu.memory_space<hbm>>
      %dma_wait3A_107 = tpu.memref_squeeze %dma_wait3A_106 : memref<1x512xi32, #tpu.memory_space<hbm>> -> memref<512xi32, #tpu.memory_space<hbm>>
      %dma_wait3A_108 = arith.constant 0 : i32
      %dma_wait3A_109 = tpu.memref_slice %arg2[%add3A, %dma_wait3A_108] : memref<32x512xi32, #tpu.memory_space<hbm>> -> memref<1x512xi32, #tpu.memory_space<hbm>>
      %dma_wait3A_110 = tpu.memref_squeeze %dma_wait3A_109 : memref<1x512xi32, #tpu.memory_space<hbm>> -> memref<512xi32, #tpu.memory_space<hbm>>
      tpu.wait_dma2 semaphore(%run_scoped3A : memref<!tpu.dma_semaphore, #tpu.memory_space<semaphore_mem>>) src(%dma_wait3A_110 : memref<512xi32, #tpu.memory_space<hbm>>) dst(%arg5 : memref<512xi32, #tpu.memory_space<vmem>>)
      tpu.yield
    }) : () -> ()
    "tpu.region"() ({
      %run_scoped3A = tpu.sem_alloc : memref<!tpu.dma_semaphore, #tpu.memory_space<semaphore_mem>>
      tpu.enqueue_dma source(%arg3 : memref<8x32xf32, #tpu.memory_space<hbm>>) target(%arg6 : memref<8x32xf32, #tpu.memory_space<vmem>>) target_semaphore(%run_scoped3A : memref<!tpu.dma_semaphore, #tpu.memory_space<semaphore_mem>>)
      tpu.wait_dma2 semaphore(%run_scoped3A : memref<!tpu.dma_semaphore, #tpu.memory_space<semaphore_mem>>) src(%arg3 : memref<8x32xf32, #tpu.memory_space<hbm>>) dst(%arg6 : memref<8x32xf32, #tpu.memory_space<vmem>>)
      tpu.yield
    }) : () -> ()
    %get3A = arith.constant 0 : i32
    %get3A_3 = arith.index_cast %get3A : i32 to index
    %get3A_4 = arith.constant 0 : index
    %get3A_5 = tpu.vector_load %arg6[%get3A_3, %get3A_4] {strides = array<i32>} : memref<8x32xf32, #tpu.memory_space<vmem>>, vector<16xf32>,
    %swap3A = arith.constant 0 : index
    %swap3A_6 = tpu.vector_load %arg7[%swap3A] {strides = array<i32>} : memref<256xf32, #tpu.memory_space<vmem>>, vector<16xf32>,
    tpu.vector_store %arg7[%swap3A], %get3A_5 {strides = array<i32>} : memref<256xf32, #tpu.memory_space<vmem>>, vector<16xf32>,
    %get3A_7 = arith.constant 0 : i32
    %get3A_8 = arith.index_cast %get3A_7 : i32 to index
    %get3A_9 = arith.constant 16 : index
    %get3A_10 = tpu.vector_load %arg6[%get3A_8, %get3A_9] {strides = array<i32>} : memref<8x32xf32, #tpu.memory_space<vmem>>, vector<16xf32>,
    %swap3A_11 = arith.constant 16 : index
    %swap3A_12 = tpu.vector_load %arg7[%swap3A_11] {strides = array<i32>} : memref<256xf32, #tpu.memory_space<vmem>>, vector<16xf32>,
    tpu.vector_store %arg7[%swap3A_11], %get3A_10 {strides = array<i32>} : memref<256xf32, #tpu.memory_space<vmem>>, vector<16xf32>,
    %get3A_13 = arith.constant 1 : i32
    %get3A_14 = arith.index_cast %get3A_13 : i32 to index
    %get3A_15 = arith.constant 0 : index
    %get3A_16 = tpu.vector_load %arg6[%get3A_14, %get3A_15] {strides = array<i32>} : memref<8x32xf32, #tpu.memory_space<vmem>>, vector<16xf32>,
    %swap3A_17 = arith.constant 32 : index
    %swap3A_18 = tpu.vector_load %arg7[%swap3A_17] {strides = array<i32>} : memref<256xf32, #tpu.memory_space<vmem>>, vector<16xf32>,
    tpu.vector_store %arg7[%swap3A_17], %get3A_16 {strides = array<i32>} : memref<256xf32, #tpu.memory_space<vmem>>, vector<16xf32>,
    %get3A_19 = arith.constant 1 : i32
    %get3A_20 = arith.index_cast %get3A_19 : i32 to index
    %get3A_21 = arith.constant 16 : index
    %get3A_22 = tpu.vector_load %arg6[%get3A_20, %get3A_21] {strides = array<i32>} : memref<8x32xf32, #tpu.memory_space<vmem>>, vector<16xf32>,
    %swap3A_23 = arith.constant 48 : index
    %swap3A_24 = tpu.vector_load %arg7[%swap3A_23] {strides = array<i32>} : memref<256xf32, #tpu.memory_space<vmem>>, vector<16xf32>,
    tpu.vector_store %arg7[%swap3A_23], %get3A_22 {strides = array<i32>} : memref<256xf32, #tpu.memory_space<vmem>>, vector<16xf32>,
    %get3A_25 = arith.constant 2 : i32
    %get3A_26 = arith.index_cast %get3A_25 : i32 to index
    %get3A_27 = arith.constant 0 : index
    %get3A_28 = tpu.vector_load %arg6[%get3A_26, %get3A_27] {strides = array<i32>} : memref<8x32xf32, #tpu.memory_space<vmem>>, vector<16xf32>,
    %swap3A_29 = arith.constant 64 : index
    %swap3A_30 = tpu.vector_load %arg7[%swap3A_29] {strides = array<i32>} : memref<256xf32, #tpu.memory_space<vmem>>, vector<16xf32>,
    tpu.vector_store %arg7[%swap3A_29], %get3A_28 {strides = array<i32>} : memref<256xf32, #tpu.memory_space<vmem>>, vector<16xf32>,
    %get3A_31 = arith.constant 2 : i32
    %get3A_32 = arith.index_cast %get3A_31 : i32 to index
    %get3A_33 = arith.constant 16 : index
    %get3A_34 = tpu.vector_load %arg6[%get3A_32, %get3A_33] {strides = array<i32>} : memref<8x32xf32, #tpu.memory_space<vmem>>, vector<16xf32>,
    %swap3A_35 = arith.constant 80 : index
    %swap3A_36 = tpu.vector_load %arg7[%swap3A_35] {strides = array<i32>} : memref<256xf32, #tpu.memory_space<vmem>>, vector<16xf32>,
    tpu.vector_store %arg7[%swap3A_35], %get3A_34 {strides = array<i32>} : memref<256xf32, #tpu.memory_space<vmem>>, vector<16xf32>,
    %get3A_37 = arith.constant 3 : i32
    %get3A_38 = arith.index_cast %get3A_37 : i32 to index
    %get3A_39 = arith.constant 0 : index
    %get3A_40 = tpu.vector_load %arg6[%get3A_38, %get3A_39] {strides = array<i32>} : memref<8x32xf32, #tpu.memory_space<vmem>>, vector<16xf32>,
    %swap3A_41 = arith.constant 96 : index
    %swap3A_42 = tpu.vector_load %arg7[%swap3A_41] {strides = array<i32>} : memref<256xf32, #tpu.memory_space<vmem>>, vector<16xf32>,
    tpu.vector_store %arg7[%swap3A_41], %get3A_40 {strides = array<i32>} : memref<256xf32, #tpu.memory_space<vmem>>, vector<16xf32>,
    %get3A_43 = arith.constant 3 : i32
    %get3A_44 = arith.index_cast %get3A_43 : i32 to index
    %get3A_45 = arith.constant 16 : index
    %get3A_46 = tpu.vector_load %arg6[%get3A_44, %get3A_45] {strides = array<i32>} : memref<8x32xf32, #tpu.memory_space<vmem>>, vector<16xf32>,
    %swap3A_47 = arith.constant 112 : index
    %swap3A_48 = tpu.vector_load %arg7[%swap3A_47] {strides = array<i32>} : memref<256xf32, #tpu.memory_space<vmem>>, vector<16xf32>,
    tpu.vector_store %arg7[%swap3A_47], %get3A_46 {strides = array<i32>} : memref<256xf32, #tpu.memory_space<vmem>>, vector<16xf32>,
    %get3A_49 = arith.constant 4 : i32
    %get3A_50 = arith.index_cast %get3A_49 : i32 to index
    %get3A_51 = arith.constant 0 : index
    %get3A_52 = tpu.vector_load %arg6[%get3A_50, %get3A_51] {strides = array<i32>} : memref<8x32xf32, #tpu.memory_space<vmem>>, vector<16xf32>,
    %swap3A_53 = arith.constant 128 : index
    %swap3A_54 = tpu.vector_load %arg7[%swap3A_53] {strides = array<i32>} : memref<256xf32, #tpu.memory_space<vmem>>, vector<16xf32>,
    tpu.vector_store %arg7[%swap3A_53], %get3A_52 {strides = array<i32>} : memref<256xf32, #tpu.memory_space<vmem>>, vector<16xf32>,
    %get3A_55 = arith.constant 4 : i32
    %get3A_56 = arith.index_cast %get3A_55 : i32 to index
    %get3A_57 = arith.constant 16 : index
    %get3A_58 = tpu.vector_load %arg6[%get3A_56, %get3A_57] {strides = array<i32>} : memref<8x32xf32, #tpu.memory_space<vmem>>, vector<16xf32>,
    %swap3A_59 = arith.constant 144 : index
    %swap3A_60 = tpu.vector_load %arg7[%swap3A_59] {strides = array<i32>} : memref<256xf32, #tpu.memory_space<vmem>>, vector<16xf32>,
    tpu.vector_store %arg7[%swap3A_59], %get3A_58 {strides = array<i32>} : memref<256xf32, #tpu.memory_space<vmem>>, vector<16xf32>,
    %get3A_61 = arith.constant 5 : i32
    %get3A_62 = arith.index_cast %get3A_61 : i32 to index
    %get3A_63 = arith.constant 0 : index
    %get3A_64 = tpu.vector_load %arg6[%get3A_62, %get3A_63] {strides = array<i32>} : memref<8x32xf32, #tpu.memory_space<vmem>>, vector<16xf32>,
    %swap3A_65 = arith.constant 160 : index
    %swap3A_66 = tpu.vector_load %arg7[%swap3A_65] {strides = array<i32>} : memref<256xf32, #tpu.memory_space<vmem>>, vector<16xf32>,
    tpu.vector_store %arg7[%swap3A_65], %get3A_64 {strides = array<i32>} : memref<256xf32, #tpu.memory_space<vmem>>, vector<16xf32>,
    %get3A_67 = arith.constant 5 : i32
    %get3A_68 = arith.index_cast %get3A_67 : i32 to index
    %get3A_69 = arith.constant 16 : index
    %get3A_70 = tpu.vector_load %arg6[%get3A_68, %get3A_69] {strides = array<i32>} : memref<8x32xf32, #tpu.memory_space<vmem>>, vector<16xf32>,
    %swap3A_71 = arith.constant 176 : index
    %swap3A_72 = tpu.vector_load %arg7[%swap3A_71] {strides = array<i32>} : memref<256xf32, #tpu.memory_space<vmem>>, vector<16xf32>,
    tpu.vector_store %arg7[%swap3A_71], %get3A_70 {strides = array<i32>} : memref<256xf32, #tpu.memory_space<vmem>>, vector<16xf32>,
    %get3A_73 = arith.constant 6 : i32
    %get3A_74 = arith.index_cast %get3A_73 : i32 to index
    %get3A_75 = arith.constant 0 : index
    %get3A_76 = tpu.vector_load %arg6[%get3A_74, %get3A_75] {strides = array<i32>} : memref<8x32xf32, #tpu.memory_space<vmem>>, vector<16xf32>,
    %swap3A_77 = arith.constant 192 : index
    %swap3A_78 = tpu.vector_load %arg7[%swap3A_77] {strides = array<i32>} : memref<256xf32, #tpu.memory_space<vmem>>, vector<16xf32>,
    tpu.vector_store %arg7[%swap3A_77], %get3A_76 {strides = array<i32>} : memref<256xf32, #tpu.memory_space<vmem>>, vector<16xf32>,
    %get3A_79 = arith.constant 6 : i32
    %get3A_80 = arith.index_cast %get3A_79 : i32 to index
    %get3A_81 = arith.constant 16 : index
    %get3A_82 = tpu.vector_load %arg6[%get3A_80, %get3A_81] {strides = array<i32>} : memref<8x32xf32, #tpu.memory_space<vmem>>, vector<16xf32>,
    %swap3A_83 = arith.constant 208 : index
    %swap3A_84 = tpu.vector_load %arg7[%swap3A_83] {strides = array<i32>} : memref<256xf32, #tpu.memory_space<vmem>>, vector<16xf32>,
    tpu.vector_store %arg7[%swap3A_83], %get3A_82 {strides = array<i32>} : memref<256xf32, #tpu.memory_space<vmem>>, vector<16xf32>,
    %get3A_85 = arith.constant 7 : i32
    %get3A_86 = arith.index_cast %get3A_85 : i32 to index
    %get3A_87 = arith.constant 0 : index
    %get3A_88 = tpu.vector_load %arg6[%get3A_86, %get3A_87] {strides = array<i32>} : memref<8x32xf32, #tpu.memory_space<vmem>>, vector<16xf32>,
    %swap3A_89 = arith.constant 224 : index
    %swap3A_90 = tpu.vector_load %arg7[%swap3A_89] {strides = array<i32>} : memref<256xf32, #tpu.memory_space<vmem>>, vector<16xf32>,
    tpu.vector_store %arg7[%swap3A_89], %get3A_88 {strides = array<i32>} : memref<256xf32, #tpu.memory_space<vmem>>, vector<16xf32>,
    %get3A_91 = arith.constant 7 : i32
    %get3A_92 = arith.index_cast %get3A_91 : i32 to index
    %get3A_93 = arith.constant 16 : index
    %get3A_94 = tpu.vector_load %arg6[%get3A_92, %get3A_93] {strides = array<i32>} : memref<8x32xf32, #tpu.memory_space<vmem>>, vector<16xf32>,
    %swap3A_95 = arith.constant 240 : index
    %swap3A_96 = tpu.vector_load %arg7[%swap3A_95] {strides = array<i32>} : memref<256xf32, #tpu.memory_space<vmem>>, vector<16xf32>,
    tpu.vector_store %arg7[%swap3A_95], %get3A_94 {strides = array<i32>} : memref<256xf32, #tpu.memory_space<vmem>>, vector<16xf32>,
    %scan3A = arith.constant 0 : i32
    %scan3A_97 = arith.constant 32 : i32
    %scan3A_98 = arith.addi %scan3A, %scan3A_97 : i32
    %scan3A_99 = arith.constant 1 : i32
    scf.for %scan3A_101 = %scan3A to %scan3A_98 step %scan3A_99  : i32 {
      %mul3A_102 = arith.constant 16 : i32
      %mul3A_103 = arith.muli %scan3A_101, %mul3A_102 : i32
      %get3A_104 = arith.index_cast %mul3A_103 : i32 to index
      %get3A_105 = tpu.vector_load %arg5[%get3A_104] {strides = array<i32>} : memref<512xi32, #tpu.memory_space<vmem>>, vector<16xi32>,
      %mul3A_106 = arith.constant 32 : i32
      %mul3A_107 = vector.broadcast %mul3A_106 : i32 to vector<16xi32>
      %mul3A_108 = arith.muli %get3A_105, %mul3A_107 : vector<16xi32>
      %add3A_109 = arith.constant 0 : i32
      %add3A_110 = vector.broadcast %add3A_109 : i32 to vector<16xi32>
      %add3A_111 = arith.addi %mul3A_108, %add3A_110 : vector<16xi32>
      %gather3A = tpu.vector_load_idx %arg7[%add3A_111] : memref<256xf32, #tpu.memory_space<vmem>>[vector<16xi32>], vector<16xf32>,
      %mul3A_112 = arith.constant 16 : i32
      %mul3A_113 = arith.muli %scan3A_101, %mul3A_112 : i32
      %swap3A_114 = arith.constant 0 : i32
      %swap3A_115 = arith.index_cast %swap3A_114 : i32 to index
      %swap3A_116 = arith.index_cast %mul3A_113 : i32 to index
      %swap3A_117 = tpu.vector_load %arg8[%swap3A_115, %swap3A_116] {strides = array<i32>} : memref<32x512xf32, #tpu.memory_space<vmem>>, vector<16xf32>,
      tpu.vector_store %arg8[%swap3A_115, %swap3A_116], %gather3A {strides = array<i32>} : memref<32x512xf32, #tpu.memory_space<vmem>>, vector<16xf32>,
      %add3A_118 = arith.constant 1 : i32
      %add3A_119 = vector.broadcast %add3A_118 : i32 to vector<16xi32>
      %add3A_120 = arith.addi %mul3A_108, %add3A_119 : vector<16xi32>
      %gather3A_121 = tpu.vector_load_idx %arg7[%add3A_120] : memref<256xf32, #tpu.memory_space<vmem>>[vector<16xi32>], vector<16xf32>,
      %mul3A_122 = arith.constant 16 : i32
      %mul3A_123 = arith.muli %scan3A_101, %mul3A_122 : i32
      %swap3A_124 = arith.constant 1 : i32
      %swap3A_125 = arith.index_cast %swap3A_124 : i32 to index
      %swap3A_126 = arith.index_cast %mul3A_123 : i32 to index
      %swap3A_127 = tpu.vector_load %arg8[%swap3A_125, %swap3A_126] {strides = array<i32>} : memref<32x512xf32, #tpu.memory_space<vmem>>, vector<16xf32>,
      tpu.vector_store %arg8[%swap3A_125, %swap3A_126], %gather3A_121 {strides = array<i32>} : memref<32x512xf32, #tpu.memory_space<vmem>>, vector<16xf32>,
      %add3A_128 = arith.constant 2 : i32
      %add3A_129 = vector.broadcast %add3A_128 : i32 to vector<16xi32>
      %add3A_130 = arith.addi %mul3A_108, %add3A_129 : vector<16xi32>
      %gather3A_131 = tpu.vector_load_idx %arg7[%add3A_130] : memref<256xf32, #tpu.memory_space<vmem>>[vector<16xi32>], vector<16xf32>,
      %mul3A_132 = arith.constant 16 : i32
      %mul3A_133 = arith.muli %scan3A_101, %mul3A_132 : i32
      %swap3A_134 = arith.constant 2 : i32
      %swap3A_135 = arith.index_cast %swap3A_134 : i32 to index
      %swap3A_136 = arith.index_cast %mul3A_133 : i32 to index
      %swap3A_137 = tpu.vector_load %arg8[%swap3A_135, %swap3A_136] {strides = array<i32>} : memref<32x512xf32, #tpu.memory_space<vmem>>, vector<16xf32>,
      tpu.vector_store %arg8[%swap3A_135, %swap3A_136], %gather3A_131 {strides = array<i32>} : memref<32x512xf32, #tpu.memory_space<vmem>>, vector<16xf32>,
      %add3A_138 = arith.constant 3 : i32
      %add3A_139 = vector.broadcast %add3A_138 : i32 to vector<16xi32>
      %add3A_140 = arith.addi %mul3A_108, %add3A_139 : vector<16xi32>
      %gather3A_141 = tpu.vector_load_idx %arg7[%add3A_140] : memref<256xf32, #tpu.memory_space<vmem>>[vector<16xi32>], vector<16xf32>,
      %mul3A_142 = arith.constant 16 : i32
      %mul3A_143 = arith.muli %scan3A_101, %mul3A_142 : i32
      %swap3A_144 = arith.constant 3 : i32
      %swap3A_145 = arith.index_cast %swap3A_144 : i32 to index
      %swap3A_146 = arith.index_cast %mul3A_143 : i32 to index
      %swap3A_147 = tpu.vector_load %arg8[%swap3A_145, %swap3A_146] {strides = array<i32>} : memref<32x512xf32, #tpu.memory_space<vmem>>, vector<16xf32>,
      tpu.vector_store %arg8[%swap3A_145, %swap3A_146], %gather3A_141 {strides = array<i32>} : memref<32x512xf32, #tpu.memory_space<vmem>>, vector<16xf32>,
      %add3A_148 = arith.constant 4 : i32
      %add3A_149 = vector.broadcast %add3A_148 : i32 to vector<16xi32>
      %add3A_150 = arith.addi %mul3A_108, %add3A_149 : vector<16xi32>
      %gather3A_151 = tpu.vector_load_idx %arg7[%add3A_150] : memref<256xf32, #tpu.memory_space<vmem>>[vector<16xi32>], vector<16xf32>,
      %mul3A_152 = arith.constant 16 : i32
      %mul3A_153 = arith.muli %scan3A_101, %mul3A_152 : i32
      %swap3A_154 = arith.constant 4 : i32
      %swap3A_155 = arith.index_cast %swap3A_154 : i32 to index
      %swap3A_156 = arith.index_cast %mul3A_153 : i32 to index
      %swap3A_157 = tpu.vector_load %arg8[%swap3A_155, %swap3A_156] {strides = array<i32>} : memref<32x512xf32, #tpu.memory_space<vmem>>, vector<16xf32>,
      tpu.vector_store %arg8[%swap3A_155, %swap3A_156], %gather3A_151 {strides = array<i32>} : memref<32x512xf32, #tpu.memory_space<vmem>>, vector<16xf32>,
      %add3A_158 = arith.constant 5 : i32
      %add3A_159 = vector.broadcast %add3A_158 : i32 to vector<16xi32>
      %add3A_160 = arith.addi %mul3A_108, %add3A_159 : vector<16xi32>
      %gather3A_161 = tpu.vector_load_idx %arg7[%add3A_160] : memref<256xf32, #tpu.memory_space<vmem>>[vector<16xi32>], vector<16xf32>,
      %mul3A_162 = arith.constant 16 : i32
      %mul3A_163 = arith.muli %scan3A_101, %mul3A_162 : i32
      %swap3A_164 = arith.constant 5 : i32
      %swap3A_165 = arith.index_cast %swap3A_164 : i32 to index
      %swap3A_166 = arith.index_cast %mul3A_163 : i32 to index
      %swap3A_167 = tpu.vector_load %arg8[%swap3A_165, %swap3A_166] {strides = array<i32>} : memref<32x512xf32, #tpu.memory_space<vmem>>, vector<16xf32>,
      tpu.vector_store %arg8[%swap3A_165, %swap3A_166], %gather3A_161 {strides = array<i32>} : memref<32x512xf32, #tpu.memory_space<vmem>>, vector<16xf32>,
      %add3A_168 = arith.constant 6 : i32
      %add3A_169 = vector.broadcast %add3A_168 : i32 to vector<16xi32>
      %add3A_170 = arith.addi %mul3A_108, %add3A_169 : vector<16xi32>
      %gather3A_171 = tpu.vector_load_idx %arg7[%add3A_170] : memref<256xf32, #tpu.memory_space<vmem>>[vector<16xi32>], vector<16xf32>,
      %mul3A_172 = arith.constant 16 : i32
      %mul3A_173 = arith.muli %scan3A_101, %mul3A_172 : i32
      %swap3A_174 = arith.constant 6 : i32
      %swap3A_175 = arith.index_cast %swap3A_174 : i32 to index
      %swap3A_176 = arith.index_cast %mul3A_173 : i32 to index
      %swap3A_177 = tpu.vector_load %arg8[%swap3A_175, %swap3A_176] {strides = array<i32>} : memref<32x512xf32, #tpu.memory_space<vmem>>, vector<16xf32>,
      tpu.vector_store %arg8[%swap3A_175, %swap3A_176], %gather3A_171 {strides = array<i32>} : memref<32x512xf32, #tpu.memory_space<vmem>>, vector<16xf32>,
      %add3A_178 = arith.constant 7 : i32
      %add3A_179 = vector.broadcast %add3A_178 : i32 to vector<16xi32>
      %add3A_180 = arith.addi %mul3A_108, %add3A_179 : vector<16xi32>
      %gather3A_181 = tpu.vector_load_idx %arg7[%add3A_180] : memref<256xf32, #tpu.memory_space<vmem>>[vector<16xi32>], vector<16xf32>,
      %mul3A_182 = arith.constant 16 : i32
      %mul3A_183 = arith.muli %scan3A_101, %mul3A_182 : i32
      %swap3A_184 = arith.constant 7 : i32
      %swap3A_185 = arith.index_cast %swap3A_184 : i32 to index
      %swap3A_186 = arith.index_cast %mul3A_183 : i32 to index
      %swap3A_187 = tpu.vector_load %arg8[%swap3A_185, %swap3A_186] {strides = array<i32>} : memref<32x512xf32, #tpu.memory_space<vmem>>, vector<16xf32>,
      tpu.vector_store %arg8[%swap3A_185, %swap3A_186], %gather3A_181 {strides = array<i32>} : memref<32x512xf32, #tpu.memory_space<vmem>>, vector<16xf32>,
      %add3A_188 = arith.constant 8 : i32
      %add3A_189 = vector.broadcast %add3A_188 : i32 to vector<16xi32>
      %add3A_190 = arith.addi %mul3A_108, %add3A_189 : vector<16xi32>
      %gather3A_191 = tpu.vector_load_idx %arg7[%add3A_190] : memref<256xf32, #tpu.memory_space<vmem>>[vector<16xi32>], vector<16xf32>,
      %mul3A_192 = arith.constant 16 : i32
      %mul3A_193 = arith.muli %scan3A_101, %mul3A_192 : i32
      %swap3A_194 = arith.constant 8 : i32
      %swap3A_195 = arith.index_cast %swap3A_194 : i32 to index
      %swap3A_196 = arith.index_cast %mul3A_193 : i32 to index
      %swap3A_197 = tpu.vector_load %arg8[%swap3A_195, %swap3A_196] {strides = array<i32>} : memref<32x512xf32, #tpu.memory_space<vmem>>, vector<16xf32>,
      tpu.vector_store %arg8[%swap3A_195, %swap3A_196], %gather3A_191 {strides = array<i32>} : memref<32x512xf32, #tpu.memory_space<vmem>>, vector<16xf32>,
      %add3A_198 = arith.constant 9 : i32
      %add3A_199 = vector.broadcast %add3A_198 : i32 to vector<16xi32>
      %add3A_200 = arith.addi %mul3A_108, %add3A_199 : vector<16xi32>
      %gather3A_201 = tpu.vector_load_idx %arg7[%add3A_200] : memref<256xf32, #tpu.memory_space<vmem>>[vector<16xi32>], vector<16xf32>,
      %mul3A_202 = arith.constant 16 : i32
      %mul3A_203 = arith.muli %scan3A_101, %mul3A_202 : i32
      %swap3A_204 = arith.constant 9 : i32
      %swap3A_205 = arith.index_cast %swap3A_204 : i32 to index
      %swap3A_206 = arith.index_cast %mul3A_203 : i32 to index
      %swap3A_207 = tpu.vector_load %arg8[%swap3A_205, %swap3A_206] {strides = array<i32>} : memref<32x512xf32, #tpu.memory_space<vmem>>, vector<16xf32>,
      tpu.vector_store %arg8[%swap3A_205, %swap3A_206], %gather3A_201 {strides = array<i32>} : memref<32x512xf32, #tpu.memory_space<vmem>>, vector<16xf32>,
      %add3A_208 = arith.constant 10 : i32
      %add3A_209 = vector.broadcast %add3A_208 : i32 to vector<16xi32>
      %add3A_210 = arith.addi %mul3A_108, %add3A_209 : vector<16xi32>
      %gather3A_211 = tpu.vector_load_idx %arg7[%add3A_210] : memref<256xf32, #tpu.memory_space<vmem>>[vector<16xi32>], vector<16xf32>,
      %mul3A_212 = arith.constant 16 : i32
      %mul3A_213 = arith.muli %scan3A_101, %mul3A_212 : i32
      %swap3A_214 = arith.constant 10 : i32
      %swap3A_215 = arith.index_cast %swap3A_214 : i32 to index
      %swap3A_216 = arith.index_cast %mul3A_213 : i32 to index
      %swap3A_217 = tpu.vector_load %arg8[%swap3A_215, %swap3A_216] {strides = array<i32>} : memref<32x512xf32, #tpu.memory_space<vmem>>, vector<16xf32>,
      tpu.vector_store %arg8[%swap3A_215, %swap3A_216], %gather3A_211 {strides = array<i32>} : memref<32x512xf32, #tpu.memory_space<vmem>>, vector<16xf32>,
      %add3A_218 = arith.constant 11 : i32
      %add3A_219 = vector.broadcast %add3A_218 : i32 to vector<16xi32>
      %add3A_220 = arith.addi %mul3A_108, %add3A_219 : vector<16xi32>
      %gather3A_221 = tpu.vector_load_idx %arg7[%add3A_220] : memref<256xf32, #tpu.memory_space<vmem>>[vector<16xi32>], vector<16xf32>,
      %mul3A_222 = arith.constant 16 : i32
      %mul3A_223 = arith.muli %scan3A_101, %mul3A_222 : i32
      %swap3A_224 = arith.constant 11 : i32
      %swap3A_225 = arith.index_cast %swap3A_224 : i32 to index
      %swap3A_226 = arith.index_cast %mul3A_223 : i32 to index
      %swap3A_227 = tpu.vector_load %arg8[%swap3A_225, %swap3A_226] {strides = array<i32>} : memref<32x512xf32, #tpu.memory_space<vmem>>, vector<16xf32>,
      tpu.vector_store %arg8[%swap3A_225, %swap3A_226], %gather3A_221 {strides = array<i32>} : memref<32x512xf32, #tpu.memory_space<vmem>>, vector<16xf32>,
      %add3A_228 = arith.constant 12 : i32
      %add3A_229 = vector.broadcast %add3A_228 : i32 to vector<16xi32>
      %add3A_230 = arith.addi %mul3A_108, %add3A_229 : vector<16xi32>
      %gather3A_231 = tpu.vector_load_idx %arg7[%add3A_230] : memref<256xf32, #tpu.memory_space<vmem>>[vector<16xi32>], vector<16xf32>,
      %mul3A_232 = arith.constant 16 : i32
      %mul3A_233 = arith.muli %scan3A_101, %mul3A_232 : i32
      %swap3A_234 = arith.constant 12 : i32
      %swap3A_235 = arith.index_cast %swap3A_234 : i32 to index
      %swap3A_236 = arith.index_cast %mul3A_233 : i32 to index
      %swap3A_237 = tpu.vector_load %arg8[%swap3A_235, %swap3A_236] {strides = array<i32>} : memref<32x512xf32, #tpu.memory_space<vmem>>, vector<16xf32>,
      tpu.vector_store %arg8[%swap3A_235, %swap3A_236], %gather3A_231 {strides = array<i32>} : memref<32x512xf32, #tpu.memory_space<vmem>>, vector<16xf32>,
      %add3A_238 = arith.constant 13 : i32
      %add3A_239 = vector.broadcast %add3A_238 : i32 to vector<16xi32>
      %add3A_240 = arith.addi %mul3A_108, %add3A_239 : vector<16xi32>
      %gather3A_241 = tpu.vector_load_idx %arg7[%add3A_240] : memref<256xf32, #tpu.memory_space<vmem>>[vector<16xi32>], vector<16xf32>,
      %mul3A_242 = arith.constant 16 : i32
      %mul3A_243 = arith.muli %scan3A_101, %mul3A_242 : i32
      %swap3A_244 = arith.constant 13 : i32
      %swap3A_245 = arith.index_cast %swap3A_244 : i32 to index
      %swap3A_246 = arith.index_cast %mul3A_243 : i32 to index
      %swap3A_247 = tpu.vector_load %arg8[%swap3A_245, %swap3A_246] {strides = array<i32>} : memref<32x512xf32, #tpu.memory_space<vmem>>, vector<16xf32>,
      tpu.vector_store %arg8[%swap3A_245, %swap3A_246], %gather3A_241 {strides = array<i32>} : memref<32x512xf32, #tpu.memory_space<vmem>>, vector<16xf32>,
      %add3A_248 = arith.constant 14 : i32
      %add3A_249 = vector.broadcast %add3A_248 : i32 to vector<16xi32>
      %add3A_250 = arith.addi %mul3A_108, %add3A_249 : vector<16xi32>
      %gather3A_251 = tpu.vector_load_idx %arg7[%add3A_250] : memref<256xf32, #tpu.memory_space<vmem>>[vector<16xi32>], vector<16xf32>,
      %mul3A_252 = arith.constant 16 : i32
      %mul3A_253 = arith.muli %scan3A_101, %mul3A_252 : i32
      %swap3A_254 = arith.constant 14 : i32
      %swap3A_255 = arith.index_cast %swap3A_254 : i32 to index
      %swap3A_256 = arith.index_cast %mul3A_253 : i32 to index
      %swap3A_257 = tpu.vector_load %arg8[%swap3A_255, %swap3A_256] {strides = array<i32>} : memref<32x512xf32, #tpu.memory_space<vmem>>, vector<16xf32>,
      tpu.vector_store %arg8[%swap3A_255, %swap3A_256], %gather3A_251 {strides = array<i32>} : memref<32x512xf32, #tpu.memory_space<vmem>>, vector<16xf32>,
      %add3A_258 = arith.constant 15 : i32
      %add3A_259 = vector.broadcast %add3A_258 : i32 to vector<16xi32>
      %add3A_260 = arith.addi %mul3A_108, %add3A_259 : vector<16xi32>
      %gather3A_261 = tpu.vector_load_idx %arg7[%add3A_260] : memref<256xf32, #tpu.memory_space<vmem>>[vector<16xi32>], vector<16xf32>,
      %mul3A_262 = arith.constant 16 : i32
      %mul3A_263 = arith.muli %scan3A_101, %mul3A_262 : i32
      %swap3A_264 = arith.constant 15 : i32
      %swap3A_265 = arith.index_cast %swap3A_264 : i32 to index
      %swap3A_266 = arith.index_cast %mul3A_263 : i32 to index
      %swap3A_267 = tpu.vector_load %arg8[%swap3A_265, %swap3A_266] {strides = array<i32>} : memref<32x512xf32, #tpu.memory_space<vmem>>, vector<16xf32>,
      tpu.vector_store %arg8[%swap3A_265, %swap3A_266], %gather3A_261 {strides = array<i32>} : memref<32x512xf32, #tpu.memory_space<vmem>>, vector<16xf32>,
      %add3A_268 = arith.constant 16 : i32
      %add3A_269 = vector.broadcast %add3A_268 : i32 to vector<16xi32>
      %add3A_270 = arith.addi %mul3A_108, %add3A_269 : vector<16xi32>
      %gather3A_271 = tpu.vector_load_idx %arg7[%add3A_270] : memref<256xf32, #tpu.memory_space<vmem>>[vector<16xi32>], vector<16xf32>,
      %mul3A_272 = arith.constant 16 : i32
      %mul3A_273 = arith.muli %scan3A_101, %mul3A_272 : i32
      %swap3A_274 = arith.constant 16 : i32
      %swap3A_275 = arith.index_cast %swap3A_274 : i32 to index
      %swap3A_276 = arith.index_cast %mul3A_273 : i32 to index
      %swap3A_277 = tpu.vector_load %arg8[%swap3A_275, %swap3A_276] {strides = array<i32>} : memref<32x512xf32, #tpu.memory_space<vmem>>, vector<16xf32>,
      tpu.vector_store %arg8[%swap3A_275, %swap3A_276], %gather3A_271 {strides = array<i32>} : memref<32x512xf32, #tpu.memory_space<vmem>>, vector<16xf32>,
      %add3A_278 = arith.constant 17 : i32
      %add3A_279 = vector.broadcast %add3A_278 : i32 to vector<16xi32>
      %add3A_280 = arith.addi %mul3A_108, %add3A_279 : vector<16xi32>
      %gather3A_281 = tpu.vector_load_idx %arg7[%add3A_280] : memref<256xf32, #tpu.memory_space<vmem>>[vector<16xi32>], vector<16xf32>,
      %mul3A_282 = arith.constant 16 : i32
      %mul3A_283 = arith.muli %scan3A_101, %mul3A_282 : i32
      %swap3A_284 = arith.constant 17 : i32
      %swap3A_285 = arith.index_cast %swap3A_284 : i32 to index
      %swap3A_286 = arith.index_cast %mul3A_283 : i32 to index
      %swap3A_287 = tpu.vector_load %arg8[%swap3A_285, %swap3A_286] {strides = array<i32>} : memref<32x512xf32, #tpu.memory_space<vmem>>, vector<16xf32>,
      tpu.vector_store %arg8[%swap3A_285, %swap3A_286], %gather3A_281 {strides = array<i32>} : memref<32x512xf32, #tpu.memory_space<vmem>>, vector<16xf32>,
      %add3A_288 = arith.constant 18 : i32
      %add3A_289 = vector.broadcast %add3A_288 : i32 to vector<16xi32>
      %add3A_290 = arith.addi %mul3A_108, %add3A_289 : vector<16xi32>
      %gather3A_291 = tpu.vector_load_idx %arg7[%add3A_290] : memref<256xf32, #tpu.memory_space<vmem>>[vector<16xi32>], vector<16xf32>,
      %mul3A_292 = arith.constant 16 : i32
      %mul3A_293 = arith.muli %scan3A_101, %mul3A_292 : i32
      %swap3A_294 = arith.constant 18 : i32
      %swap3A_295 = arith.index_cast %swap3A_294 : i32 to index
      %swap3A_296 = arith.index_cast %mul3A_293 : i32 to index
      %swap3A_297 = tpu.vector_load %arg8[%swap3A_295, %swap3A_296] {strides = array<i32>} : memref<32x512xf32, #tpu.memory_space<vmem>>, vector<16xf32>,
      tpu.vector_store %arg8[%swap3A_295, %swap3A_296], %gather3A_291 {strides = array<i32>} : memref<32x512xf32, #tpu.memory_space<vmem>>, vector<16xf32>,
      %add3A_298 = arith.constant 19 : i32
      %add3A_299 = vector.broadcast %add3A_298 : i32 to vector<16xi32>
      %add3A_300 = arith.addi %mul3A_108, %add3A_299 : vector<16xi32>
      %gather3A_301 = tpu.vector_load_idx %arg7[%add3A_300] : memref<256xf32, #tpu.memory_space<vmem>>[vector<16xi32>], vector<16xf32>,
      %mul3A_302 = arith.constant 16 : i32
      %mul3A_303 = arith.muli %scan3A_101, %mul3A_302 : i32
      %swap3A_304 = arith.constant 19 : i32
      %swap3A_305 = arith.index_cast %swap3A_304 : i32 to index
      %swap3A_306 = arith.index_cast %mul3A_303 : i32 to index
      %swap3A_307 = tpu.vector_load %arg8[%swap3A_305, %swap3A_306] {strides = array<i32>} : memref<32x512xf32, #tpu.memory_space<vmem>>, vector<16xf32>,
      tpu.vector_store %arg8[%swap3A_305, %swap3A_306], %gather3A_301 {strides = array<i32>} : memref<32x512xf32, #tpu.memory_space<vmem>>, vector<16xf32>,
      %add3A_308 = arith.constant 20 : i32
      %add3A_309 = vector.broadcast %add3A_308 : i32 to vector<16xi32>
      %add3A_310 = arith.addi %mul3A_108, %add3A_309 : vector<16xi32>
      %gather3A_311 = tpu.vector_load_idx %arg7[%add3A_310] : memref<256xf32, #tpu.memory_space<vmem>>[vector<16xi32>], vector<16xf32>,
      %mul3A_312 = arith.constant 16 : i32
      %mul3A_313 = arith.muli %scan3A_101, %mul3A_312 : i32
      %swap3A_314 = arith.constant 20 : i32
      %swap3A_315 = arith.index_cast %swap3A_314 : i32 to index
      %swap3A_316 = arith.index_cast %mul3A_313 : i32 to index
      %swap3A_317 = tpu.vector_load %arg8[%swap3A_315, %swap3A_316] {strides = array<i32>} : memref<32x512xf32, #tpu.memory_space<vmem>>, vector<16xf32>,
      tpu.vector_store %arg8[%swap3A_315, %swap3A_316], %gather3A_311 {strides = array<i32>} : memref<32x512xf32, #tpu.memory_space<vmem>>, vector<16xf32>,
      %add3A_318 = arith.constant 21 : i32
      %add3A_319 = vector.broadcast %add3A_318 : i32 to vector<16xi32>
      %add3A_320 = arith.addi %mul3A_108, %add3A_319 : vector<16xi32>
      %gather3A_321 = tpu.vector_load_idx %arg7[%add3A_320] : memref<256xf32, #tpu.memory_space<vmem>>[vector<16xi32>], vector<16xf32>,
      %mul3A_322 = arith.constant 16 : i32
      %mul3A_323 = arith.muli %scan3A_101, %mul3A_322 : i32
      %swap3A_324 = arith.constant 21 : i32
      %swap3A_325 = arith.index_cast %swap3A_324 : i32 to index
      %swap3A_326 = arith.index_cast %mul3A_323 : i32 to index
      %swap3A_327 = tpu.vector_load %arg8[%swap3A_325, %swap3A_326] {strides = array<i32>} : memref<32x512xf32, #tpu.memory_space<vmem>>, vector<16xf32>,
      tpu.vector_store %arg8[%swap3A_325, %swap3A_326], %gather3A_321 {strides = array<i32>} : memref<32x512xf32, #tpu.memory_space<vmem>>, vector<16xf32>,
      %add3A_328 = arith.constant 22 : i32
      %add3A_329 = vector.broadcast %add3A_328 : i32 to vector<16xi32>
      %add3A_330 = arith.addi %mul3A_108, %add3A_329 : vector<16xi32>
      %gather3A_331 = tpu.vector_load_idx %arg7[%add3A_330] : memref<256xf32, #tpu.memory_space<vmem>>[vector<16xi32>], vector<16xf32>,
      %mul3A_332 = arith.constant 16 : i32
      %mul3A_333 = arith.muli %scan3A_101, %mul3A_332 : i32
      %swap3A_334 = arith.constant 22 : i32
      %swap3A_335 = arith.index_cast %swap3A_334 : i32 to index
      %swap3A_336 = arith.index_cast %mul3A_333 : i32 to index
      %swap3A_337 = tpu.vector_load %arg8[%swap3A_335, %swap3A_336] {strides = array<i32>} : memref<32x512xf32, #tpu.memory_space<vmem>>, vector<16xf32>,
      tpu.vector_store %arg8[%swap3A_335, %swap3A_336], %gather3A_331 {strides = array<i32>} : memref<32x512xf32, #tpu.memory_space<vmem>>, vector<16xf32>,
      %add3A_338 = arith.constant 23 : i32
      %add3A_339 = vector.broadcast %add3A_338 : i32 to vector<16xi32>
      %add3A_340 = arith.addi %mul3A_108, %add3A_339 : vector<16xi32>
      %gather3A_341 = tpu.vector_load_idx %arg7[%add3A_340] : memref<256xf32, #tpu.memory_space<vmem>>[vector<16xi32>], vector<16xf32>,
      %mul3A_342 = arith.constant 16 : i32
      %mul3A_343 = arith.muli %scan3A_101, %mul3A_342 : i32
      %swap3A_344 = arith.constant 23 : i32
      %swap3A_345 = arith.index_cast %swap3A_344 : i32 to index
      %swap3A_346 = arith.index_cast %mul3A_343 : i32 to index
      %swap3A_347 = tpu.vector_load %arg8[%swap3A_345, %swap3A_346] {strides = array<i32>} : memref<32x512xf32, #tpu.memory_space<vmem>>, vector<16xf32>,
      tpu.vector_store %arg8[%swap3A_345, %swap3A_346], %gather3A_341 {strides = array<i32>} : memref<32x512xf32, #tpu.memory_space<vmem>>, vector<16xf32>,
      %add3A_348 = arith.constant 24 : i32
      %add3A_349 = vector.broadcast %add3A_348 : i32 to vector<16xi32>
      %add3A_350 = arith.addi %mul3A_108, %add3A_349 : vector<16xi32>
      %gather3A_351 = tpu.vector_load_idx %arg7[%add3A_350] : memref<256xf32, #tpu.memory_space<vmem>>[vector<16xi32>], vector<16xf32>,
      %mul3A_352 = arith.constant 16 : i32
      %mul3A_353 = arith.muli %scan3A_101, %mul3A_352 : i32
      %swap3A_354 = arith.constant 24 : i32
      %swap3A_355 = arith.index_cast %swap3A_354 : i32 to index
      %swap3A_356 = arith.index_cast %mul3A_353 : i32 to index
      %swap3A_357 = tpu.vector_load %arg8[%swap3A_355, %swap3A_356] {strides = array<i32>} : memref<32x512xf32, #tpu.memory_space<vmem>>, vector<16xf32>,
      tpu.vector_store %arg8[%swap3A_355, %swap3A_356], %gather3A_351 {strides = array<i32>} : memref<32x512xf32, #tpu.memory_space<vmem>>, vector<16xf32>,
      %add3A_358 = arith.constant 25 : i32
      %add3A_359 = vector.broadcast %add3A_358 : i32 to vector<16xi32>
      %add3A_360 = arith.addi %mul3A_108, %add3A_359 : vector<16xi32>
      %gather3A_361 = tpu.vector_load_idx %arg7[%add3A_360] : memref<256xf32, #tpu.memory_space<vmem>>[vector<16xi32>], vector<16xf32>,
      %mul3A_362 = arith.constant 16 : i32
      %mul3A_363 = arith.muli %scan3A_101, %mul3A_362 : i32
      %swap3A_364 = arith.constant 25 : i32
      %swap3A_365 = arith.index_cast %swap3A_364 : i32 to index
      %swap3A_366 = arith.index_cast %mul3A_363 : i32 to index
      %swap3A_367 = tpu.vector_load %arg8[%swap3A_365, %swap3A_366] {strides = array<i32>} : memref<32x512xf32, #tpu.memory_space<vmem>>, vector<16xf32>,
      tpu.vector_store %arg8[%swap3A_365, %swap3A_366], %gather3A_361 {strides = array<i32>} : memref<32x512xf32, #tpu.memory_space<vmem>>, vector<16xf32>,
      %add3A_368 = arith.constant 26 : i32
      %add3A_369 = vector.broadcast %add3A_368 : i32 to vector<16xi32>
      %add3A_370 = arith.addi %mul3A_108, %add3A_369 : vector<16xi32>
      %gather3A_371 = tpu.vector_load_idx %arg7[%add3A_370] : memref<256xf32, #tpu.memory_space<vmem>>[vector<16xi32>], vector<16xf32>,
      %mul3A_372 = arith.constant 16 : i32
      %mul3A_373 = arith.muli %scan3A_101, %mul3A_372 : i32
      %swap3A_374 = arith.constant 26 : i32
      %swap3A_375 = arith.index_cast %swap3A_374 : i32 to index
      %swap3A_376 = arith.index_cast %mul3A_373 : i32 to index
      %swap3A_377 = tpu.vector_load %arg8[%swap3A_375, %swap3A_376] {strides = array<i32>} : memref<32x512xf32, #tpu.memory_space<vmem>>, vector<16xf32>,
      tpu.vector_store %arg8[%swap3A_375, %swap3A_376], %gather3A_371 {strides = array<i32>} : memref<32x512xf32, #tpu.memory_space<vmem>>, vector<16xf32>,
      %add3A_378 = arith.constant 27 : i32
      %add3A_379 = vector.broadcast %add3A_378 : i32 to vector<16xi32>
      %add3A_380 = arith.addi %mul3A_108, %add3A_379 : vector<16xi32>
      %gather3A_381 = tpu.vector_load_idx %arg7[%add3A_380] : memref<256xf32, #tpu.memory_space<vmem>>[vector<16xi32>], vector<16xf32>,
      %mul3A_382 = arith.constant 16 : i32
      %mul3A_383 = arith.muli %scan3A_101, %mul3A_382 : i32
      %swap3A_384 = arith.constant 27 : i32
      %swap3A_385 = arith.index_cast %swap3A_384 : i32 to index
      %swap3A_386 = arith.index_cast %mul3A_383 : i32 to index
      %swap3A_387 = tpu.vector_load %arg8[%swap3A_385, %swap3A_386] {strides = array<i32>} : memref<32x512xf32, #tpu.memory_space<vmem>>, vector<16xf32>,
      tpu.vector_store %arg8[%swap3A_385, %swap3A_386], %gather3A_381 {strides = array<i32>} : memref<32x512xf32, #tpu.memory_space<vmem>>, vector<16xf32>,
      %add3A_388 = arith.constant 28 : i32
      %add3A_389 = vector.broadcast %add3A_388 : i32 to vector<16xi32>
      %add3A_390 = arith.addi %mul3A_108, %add3A_389 : vector<16xi32>
      %gather3A_391 = tpu.vector_load_idx %arg7[%add3A_390] : memref<256xf32, #tpu.memory_space<vmem>>[vector<16xi32>], vector<16xf32>,
      %mul3A_392 = arith.constant 16 : i32
      %mul3A_393 = arith.muli %scan3A_101, %mul3A_392 : i32
      %swap3A_394 = arith.constant 28 : i32
      %swap3A_395 = arith.index_cast %swap3A_394 : i32 to index
      %swap3A_396 = arith.index_cast %mul3A_393 : i32 to index
      %swap3A_397 = tpu.vector_load %arg8[%swap3A_395, %swap3A_396] {strides = array<i32>} : memref<32x512xf32, #tpu.memory_space<vmem>>, vector<16xf32>,
      tpu.vector_store %arg8[%swap3A_395, %swap3A_396], %gather3A_391 {strides = array<i32>} : memref<32x512xf32, #tpu.memory_space<vmem>>, vector<16xf32>,
      %add3A_398 = arith.constant 29 : i32
      %add3A_399 = vector.broadcast %add3A_398 : i32 to vector<16xi32>
      %add3A_400 = arith.addi %mul3A_108, %add3A_399 : vector<16xi32>
      %gather3A_401 = tpu.vector_load_idx %arg7[%add3A_400] : memref<256xf32, #tpu.memory_space<vmem>>[vector<16xi32>], vector<16xf32>,
      %mul3A_402 = arith.constant 16 : i32
      %mul3A_403 = arith.muli %scan3A_101, %mul3A_402 : i32
      %swap3A_404 = arith.constant 29 : i32
      %swap3A_405 = arith.index_cast %swap3A_404 : i32 to index
      %swap3A_406 = arith.index_cast %mul3A_403 : i32 to index
      %swap3A_407 = tpu.vector_load %arg8[%swap3A_405, %swap3A_406] {strides = array<i32>} : memref<32x512xf32, #tpu.memory_space<vmem>>, vector<16xf32>,
      tpu.vector_store %arg8[%swap3A_405, %swap3A_406], %gather3A_401 {strides = array<i32>} : memref<32x512xf32, #tpu.memory_space<vmem>>, vector<16xf32>,
      %add3A_408 = arith.constant 30 : i32
      %add3A_409 = vector.broadcast %add3A_408 : i32 to vector<16xi32>
      %add3A_410 = arith.addi %mul3A_108, %add3A_409 : vector<16xi32>
      %gather3A_411 = tpu.vector_load_idx %arg7[%add3A_410] : memref<256xf32, #tpu.memory_space<vmem>>[vector<16xi32>], vector<16xf32>,
      %mul3A_412 = arith.constant 16 : i32
      %mul3A_413 = arith.muli %scan3A_101, %mul3A_412 : i32
      %swap3A_414 = arith.constant 30 : i32
      %swap3A_415 = arith.index_cast %swap3A_414 : i32 to index
      %swap3A_416 = arith.index_cast %mul3A_413 : i32 to index
      %swap3A_417 = tpu.vector_load %arg8[%swap3A_415, %swap3A_416] {strides = array<i32>} : memref<32x512xf32, #tpu.memory_space<vmem>>, vector<16xf32>,
      tpu.vector_store %arg8[%swap3A_415, %swap3A_416], %gather3A_411 {strides = array<i32>} : memref<32x512xf32, #tpu.memory_space<vmem>>, vector<16xf32>,
      %add3A_418 = arith.constant 31 : i32
      %add3A_419 = vector.broadcast %add3A_418 : i32 to vector<16xi32>
      %add3A_420 = arith.addi %mul3A_108, %add3A_419 : vector<16xi32>
      %gather3A_421 = tpu.vector_load_idx %arg7[%add3A_420] : memref<256xf32, #tpu.memory_space<vmem>>[vector<16xi32>], vector<16xf32>,
      %mul3A_422 = arith.constant 16 : i32
      %mul3A_423 = arith.muli %scan3A_101, %mul3A_422 : i32
      %swap3A_424 = arith.constant 31 : i32
      %swap3A_425 = arith.index_cast %swap3A_424 : i32 to index
      %swap3A_426 = arith.index_cast %mul3A_423 : i32 to index
      %swap3A_427 = tpu.vector_load %arg8[%swap3A_425, %swap3A_426] {strides = array<i32>} : memref<32x512xf32, #tpu.memory_space<vmem>>, vector<16xf32>,
      tpu.vector_store %arg8[%swap3A_425, %swap3A_426], %gather3A_421 {strides = array<i32>} : memref<32x512xf32, #tpu.memory_space<vmem>>, vector<16xf32>,
    }
    %scan3A_100 = arith.constant 32 : i32
    "tpu.region"() ({
      %run_scoped3A = tpu.sem_alloc : memref<!tpu.dma_semaphore, #tpu.memory_space<semaphore_mem>>
      %dma_start3A = arith.constant 0 : i32
      %dma_start3A_101 = tpu.memref_slice %arg4[%dma_start3A, %mul3A_2] : memref<32x16384xf32, #tpu.memory_space<hbm>> -> memref<32x512xf32, #tpu.memory_space<hbm>>
      %dma_start3A_102 = arith.constant 0 : i32
      %dma_start3A_103 = tpu.memref_slice %arg4[%dma_start3A_102, %mul3A_2] : memref<32x16384xf32, #tpu.memory_space<hbm>> -> memref<32x512xf32, #tpu.memory_space<hbm>>
      tpu.enqueue_dma source(%arg8 : memref<32x512xf32, #tpu.memory_space<vmem>>) target(%dma_start3A_103 : memref<32x512xf32, #tpu.memory_space<hbm>>) target_semaphore(%run_scoped3A : memref<!tpu.dma_semaphore, #tpu.memory_space<semaphore_mem>>)
      %dma_wait3A = arith.constant 0 : i32
      %dma_wait3A_104 = tpu.memref_slice %arg4[%dma_wait3A, %mul3A_2] : memref<32x16384xf32, #tpu.memory_space<hbm>> -> memref<32x512xf32, #tpu.memory_space<hbm>>
      %dma_wait3A_105 = arith.constant 0 : i32
      %dma_wait3A_106 = tpu.memref_slice %arg4[%dma_wait3A_105, %mul3A_2] : memref<32x16384xf32, #tpu.memory_space<hbm>> -> memref<32x512xf32, #tpu.memory_space<hbm>>
      tpu.wait_dma2 semaphore(%run_scoped3A : memref<!tpu.dma_semaphore, #tpu.memory_space<semaphore_mem>>) src(%arg8 : memref<32x512xf32, #tpu.memory_space<vmem>>) dst(%dma_wait3A_106 : memref<32x512xf32, #tpu.memory_space<hbm>>)
      tpu.yield
    }) : () -> ()
    return
  }
}

#map = affine_map<(d0, d1) -> (0, 0)>
module attributes {stable_mosaic.version = 14 : i64} {
  func.func @body(%arg0: i32, %arg1: i32, %arg2: memref<32x512xi32, #tpu.memory_space<hbm>>, %arg3: memref<32x100000xf32, #tpu.memory_space<hbm>>, %arg4: memref<32x16384xf32, #tpu.memory_space<hbm>>, %arg5: memref<64x16384xf32, #tpu.memory_space<hbm>>, %arg6: memref<512xi32, #tpu.memory_space<vmem>>, %arg7: memref<64x512xf32, #tpu.memory_space<vmem>>, %arg8: memref<4x100000xf32, #tpu.memory_space<vmem_shared>>, %arg9: memref<4x100000xf32, #tpu.memory_space<vmem_shared>>, %arg10: memref<!tpu.dma_semaphore, #tpu.memory_space<semaphore_mem>>, %arg11: memref<!tpu.dma_semaphore, #tpu.memory_space<semaphore_mem>>) attributes {dimension_semantics = [#tpu.dimension_semantics<core_parallel>, #tpu.dimension_semantics<subcore_parallel>], iteration_bounds = array<i64: 2, 16>, scalar_prefetch = 0 : i64, scratch_operands = 6 : i64, tpu.core_type = #tpu.core_type<sc_vector_subcore>, window_params = [{transform_indices = #map}, {transform_indices = #map}, {transform_indices = #map}, {transform_indices = #map}]} {
    %mul3A = arith.constant 2 : i32
    %mul3A_0 = arith.muli %arg1, %mul3A : i32
    %add3A = arith.addi %mul3A_0, %arg0 : i32
    %mul3A_1 = arith.constant 512 : i32
    %mul3A_2 = arith.muli %add3A, %mul3A_1 : i32
    "tpu.region"() ({
      %run_scoped3A = tpu.sem_alloc : memref<!tpu.dma_semaphore, #tpu.memory_space<semaphore_mem>>
      %dma_start3A_784 = arith.constant 0 : i32
      %dma_start3A_785 = tpu.memref_slice %arg2[%add3A, %dma_start3A_784] : memref<32x512xi32, #tpu.memory_space<hbm>> -> memref<1x512xi32, #tpu.memory_space<hbm>>
      %dma_start3A_786 = tpu.memref_squeeze %dma_start3A_785 : memref<1x512xi32, #tpu.memory_space<hbm>> -> memref<512xi32, #tpu.memory_space<hbm>>
      %dma_start3A_787 = arith.constant 0 : i32
      %dma_start3A_788 = tpu.memref_slice %arg2[%add3A, %dma_start3A_787] : memref<32x512xi32, #tpu.memory_space<hbm>> -> memref<1x512xi32, #tpu.memory_space<hbm>>
      %dma_start3A_789 = tpu.memref_squeeze %dma_start3A_788 : memref<1x512xi32, #tpu.memory_space<hbm>> -> memref<512xi32, #tpu.memory_space<hbm>>
      tpu.enqueue_dma source(%dma_start3A_789 : memref<512xi32, #tpu.memory_space<hbm>>) target(%arg6 : memref<512xi32, #tpu.memory_space<vmem>>) target_semaphore(%run_scoped3A : memref<!tpu.dma_semaphore, #tpu.memory_space<semaphore_mem>>)
      %dma_wait3A_790 = arith.constant 0 : i32
      %dma_wait3A_791 = tpu.memref_slice %arg2[%add3A, %dma_wait3A_790] : memref<32x512xi32, #tpu.memory_space<hbm>> -> memref<1x512xi32, #tpu.memory_space<hbm>>
      %dma_wait3A_792 = tpu.memref_squeeze %dma_wait3A_791 : memref<1x512xi32, #tpu.memory_space<hbm>> -> memref<512xi32, #tpu.memory_space<hbm>>
      %dma_wait3A_793 = arith.constant 0 : i32
      %dma_wait3A_794 = tpu.memref_slice %arg2[%add3A, %dma_wait3A_793] : memref<32x512xi32, #tpu.memory_space<hbm>> -> memref<1x512xi32, #tpu.memory_space<hbm>>
      %dma_wait3A_795 = tpu.memref_squeeze %dma_wait3A_794 : memref<1x512xi32, #tpu.memory_space<hbm>> -> memref<512xi32, #tpu.memory_space<hbm>>
      tpu.wait_dma2 semaphore(%run_scoped3A : memref<!tpu.dma_semaphore, #tpu.memory_space<semaphore_mem>>) src(%dma_wait3A_795 : memref<512xi32, #tpu.memory_space<hbm>>) dst(%arg6 : memref<512xi32, #tpu.memory_space<vmem>>)
      tpu.yield
    }) : () -> ()
    "tpu.region"() ({
      %run_scoped3A = tpu.sem_alloc : memref<!tpu.dma_semaphore, #tpu.memory_space<semaphore_mem>>
      %dma_start3A_784 = arith.constant 0 : i32
      %dma_start3A_785 = arith.constant 0 : i32
      %dma_start3A_786 = tpu.memref_slice %arg7[%dma_start3A_784, %dma_start3A_785] : memref<64x512xf32, #tpu.memory_space<vmem>> -> memref<32x512xf32, #tpu.memory_space<vmem>>
      %dma_start3A_787 = arith.constant 0 : i32
      %dma_start3A_788 = tpu.memref_slice %arg4[%dma_start3A_787, %mul3A_2] : memref<32x16384xf32, #tpu.memory_space<hbm>> -> memref<32x512xf32, #tpu.memory_space<hbm>>
      %dma_start3A_789 = arith.constant 0 : i32
      %dma_start3A_790 = arith.constant 0 : i32
      %dma_start3A_791 = tpu.memref_slice %arg7[%dma_start3A_789, %dma_start3A_790] : memref<64x512xf32, #tpu.memory_space<vmem>> -> memref<32x512xf32, #tpu.memory_space<vmem>>
      %dma_start3A_792 = arith.constant 0 : i32
      %dma_start3A_793 = tpu.memref_slice %arg4[%dma_start3A_792, %mul3A_2] : memref<32x16384xf32, #tpu.memory_space<hbm>> -> memref<32x512xf32, #tpu.memory_space<hbm>>
      tpu.enqueue_dma source(%dma_start3A_793 : memref<32x512xf32, #tpu.memory_space<hbm>>) target(%dma_start3A_791 : memref<32x512xf32, #tpu.memory_space<vmem>>) target_semaphore(%run_scoped3A : memref<!tpu.dma_semaphore, #tpu.memory_space<semaphore_mem>>)
      %dma_wait3A_794 = arith.constant 0 : i32
      %dma_wait3A_795 = arith.constant 0 : i32
      %dma_wait3A_796 = tpu.memref_slice %arg7[%dma_wait3A_794, %dma_wait3A_795] : memref<64x512xf32, #tpu.memory_space<vmem>> -> memref<32x512xf32, #tpu.memory_space<vmem>>
      %dma_wait3A_797 = arith.constant 0 : i32
      %dma_wait3A_798 = tpu.memref_slice %arg4[%dma_wait3A_797, %mul3A_2] : memref<32x16384xf32, #tpu.memory_space<hbm>> -> memref<32x512xf32, #tpu.memory_space<hbm>>
      %dma_wait3A_799 = arith.constant 0 : i32
      %dma_wait3A_800 = arith.constant 0 : i32
      %dma_wait3A_801 = tpu.memref_slice %arg7[%dma_wait3A_799, %dma_wait3A_800] : memref<64x512xf32, #tpu.memory_space<vmem>> -> memref<32x512xf32, #tpu.memory_space<vmem>>
      %dma_wait3A_802 = arith.constant 0 : i32
      %dma_wait3A_803 = tpu.memref_slice %arg4[%dma_wait3A_802, %mul3A_2] : memref<32x16384xf32, #tpu.memory_space<hbm>> -> memref<32x512xf32, #tpu.memory_space<hbm>>
      tpu.wait_dma2 semaphore(%run_scoped3A : memref<!tpu.dma_semaphore, #tpu.memory_space<semaphore_mem>>) src(%dma_wait3A_803 : memref<32x512xf32, #tpu.memory_space<hbm>>) dst(%dma_wait3A_801 : memref<32x512xf32, #tpu.memory_space<vmem>>)
      tpu.yield
    }) : () -> ()
    %jit3A = arith.constant 4 : i32
    %div3A = arith.divsi %arg1, %jit3A : i32
    %sign3A = arith.constant 0 : i32
    %sign3A_3 = arith.cmpi sgt, %arg1, %sign3A : i32
    %sign3A_4 = arith.extui %sign3A_3 : i1 to i32
    %sign3A_5 = arith.constant 0 : i32
    %sign3A_6 = arith.cmpi slt, %arg1, %sign3A_5 : i32
    %sign3A_7 = arith.extui %sign3A_6 : i1 to i32
    %sign3A_8 = arith.subi %sign3A_4, %sign3A_7 : i32
    %sign3A_9 = arith.constant 0 : i32
    %sign3A_10 = arith.cmpi sgt, %jit3A, %sign3A_9 : i32
    %sign3A_11 = arith.extui %sign3A_10 : i1 to i32
    %sign3A_12 = arith.constant 0 : i32
    %sign3A_13 = arith.cmpi slt, %jit3A, %sign3A_12 : i32
    %sign3A_14 = arith.extui %sign3A_13 : i1 to i32
    %sign3A_15 = arith.subi %sign3A_11, %sign3A_14 : i32
    %ne3A = arith.cmpi ne, %sign3A_8, %sign3A_15 : i32
    %rem3A = arith.remsi %arg1, %jit3A : i32
    %ne3A_16 = arith.constant 0 : i32
    %ne3A_17 = arith.cmpi ne, %rem3A, %ne3A_16 : i32
    %and3A = arith.andi %ne3A, %ne3A_17 : i1
    %sub3A = arith.constant 1 : i32
    %sub3A_18 = arith.subi %div3A, %sub3A : i32
    %select_n3A = arith.select %and3A, %sub3A_18, %div3A : i32
    %jit3A_19 = arith.constant 4 : i32
    %eq3A = arith.constant 0 : i32
    %eq3A_20 = arith.cmpi eq, %jit3A_19, %eq3A : i32
    %jit3A_21 = arith.constant 1 : i32
    %select_n3A_22 = arith.select %eq3A_20, %jit3A_21, %jit3A_19 : i32
    %rem3A_23 = arith.remsi %arg1, %select_n3A_22 : i32
    %ne3A_24 = arith.constant 0 : i32
    %ne3A_25 = arith.cmpi ne, %rem3A_23, %ne3A_24 : i32
    %lt3A = arith.constant 0 : i32
    %lt3A_26 = arith.cmpi slt, %rem3A_23, %lt3A : i32
    %lt3A_27 = arith.constant 0 : i32
    %lt3A_28 = arith.cmpi slt, %select_n3A_22, %lt3A_27 : i32
    %ne3A_29 = arith.xori %lt3A_26, %lt3A_28 : i1
    %and3A_30 = arith.andi %ne3A_29, %ne3A_25 : i1
    %add3A_31 = arith.addi %rem3A_23, %select_n3A_22 : i32
    %select_n3A_32 = arith.select %and3A_30, %add3A_31, %rem3A_23 : i32
    %mul3A_33 = arith.constant 25000 : i32
    %mul3A_34 = arith.muli %select_n3A_32, %mul3A_33 : i32
    %add3A_35 = arith.constant 0 : i32
    %add3A_36 = arith.addi %add3A_35, %select_n3A : i32
    %dma_start3A = tpu.memref_slice %arg8[%select_n3A, %mul3A_34] : memref<4x100000xf32, #tpu.memory_space<vmem_shared>> -> memref<1x25000xf32, #tpu.memory_space<vmem_shared>>
    %dma_start3A_37 = tpu.memref_squeeze %dma_start3A : memref<1x25000xf32, #tpu.memory_space<vmem_shared>> -> memref<25000xf32, #tpu.memory_space<vmem_shared>>
    %dma_start3A_38 = tpu.memref_slice %arg3[%add3A_36, %mul3A_34] : memref<32x100000xf32, #tpu.memory_space<hbm>> -> memref<1x25000xf32, #tpu.memory_space<hbm>>
    %dma_start3A_39 = tpu.memref_squeeze %dma_start3A_38 : memref<1x25000xf32, #tpu.memory_space<hbm>> -> memref<25000xf32, #tpu.memory_space<hbm>>
    tpu.enqueue_dma source(%dma_start3A_39 : memref<25000xf32, #tpu.memory_space<hbm>>) target(%dma_start3A_37 : memref<25000xf32, #tpu.memory_space<vmem_shared>>) target_semaphore(%arg11 : memref<!tpu.dma_semaphore, #tpu.memory_space<semaphore_mem>>)
    %add3A_40 = arith.constant 0 : i32
    %add3A_41 = arith.addi %add3A_40, %select_n3A : i32
    %dma_wait3A = tpu.memref_slice %arg8[%select_n3A, %mul3A_34] : memref<4x100000xf32, #tpu.memory_space<vmem_shared>> -> memref<1x25000xf32, #tpu.memory_space<vmem_shared>>
    %dma_wait3A_42 = tpu.memref_squeeze %dma_wait3A : memref<1x25000xf32, #tpu.memory_space<vmem_shared>> -> memref<25000xf32, #tpu.memory_space<vmem_shared>>
    %dma_wait3A_43 = tpu.memref_slice %arg3[%add3A_41, %mul3A_34] : memref<32x100000xf32, #tpu.memory_space<hbm>> -> memref<1x25000xf32, #tpu.memory_space<hbm>>
    %dma_wait3A_44 = tpu.memref_squeeze %dma_wait3A_43 : memref<1x25000xf32, #tpu.memory_space<hbm>> -> memref<25000xf32, #tpu.memory_space<hbm>>
    tpu.wait_dma2 semaphore(%arg11 : memref<!tpu.dma_semaphore, #tpu.memory_space<semaphore_mem>>) src(%dma_wait3A_44 : memref<25000xf32, #tpu.memory_space<hbm>>) dst(%dma_wait3A_42 : memref<25000xf32, #tpu.memory_space<vmem_shared>>)
    %barrier3A = arith.constant 0 : index
    tpu.barrier barrier_id(%barrier3A)
    %add3A_45 = arith.constant 4 : i32
    %add3A_46 = arith.addi %add3A_45, %select_n3A : i32
    %dma_start3A_47 = tpu.memref_slice %arg9[%select_n3A, %mul3A_34] : memref<4x100000xf32, #tpu.memory_space<vmem_shared>> -> memref<1x25000xf32, #tpu.memory_space<vmem_shared>>
    %dma_start3A_48 = tpu.memref_squeeze %dma_start3A_47 : memref<1x25000xf32, #tpu.memory_space<vmem_shared>> -> memref<25000xf32, #tpu.memory_space<vmem_shared>>
    %dma_start3A_49 = tpu.memref_slice %arg3[%add3A_46, %mul3A_34] : memref<32x100000xf32, #tpu.memory_space<hbm>> -> memref<1x25000xf32, #tpu.memory_space<hbm>>
    %dma_start3A_50 = tpu.memref_squeeze %dma_start3A_49 : memref<1x25000xf32, #tpu.memory_space<hbm>> -> memref<25000xf32, #tpu.memory_space<hbm>>
    tpu.enqueue_dma source(%dma_start3A_50 : memref<25000xf32, #tpu.memory_space<hbm>>) target(%dma_start3A_48 : memref<25000xf32, #tpu.memory_space<vmem_shared>>) target_semaphore(%arg11 : memref<!tpu.dma_semaphore, #tpu.memory_space<semaphore_mem>>)
    %dma_start3A_51 = arith.constant 0 : i32
    %dma_start3A_52 = arith.constant 32 : i32
    %dma_start3A_53 = arith.constant 0 : i32
    %dma_start3A_54 = tpu.memref_slice %arg7[%dma_start3A_52, %dma_start3A_53] : memref<64x512xf32, #tpu.memory_space<vmem>> -> memref<1x512xf32, #tpu.memory_space<vmem>>
    %dma_start3A_55 = tpu.memref_squeeze %dma_start3A_54 : memref<1x512xf32, #tpu.memory_space<vmem>> -> memref<512xf32, #tpu.memory_space<vmem>>
    %dma_start3A_56 = arith.constant 0 : i32
    %dma_start3A_57 = tpu.memref_slice %arg8[%dma_start3A_51, %dma_start3A_56] : memref<4x100000xf32, #tpu.memory_space<vmem_shared>> -> memref<1x100000xf32, #tpu.memory_space<vmem_shared>>
    %dma_start3A_58 = tpu.memref_squeeze %dma_start3A_57 : memref<1x100000xf32, #tpu.memory_space<vmem_shared>> -> memref<100000xf32, #tpu.memory_space<vmem_shared>>
    %dma_start3A_59 = arith.constant 0 : i32
    %dma_start3A_60 = tpu.memref_slice %dma_start3A_58[%dma_start3A_59] : memref<100000xf32, #tpu.memory_space<vmem_shared>> -> memref<100000xf32, #tpu.memory_space<vmem_shared>>
    tpu.enqueue_indirect_dma source(%dma_start3A_60 : memref<100000xf32, #tpu.memory_space<vmem_shared>>) target(%dma_start3A_55 : memref<512xf32, #tpu.memory_space<vmem>>) offsets(%arg6 : memref<512xi32, #tpu.memory_space<vmem>>) semaphore(%arg10 : memref<!tpu.dma_semaphore, #tpu.memory_space<semaphore_mem>>)
    %dma_start3A_61 = arith.constant 1 : i32
    %dma_start3A_62 = arith.constant 33 : i32
    %dma_start3A_63 = arith.constant 0 : i32
    %dma_start3A_64 = tpu.memref_slice %arg7[%dma_start3A_62, %dma_start3A_63] : memref<64x512xf32, #tpu.memory_space<vmem>> -> memref<1x512xf32, #tpu.memory_space<vmem>>
    %dma_start3A_65 = tpu.memref_squeeze %dma_start3A_64 : memref<1x512xf32, #tpu.memory_space<vmem>> -> memref<512xf32, #tpu.memory_space<vmem>>
    %dma_start3A_66 = arith.constant 0 : i32
    %dma_start3A_67 = tpu.memref_slice %arg8[%dma_start3A_61, %dma_start3A_66] : memref<4x100000xf32, #tpu.memory_space<vmem_shared>> -> memref<1x100000xf32, #tpu.memory_space<vmem_shared>>
    %dma_start3A_68 = tpu.memref_squeeze %dma_start3A_67 : memref<1x100000xf32, #tpu.memory_space<vmem_shared>> -> memref<100000xf32, #tpu.memory_space<vmem_shared>>
    %dma_start3A_69 = arith.constant 0 : i32
    %dma_start3A_70 = tpu.memref_slice %dma_start3A_68[%dma_start3A_69] : memref<100000xf32, #tpu.memory_space<vmem_shared>> -> memref<100000xf32, #tpu.memory_space<vmem_shared>>
    tpu.enqueue_indirect_dma source(%dma_start3A_70 : memref<100000xf32, #tpu.memory_space<vmem_shared>>) target(%dma_start3A_65 : memref<512xf32, #tpu.memory_space<vmem>>) offsets(%arg6 : memref<512xi32, #tpu.memory_space<vmem>>) semaphore(%arg10 : memref<!tpu.dma_semaphore, #tpu.memory_space<semaphore_mem>>)
    %dma_start3A_71 = arith.constant 2 : i32
    %dma_start3A_72 = arith.constant 34 : i32
    %dma_start3A_73 = arith.constant 0 : i32
    %dma_start3A_74 = tpu.memref_slice %arg7[%dma_start3A_72, %dma_start3A_73] : memref<64x512xf32, #tpu.memory_space<vmem>> -> memref<1x512xf32, #tpu.memory_space<vmem>>
    %dma_start3A_75 = tpu.memref_squeeze %dma_start3A_74 : memref<1x512xf32, #tpu.memory_space<vmem>> -> memref<512xf32, #tpu.memory_space<vmem>>
    %dma_start3A_76 = arith.constant 0 : i32
    %dma_start3A_77 = tpu.memref_slice %arg8[%dma_start3A_71, %dma_start3A_76] : memref<4x100000xf32, #tpu.memory_space<vmem_shared>> -> memref<1x100000xf32, #tpu.memory_space<vmem_shared>>
    %dma_start3A_78 = tpu.memref_squeeze %dma_start3A_77 : memref<1x100000xf32, #tpu.memory_space<vmem_shared>> -> memref<100000xf32, #tpu.memory_space<vmem_shared>>
    %dma_start3A_79 = arith.constant 0 : i32
    %dma_start3A_80 = tpu.memref_slice %dma_start3A_78[%dma_start3A_79] : memref<100000xf32, #tpu.memory_space<vmem_shared>> -> memref<100000xf32, #tpu.memory_space<vmem_shared>>
    tpu.enqueue_indirect_dma source(%dma_start3A_80 : memref<100000xf32, #tpu.memory_space<vmem_shared>>) target(%dma_start3A_75 : memref<512xf32, #tpu.memory_space<vmem>>) offsets(%arg6 : memref<512xi32, #tpu.memory_space<vmem>>) semaphore(%arg10 : memref<!tpu.dma_semaphore, #tpu.memory_space<semaphore_mem>>)
    %dma_start3A_81 = arith.constant 3 : i32
    %dma_start3A_82 = arith.constant 35 : i32
    %dma_start3A_83 = arith.constant 0 : i32
    %dma_start3A_84 = tpu.memref_slice %arg7[%dma_start3A_82, %dma_start3A_83] : memref<64x512xf32, #tpu.memory_space<vmem>> -> memref<1x512xf32, #tpu.memory_space<vmem>>
    %dma_start3A_85 = tpu.memref_squeeze %dma_start3A_84 : memref<1x512xf32, #tpu.memory_space<vmem>> -> memref<512xf32, #tpu.memory_space<vmem>>
    %dma_start3A_86 = arith.constant 0 : i32
    %dma_start3A_87 = tpu.memref_slice %arg8[%dma_start3A_81, %dma_start3A_86] : memref<4x100000xf32, #tpu.memory_space<vmem_shared>> -> memref<1x100000xf32, #tpu.memory_space<vmem_shared>>
    %dma_start3A_88 = tpu.memref_squeeze %dma_start3A_87 : memref<1x100000xf32, #tpu.memory_space<vmem_shared>> -> memref<100000xf32, #tpu.memory_space<vmem_shared>>
    %dma_start3A_89 = arith.constant 0 : i32
    %dma_start3A_90 = tpu.memref_slice %dma_start3A_88[%dma_start3A_89] : memref<100000xf32, #tpu.memory_space<vmem_shared>> -> memref<100000xf32, #tpu.memory_space<vmem_shared>>
    tpu.enqueue_indirect_dma source(%dma_start3A_90 : memref<100000xf32, #tpu.memory_space<vmem_shared>>) target(%dma_start3A_85 : memref<512xf32, #tpu.memory_space<vmem>>) offsets(%arg6 : memref<512xi32, #tpu.memory_space<vmem>>) semaphore(%arg10 : memref<!tpu.dma_semaphore, #tpu.memory_space<semaphore_mem>>)
    %dma_wait3A_91 = arith.constant 0 : i32
    %dma_wait3A_92 = arith.constant 32 : i32
    %dma_wait3A_93 = arith.constant 0 : i32
    %dma_wait3A_94 = tpu.memref_slice %arg7[%dma_wait3A_92, %dma_wait3A_93] : memref<64x512xf32, #tpu.memory_space<vmem>> -> memref<1x512xf32, #tpu.memory_space<vmem>>
    %dma_wait3A_95 = tpu.memref_squeeze %dma_wait3A_94 : memref<1x512xf32, #tpu.memory_space<vmem>> -> memref<512xf32, #tpu.memory_space<vmem>>
    %dma_wait3A_96 = arith.constant 0 : i32
    %dma_wait3A_97 = tpu.memref_slice %arg8[%dma_wait3A_91, %dma_wait3A_96] : memref<4x100000xf32, #tpu.memory_space<vmem_shared>> -> memref<1x100000xf32, #tpu.memory_space<vmem_shared>>
    %dma_wait3A_98 = tpu.memref_squeeze %dma_wait3A_97 : memref<1x100000xf32, #tpu.memory_space<vmem_shared>> -> memref<100000xf32, #tpu.memory_space<vmem_shared>>
    %dma_wait3A_99 = arith.constant 0 : i32
    %dma_wait3A_100 = tpu.memref_slice %dma_wait3A_98[%dma_wait3A_99] : memref<100000xf32, #tpu.memory_space<vmem_shared>> -> memref<100000xf32, #tpu.memory_space<vmem_shared>>
    tpu.wait_indirect_dma semaphore(%arg10 : memref<!tpu.dma_semaphore, #tpu.memory_space<semaphore_mem>>) src(%dma_wait3A_100 : memref<100000xf32, #tpu.memory_space<vmem_shared>>) dst(%dma_wait3A_95 : memref<512xf32, #tpu.memory_space<vmem>>)
    %dma_wait3A_101 = arith.constant 1 : i32
    %dma_wait3A_102 = arith.constant 33 : i32
    %dma_wait3A_103 = arith.constant 0 : i32
    %dma_wait3A_104 = tpu.memref_slice %arg7[%dma_wait3A_102, %dma_wait3A_103] : memref<64x512xf32, #tpu.memory_space<vmem>> -> memref<1x512xf32, #tpu.memory_space<vmem>>
    %dma_wait3A_105 = tpu.memref_squeeze %dma_wait3A_104 : memref<1x512xf32, #tpu.memory_space<vmem>> -> memref<512xf32, #tpu.memory_space<vmem>>
    %dma_wait3A_106 = arith.constant 0 : i32
    %dma_wait3A_107 = tpu.memref_slice %arg8[%dma_wait3A_101, %dma_wait3A_106] : memref<4x100000xf32, #tpu.memory_space<vmem_shared>> -> memref<1x100000xf32, #tpu.memory_space<vmem_shared>>
    %dma_wait3A_108 = tpu.memref_squeeze %dma_wait3A_107 : memref<1x100000xf32, #tpu.memory_space<vmem_shared>> -> memref<100000xf32, #tpu.memory_space<vmem_shared>>
    %dma_wait3A_109 = arith.constant 0 : i32
    %dma_wait3A_110 = tpu.memref_slice %dma_wait3A_108[%dma_wait3A_109] : memref<100000xf32, #tpu.memory_space<vmem_shared>> -> memref<100000xf32, #tpu.memory_space<vmem_shared>>
    tpu.wait_indirect_dma semaphore(%arg10 : memref<!tpu.dma_semaphore, #tpu.memory_space<semaphore_mem>>) src(%dma_wait3A_110 : memref<100000xf32, #tpu.memory_space<vmem_shared>>) dst(%dma_wait3A_105 : memref<512xf32, #tpu.memory_space<vmem>>)
    %dma_wait3A_111 = arith.constant 2 : i32
    %dma_wait3A_112 = arith.constant 34 : i32
    %dma_wait3A_113 = arith.constant 0 : i32
    %dma_wait3A_114 = tpu.memref_slice %arg7[%dma_wait3A_112, %dma_wait3A_113] : memref<64x512xf32, #tpu.memory_space<vmem>> -> memref<1x512xf32, #tpu.memory_space<vmem>>
    %dma_wait3A_115 = tpu.memref_squeeze %dma_wait3A_114 : memref<1x512xf32, #tpu.memory_space<vmem>> -> memref<512xf32, #tpu.memory_space<vmem>>
    %dma_wait3A_116 = arith.constant 0 : i32
    %dma_wait3A_117 = tpu.memref_slice %arg8[%dma_wait3A_111, %dma_wait3A_116] : memref<4x100000xf32, #tpu.memory_space<vmem_shared>> -> memref<1x100000xf32, #tpu.memory_space<vmem_shared>>
    %dma_wait3A_118 = tpu.memref_squeeze %dma_wait3A_117 : memref<1x100000xf32, #tpu.memory_space<vmem_shared>> -> memref<100000xf32, #tpu.memory_space<vmem_shared>>
    %dma_wait3A_119 = arith.constant 0 : i32
    %dma_wait3A_120 = tpu.memref_slice %dma_wait3A_118[%dma_wait3A_119] : memref<100000xf32, #tpu.memory_space<vmem_shared>> -> memref<100000xf32, #tpu.memory_space<vmem_shared>>
    tpu.wait_indirect_dma semaphore(%arg10 : memref<!tpu.dma_semaphore, #tpu.memory_space<semaphore_mem>>) src(%dma_wait3A_120 : memref<100000xf32, #tpu.memory_space<vmem_shared>>) dst(%dma_wait3A_115 : memref<512xf32, #tpu.memory_space<vmem>>)
    %dma_wait3A_121 = arith.constant 3 : i32
    %dma_wait3A_122 = arith.constant 35 : i32
    %dma_wait3A_123 = arith.constant 0 : i32
    %dma_wait3A_124 = tpu.memref_slice %arg7[%dma_wait3A_122, %dma_wait3A_123] : memref<64x512xf32, #tpu.memory_space<vmem>> -> memref<1x512xf32, #tpu.memory_space<vmem>>
    %dma_wait3A_125 = tpu.memref_squeeze %dma_wait3A_124 : memref<1x512xf32, #tpu.memory_space<vmem>> -> memref<512xf32, #tpu.memory_space<vmem>>
    %dma_wait3A_126 = arith.constant 0 : i32
    %dma_wait3A_127 = tpu.memref_slice %arg8[%dma_wait3A_121, %dma_wait3A_126] : memref<4x100000xf32, #tpu.memory_space<vmem_shared>> -> memref<1x100000xf32, #tpu.memory_space<vmem_shared>>
    %dma_wait3A_128 = tpu.memref_squeeze %dma_wait3A_127 : memref<1x100000xf32, #tpu.memory_space<vmem_shared>> -> memref<100000xf32, #tpu.memory_space<vmem_shared>>
    %dma_wait3A_129 = arith.constant 0 : i32
    %dma_wait3A_130 = tpu.memref_slice %dma_wait3A_128[%dma_wait3A_129] : memref<100000xf32, #tpu.memory_space<vmem_shared>> -> memref<100000xf32, #tpu.memory_space<vmem_shared>>
    tpu.wait_indirect_dma semaphore(%arg10 : memref<!tpu.dma_semaphore, #tpu.memory_space<semaphore_mem>>) src(%dma_wait3A_130 : memref<100000xf32, #tpu.memory_space<vmem_shared>>) dst(%dma_wait3A_125 : memref<512xf32, #tpu.memory_space<vmem>>)
    %barrier3A_131 = arith.constant 0 : index
    tpu.barrier barrier_id(%barrier3A_131)
    %add3A_132 = arith.constant 4 : i32
    %add3A_133 = arith.addi %add3A_132, %select_n3A : i32
    %dma_wait3A_134 = tpu.memref_slice %arg9[%select_n3A, %mul3A_34] : memref<4x100000xf32, #tpu.memory_space<vmem_shared>> -> memref<1x25000xf32, #tpu.memory_space<vmem_shared>>
    %dma_wait3A_135 = tpu.memref_squeeze %dma_wait3A_134 : memref<1x25000xf32, #tpu.memory_space<vmem_shared>> -> memref<25000xf32, #tpu.memory_space<vmem_shared>>
    %dma_wait3A_136 = tpu.memref_slice %arg3[%add3A_133, %mul3A_34] : memref<32x100000xf32, #tpu.memory_space<hbm>> -> memref<1x25000xf32, #tpu.memory_space<hbm>>
    %dma_wait3A_137 = tpu.memref_squeeze %dma_wait3A_136 : memref<1x25000xf32, #tpu.memory_space<hbm>> -> memref<25000xf32, #tpu.memory_space<hbm>>
    tpu.wait_dma2 semaphore(%arg11 : memref<!tpu.dma_semaphore, #tpu.memory_space<semaphore_mem>>) src(%dma_wait3A_137 : memref<25000xf32, #tpu.memory_space<hbm>>) dst(%dma_wait3A_135 : memref<25000xf32, #tpu.memory_space<vmem_shared>>)
    %barrier3A_138 = arith.constant 0 : index
    tpu.barrier barrier_id(%barrier3A_138)
    %add3A_139 = arith.constant 8 : i32
    %add3A_140 = arith.addi %add3A_139, %select_n3A : i32
    %dma_start3A_141 = tpu.memref_slice %arg8[%select_n3A, %mul3A_34] : memref<4x100000xf32, #tpu.memory_space<vmem_shared>> -> memref<1x25000xf32, #tpu.memory_space<vmem_shared>>
    %dma_start3A_142 = tpu.memref_squeeze %dma_start3A_141 : memref<1x25000xf32, #tpu.memory_space<vmem_shared>> -> memref<25000xf32, #tpu.memory_space<vmem_shared>>
    %dma_start3A_143 = tpu.memref_slice %arg3[%add3A_140, %mul3A_34] : memref<32x100000xf32, #tpu.memory_space<hbm>> -> memref<1x25000xf32, #tpu.memory_space<hbm>>
    %dma_start3A_144 = tpu.memref_squeeze %dma_start3A_143 : memref<1x25000xf32, #tpu.memory_space<hbm>> -> memref<25000xf32, #tpu.memory_space<hbm>>
    tpu.enqueue_dma source(%dma_start3A_144 : memref<25000xf32, #tpu.memory_space<hbm>>) target(%dma_start3A_142 : memref<25000xf32, #tpu.memory_space<vmem_shared>>) target_semaphore(%arg11 : memref<!tpu.dma_semaphore, #tpu.memory_space<semaphore_mem>>)
    %dma_start3A_145 = arith.constant 0 : i32
    %dma_start3A_146 = arith.constant 36 : i32
    %dma_start3A_147 = arith.constant 0 : i32
    %dma_start3A_148 = tpu.memref_slice %arg7[%dma_start3A_146, %dma_start3A_147] : memref<64x512xf32, #tpu.memory_space<vmem>> -> memref<1x512xf32, #tpu.memory_space<vmem>>
    %dma_start3A_149 = tpu.memref_squeeze %dma_start3A_148 : memref<1x512xf32, #tpu.memory_space<vmem>> -> memref<512xf32, #tpu.memory_space<vmem>>
    %dma_start3A_150 = arith.constant 0 : i32
    %dma_start3A_151 = tpu.memref_slice %arg9[%dma_start3A_145, %dma_start3A_150] : memref<4x100000xf32, #tpu.memory_space<vmem_shared>> -> memref<1x100000xf32, #tpu.memory_space<vmem_shared>>
    %dma_start3A_152 = tpu.memref_squeeze %dma_start3A_151 : memref<1x100000xf32, #tpu.memory_space<vmem_shared>> -> memref<100000xf32, #tpu.memory_space<vmem_shared>>
    %dma_start3A_153 = arith.constant 0 : i32
    %dma_start3A_154 = tpu.memref_slice %dma_start3A_152[%dma_start3A_153] : memref<100000xf32, #tpu.memory_space<vmem_shared>> -> memref<100000xf32, #tpu.memory_space<vmem_shared>>
    tpu.enqueue_indirect_dma source(%dma_start3A_154 : memref<100000xf32, #tpu.memory_space<vmem_shared>>) target(%dma_start3A_149 : memref<512xf32, #tpu.memory_space<vmem>>) offsets(%arg6 : memref<512xi32, #tpu.memory_space<vmem>>) semaphore(%arg10 : memref<!tpu.dma_semaphore, #tpu.memory_space<semaphore_mem>>)
    %dma_start3A_155 = arith.constant 1 : i32
    %dma_start3A_156 = arith.constant 37 : i32
    %dma_start3A_157 = arith.constant 0 : i32
    %dma_start3A_158 = tpu.memref_slice %arg7[%dma_start3A_156, %dma_start3A_157] : memref<64x512xf32, #tpu.memory_space<vmem>> -> memref<1x512xf32, #tpu.memory_space<vmem>>
    %dma_start3A_159 = tpu.memref_squeeze %dma_start3A_158 : memref<1x512xf32, #tpu.memory_space<vmem>> -> memref<512xf32, #tpu.memory_space<vmem>>
    %dma_start3A_160 = arith.constant 0 : i32
    %dma_start3A_161 = tpu.memref_slice %arg9[%dma_start3A_155, %dma_start3A_160] : memref<4x100000xf32, #tpu.memory_space<vmem_shared>> -> memref<1x100000xf32, #tpu.memory_space<vmem_shared>>
    %dma_start3A_162 = tpu.memref_squeeze %dma_start3A_161 : memref<1x100000xf32, #tpu.memory_space<vmem_shared>> -> memref<100000xf32, #tpu.memory_space<vmem_shared>>
    %dma_start3A_163 = arith.constant 0 : i32
    %dma_start3A_164 = tpu.memref_slice %dma_start3A_162[%dma_start3A_163] : memref<100000xf32, #tpu.memory_space<vmem_shared>> -> memref<100000xf32, #tpu.memory_space<vmem_shared>>
    tpu.enqueue_indirect_dma source(%dma_start3A_164 : memref<100000xf32, #tpu.memory_space<vmem_shared>>) target(%dma_start3A_159 : memref<512xf32, #tpu.memory_space<vmem>>) offsets(%arg6 : memref<512xi32, #tpu.memory_space<vmem>>) semaphore(%arg10 : memref<!tpu.dma_semaphore, #tpu.memory_space<semaphore_mem>>)
    %dma_start3A_165 = arith.constant 2 : i32
    %dma_start3A_166 = arith.constant 38 : i32
    %dma_start3A_167 = arith.constant 0 : i32
    %dma_start3A_168 = tpu.memref_slice %arg7[%dma_start3A_166, %dma_start3A_167] : memref<64x512xf32, #tpu.memory_space<vmem>> -> memref<1x512xf32, #tpu.memory_space<vmem>>
    %dma_start3A_169 = tpu.memref_squeeze %dma_start3A_168 : memref<1x512xf32, #tpu.memory_space<vmem>> -> memref<512xf32, #tpu.memory_space<vmem>>
    %dma_start3A_170 = arith.constant 0 : i32
    %dma_start3A_171 = tpu.memref_slice %arg9[%dma_start3A_165, %dma_start3A_170] : memref<4x100000xf32, #tpu.memory_space<vmem_shared>> -> memref<1x100000xf32, #tpu.memory_space<vmem_shared>>
    %dma_start3A_172 = tpu.memref_squeeze %dma_start3A_171 : memref<1x100000xf32, #tpu.memory_space<vmem_shared>> -> memref<100000xf32, #tpu.memory_space<vmem_shared>>
    %dma_start3A_173 = arith.constant 0 : i32
    %dma_start3A_174 = tpu.memref_slice %dma_start3A_172[%dma_start3A_173] : memref<100000xf32, #tpu.memory_space<vmem_shared>> -> memref<100000xf32, #tpu.memory_space<vmem_shared>>
    tpu.enqueue_indirect_dma source(%dma_start3A_174 : memref<100000xf32, #tpu.memory_space<vmem_shared>>) target(%dma_start3A_169 : memref<512xf32, #tpu.memory_space<vmem>>) offsets(%arg6 : memref<512xi32, #tpu.memory_space<vmem>>) semaphore(%arg10 : memref<!tpu.dma_semaphore, #tpu.memory_space<semaphore_mem>>)
    %dma_start3A_175 = arith.constant 3 : i32
    %dma_start3A_176 = arith.constant 39 : i32
    %dma_start3A_177 = arith.constant 0 : i32
    %dma_start3A_178 = tpu.memref_slice %arg7[%dma_start3A_176, %dma_start3A_177] : memref<64x512xf32, #tpu.memory_space<vmem>> -> memref<1x512xf32, #tpu.memory_space<vmem>>
    %dma_start3A_179 = tpu.memref_squeeze %dma_start3A_178 : memref<1x512xf32, #tpu.memory_space<vmem>> -> memref<512xf32, #tpu.memory_space<vmem>>
    %dma_start3A_180 = arith.constant 0 : i32
    %dma_start3A_181 = tpu.memref_slice %arg9[%dma_start3A_175, %dma_start3A_180] : memref<4x100000xf32, #tpu.memory_space<vmem_shared>> -> memref<1x100000xf32, #tpu.memory_space<vmem_shared>>
    %dma_start3A_182 = tpu.memref_squeeze %dma_start3A_181 : memref<1x100000xf32, #tpu.memory_space<vmem_shared>> -> memref<100000xf32, #tpu.memory_space<vmem_shared>>
    %dma_start3A_183 = arith.constant 0 : i32
    %dma_start3A_184 = tpu.memref_slice %dma_start3A_182[%dma_start3A_183] : memref<100000xf32, #tpu.memory_space<vmem_shared>> -> memref<100000xf32, #tpu.memory_space<vmem_shared>>
    tpu.enqueue_indirect_dma source(%dma_start3A_184 : memref<100000xf32, #tpu.memory_space<vmem_shared>>) target(%dma_start3A_179 : memref<512xf32, #tpu.memory_space<vmem>>) offsets(%arg6 : memref<512xi32, #tpu.memory_space<vmem>>) semaphore(%arg10 : memref<!tpu.dma_semaphore, #tpu.memory_space<semaphore_mem>>)
    %dma_wait3A_185 = arith.constant 0 : i32
    %dma_wait3A_186 = arith.constant 36 : i32
    %dma_wait3A_187 = arith.constant 0 : i32
    %dma_wait3A_188 = tpu.memref_slice %arg7[%dma_wait3A_186, %dma_wait3A_187] : memref<64x512xf32, #tpu.memory_space<vmem>> -> memref<1x512xf32, #tpu.memory_space<vmem>>
    %dma_wait3A_189 = tpu.memref_squeeze %dma_wait3A_188 : memref<1x512xf32, #tpu.memory_space<vmem>> -> memref<512xf32, #tpu.memory_space<vmem>>
    %dma_wait3A_190 = arith.constant 0 : i32
    %dma_wait3A_191 = tpu.memref_slice %arg9[%dma_wait3A_185, %dma_wait3A_190] : memref<4x100000xf32, #tpu.memory_space<vmem_shared>> -> memref<1x100000xf32, #tpu.memory_space<vmem_shared>>
    %dma_wait3A_192 = tpu.memref_squeeze %dma_wait3A_191 : memref<1x100000xf32, #tpu.memory_space<vmem_shared>> -> memref<100000xf32, #tpu.memory_space<vmem_shared>>
    %dma_wait3A_193 = arith.constant 0 : i32
    %dma_wait3A_194 = tpu.memref_slice %dma_wait3A_192[%dma_wait3A_193] : memref<100000xf32, #tpu.memory_space<vmem_shared>> -> memref<100000xf32, #tpu.memory_space<vmem_shared>>
    tpu.wait_indirect_dma semaphore(%arg10 : memref<!tpu.dma_semaphore, #tpu.memory_space<semaphore_mem>>) src(%dma_wait3A_194 : memref<100000xf32, #tpu.memory_space<vmem_shared>>) dst(%dma_wait3A_189 : memref<512xf32, #tpu.memory_space<vmem>>)
    %dma_wait3A_195 = arith.constant 1 : i32
    %dma_wait3A_196 = arith.constant 37 : i32
    %dma_wait3A_197 = arith.constant 0 : i32
    %dma_wait3A_198 = tpu.memref_slice %arg7[%dma_wait3A_196, %dma_wait3A_197] : memref<64x512xf32, #tpu.memory_space<vmem>> -> memref<1x512xf32, #tpu.memory_space<vmem>>
    %dma_wait3A_199 = tpu.memref_squeeze %dma_wait3A_198 : memref<1x512xf32, #tpu.memory_space<vmem>> -> memref<512xf32, #tpu.memory_space<vmem>>
    %dma_wait3A_200 = arith.constant 0 : i32
    %dma_wait3A_201 = tpu.memref_slice %arg9[%dma_wait3A_195, %dma_wait3A_200] : memref<4x100000xf32, #tpu.memory_space<vmem_shared>> -> memref<1x100000xf32, #tpu.memory_space<vmem_shared>>
    %dma_wait3A_202 = tpu.memref_squeeze %dma_wait3A_201 : memref<1x100000xf32, #tpu.memory_space<vmem_shared>> -> memref<100000xf32, #tpu.memory_space<vmem_shared>>
    %dma_wait3A_203 = arith.constant 0 : i32
    %dma_wait3A_204 = tpu.memref_slice %dma_wait3A_202[%dma_wait3A_203] : memref<100000xf32, #tpu.memory_space<vmem_shared>> -> memref<100000xf32, #tpu.memory_space<vmem_shared>>
    tpu.wait_indirect_dma semaphore(%arg10 : memref<!tpu.dma_semaphore, #tpu.memory_space<semaphore_mem>>) src(%dma_wait3A_204 : memref<100000xf32, #tpu.memory_space<vmem_shared>>) dst(%dma_wait3A_199 : memref<512xf32, #tpu.memory_space<vmem>>)
    %dma_wait3A_205 = arith.constant 2 : i32
    %dma_wait3A_206 = arith.constant 38 : i32
    %dma_wait3A_207 = arith.constant 0 : i32
    %dma_wait3A_208 = tpu.memref_slice %arg7[%dma_wait3A_206, %dma_wait3A_207] : memref<64x512xf32, #tpu.memory_space<vmem>> -> memref<1x512xf32, #tpu.memory_space<vmem>>
    %dma_wait3A_209 = tpu.memref_squeeze %dma_wait3A_208 : memref<1x512xf32, #tpu.memory_space<vmem>> -> memref<512xf32, #tpu.memory_space<vmem>>
    %dma_wait3A_210 = arith.constant 0 : i32
    %dma_wait3A_211 = tpu.memref_slice %arg9[%dma_wait3A_205, %dma_wait3A_210] : memref<4x100000xf32, #tpu.memory_space<vmem_shared>> -> memref<1x100000xf32, #tpu.memory_space<vmem_shared>>
    %dma_wait3A_212 = tpu.memref_squeeze %dma_wait3A_211 : memref<1x100000xf32, #tpu.memory_space<vmem_shared>> -> memref<100000xf32, #tpu.memory_space<vmem_shared>>
    %dma_wait3A_213 = arith.constant 0 : i32
    %dma_wait3A_214 = tpu.memref_slice %dma_wait3A_212[%dma_wait3A_213] : memref<100000xf32, #tpu.memory_space<vmem_shared>> -> memref<100000xf32, #tpu.memory_space<vmem_shared>>
    tpu.wait_indirect_dma semaphore(%arg10 : memref<!tpu.dma_semaphore, #tpu.memory_space<semaphore_mem>>) src(%dma_wait3A_214 : memref<100000xf32, #tpu.memory_space<vmem_shared>>) dst(%dma_wait3A_209 : memref<512xf32, #tpu.memory_space<vmem>>)
    %dma_wait3A_215 = arith.constant 3 : i32
    %dma_wait3A_216 = arith.constant 39 : i32
    %dma_wait3A_217 = arith.constant 0 : i32
    %dma_wait3A_218 = tpu.memref_slice %arg7[%dma_wait3A_216, %dma_wait3A_217] : memref<64x512xf32, #tpu.memory_space<vmem>> -> memref<1x512xf32, #tpu.memory_space<vmem>>
    %dma_wait3A_219 = tpu.memref_squeeze %dma_wait3A_218 : memref<1x512xf32, #tpu.memory_space<vmem>> -> memref<512xf32, #tpu.memory_space<vmem>>
    %dma_wait3A_220 = arith.constant 0 : i32
    %dma_wait3A_221 = tpu.memref_slice %arg9[%dma_wait3A_215, %dma_wait3A_220] : memref<4x100000xf32, #tpu.memory_space<vmem_shared>> -> memref<1x100000xf32, #tpu.memory_space<vmem_shared>>
    %dma_wait3A_222 = tpu.memref_squeeze %dma_wait3A_221 : memref<1x100000xf32, #tpu.memory_space<vmem_shared>> -> memref<100000xf32, #tpu.memory_space<vmem_shared>>
    %dma_wait3A_223 = arith.constant 0 : i32
    %dma_wait3A_224 = tpu.memref_slice %dma_wait3A_222[%dma_wait3A_223] : memref<100000xf32, #tpu.memory_space<vmem_shared>> -> memref<100000xf32, #tpu.memory_space<vmem_shared>>
    tpu.wait_indirect_dma semaphore(%arg10 : memref<!tpu.dma_semaphore, #tpu.memory_space<semaphore_mem>>) src(%dma_wait3A_224 : memref<100000xf32, #tpu.memory_space<vmem_shared>>) dst(%dma_wait3A_219 : memref<512xf32, #tpu.memory_space<vmem>>)
    %barrier3A_225 = arith.constant 0 : index
    tpu.barrier barrier_id(%barrier3A_225)
    %add3A_226 = arith.constant 8 : i32
    %add3A_227 = arith.addi %add3A_226, %select_n3A : i32
    %dma_wait3A_228 = tpu.memref_slice %arg8[%select_n3A, %mul3A_34] : memref<4x100000xf32, #tpu.memory_space<vmem_shared>> -> memref<1x25000xf32, #tpu.memory_space<vmem_shared>>
    %dma_wait3A_229 = tpu.memref_squeeze %dma_wait3A_228 : memref<1x25000xf32, #tpu.memory_space<vmem_shared>> -> memref<25000xf32, #tpu.memory_space<vmem_shared>>
    %dma_wait3A_230 = tpu.memref_slice %arg3[%add3A_227, %mul3A_34] : memref<32x100000xf32, #tpu.memory_space<hbm>> -> memref<1x25000xf32, #tpu.memory_space<hbm>>
    %dma_wait3A_231 = tpu.memref_squeeze %dma_wait3A_230 : memref<1x25000xf32, #tpu.memory_space<hbm>> -> memref<25000xf32, #tpu.memory_space<hbm>>
    tpu.wait_dma2 semaphore(%arg11 : memref<!tpu.dma_semaphore, #tpu.memory_space<semaphore_mem>>) src(%dma_wait3A_231 : memref<25000xf32, #tpu.memory_space<hbm>>) dst(%dma_wait3A_229 : memref<25000xf32, #tpu.memory_space<vmem_shared>>)
    %barrier3A_232 = arith.constant 0 : index
    tpu.barrier barrier_id(%barrier3A_232)
    %add3A_233 = arith.constant 12 : i32
    %add3A_234 = arith.addi %add3A_233, %select_n3A : i32
    %dma_start3A_235 = tpu.memref_slice %arg9[%select_n3A, %mul3A_34] : memref<4x100000xf32, #tpu.memory_space<vmem_shared>> -> memref<1x25000xf32, #tpu.memory_space<vmem_shared>>
    %dma_start3A_236 = tpu.memref_squeeze %dma_start3A_235 : memref<1x25000xf32, #tpu.memory_space<vmem_shared>> -> memref<25000xf32, #tpu.memory_space<vmem_shared>>
    %dma_start3A_237 = tpu.memref_slice %arg3[%add3A_234, %mul3A_34] : memref<32x100000xf32, #tpu.memory_space<hbm>> -> memref<1x25000xf32, #tpu.memory_space<hbm>>
    %dma_start3A_238 = tpu.memref_squeeze %dma_start3A_237 : memref<1x25000xf32, #tpu.memory_space<hbm>> -> memref<25000xf32, #tpu.memory_space<hbm>>
    tpu.enqueue_dma source(%dma_start3A_238 : memref<25000xf32, #tpu.memory_space<hbm>>) target(%dma_start3A_236 : memref<25000xf32, #tpu.memory_space<vmem_shared>>) target_semaphore(%arg11 : memref<!tpu.dma_semaphore, #tpu.memory_space<semaphore_mem>>)
    %dma_start3A_239 = arith.constant 0 : i32
    %dma_start3A_240 = arith.constant 40 : i32
    %dma_start3A_241 = arith.constant 0 : i32
    %dma_start3A_242 = tpu.memref_slice %arg7[%dma_start3A_240, %dma_start3A_241] : memref<64x512xf32, #tpu.memory_space<vmem>> -> memref<1x512xf32, #tpu.memory_space<vmem>>
    %dma_start3A_243 = tpu.memref_squeeze %dma_start3A_242 : memref<1x512xf32, #tpu.memory_space<vmem>> -> memref<512xf32, #tpu.memory_space<vmem>>
    %dma_start3A_244 = arith.constant 0 : i32
    %dma_start3A_245 = tpu.memref_slice %arg8[%dma_start3A_239, %dma_start3A_244] : memref<4x100000xf32, #tpu.memory_space<vmem_shared>> -> memref<1x100000xf32, #tpu.memory_space<vmem_shared>>
    %dma_start3A_246 = tpu.memref_squeeze %dma_start3A_245 : memref<1x100000xf32, #tpu.memory_space<vmem_shared>> -> memref<100000xf32, #tpu.memory_space<vmem_shared>>
    %dma_start3A_247 = arith.constant 0 : i32
    %dma_start3A_248 = tpu.memref_slice %dma_start3A_246[%dma_start3A_247] : memref<100000xf32, #tpu.memory_space<vmem_shared>> -> memref<100000xf32, #tpu.memory_space<vmem_shared>>
    tpu.enqueue_indirect_dma source(%dma_start3A_248 : memref<100000xf32, #tpu.memory_space<vmem_shared>>) target(%dma_start3A_243 : memref<512xf32, #tpu.memory_space<vmem>>) offsets(%arg6 : memref<512xi32, #tpu.memory_space<vmem>>) semaphore(%arg10 : memref<!tpu.dma_semaphore, #tpu.memory_space<semaphore_mem>>)
    %dma_start3A_249 = arith.constant 1 : i32
    %dma_start3A_250 = arith.constant 41 : i32
    %dma_start3A_251 = arith.constant 0 : i32
    %dma_start3A_252 = tpu.memref_slice %arg7[%dma_start3A_250, %dma_start3A_251] : memref<64x512xf32, #tpu.memory_space<vmem>> -> memref<1x512xf32, #tpu.memory_space<vmem>>
    %dma_start3A_253 = tpu.memref_squeeze %dma_start3A_252 : memref<1x512xf32, #tpu.memory_space<vmem>> -> memref<512xf32, #tpu.memory_space<vmem>>
    %dma_start3A_254 = arith.constant 0 : i32
    %dma_start3A_255 = tpu.memref_slice %arg8[%dma_start3A_249, %dma_start3A_254] : memref<4x100000xf32, #tpu.memory_space<vmem_shared>> -> memref<1x100000xf32, #tpu.memory_space<vmem_shared>>
    %dma_start3A_256 = tpu.memref_squeeze %dma_start3A_255 : memref<1x100000xf32, #tpu.memory_space<vmem_shared>> -> memref<100000xf32, #tpu.memory_space<vmem_shared>>
    %dma_start3A_257 = arith.constant 0 : i32
    %dma_start3A_258 = tpu.memref_slice %dma_start3A_256[%dma_start3A_257] : memref<100000xf32, #tpu.memory_space<vmem_shared>> -> memref<100000xf32, #tpu.memory_space<vmem_shared>>
    tpu.enqueue_indirect_dma source(%dma_start3A_258 : memref<100000xf32, #tpu.memory_space<vmem_shared>>) target(%dma_start3A_253 : memref<512xf32, #tpu.memory_space<vmem>>) offsets(%arg6 : memref<512xi32, #tpu.memory_space<vmem>>) semaphore(%arg10 : memref<!tpu.dma_semaphore, #tpu.memory_space<semaphore_mem>>)
    %dma_start3A_259 = arith.constant 2 : i32
    %dma_start3A_260 = arith.constant 42 : i32
    %dma_start3A_261 = arith.constant 0 : i32
    %dma_start3A_262 = tpu.memref_slice %arg7[%dma_start3A_260, %dma_start3A_261] : memref<64x512xf32, #tpu.memory_space<vmem>> -> memref<1x512xf32, #tpu.memory_space<vmem>>
    %dma_start3A_263 = tpu.memref_squeeze %dma_start3A_262 : memref<1x512xf32, #tpu.memory_space<vmem>> -> memref<512xf32, #tpu.memory_space<vmem>>
    %dma_start3A_264 = arith.constant 0 : i32
    %dma_start3A_265 = tpu.memref_slice %arg8[%dma_start3A_259, %dma_start3A_264] : memref<4x100000xf32, #tpu.memory_space<vmem_shared>> -> memref<1x100000xf32, #tpu.memory_space<vmem_shared>>
    %dma_start3A_266 = tpu.memref_squeeze %dma_start3A_265 : memref<1x100000xf32, #tpu.memory_space<vmem_shared>> -> memref<100000xf32, #tpu.memory_space<vmem_shared>>
    %dma_start3A_267 = arith.constant 0 : i32
    %dma_start3A_268 = tpu.memref_slice %dma_start3A_266[%dma_start3A_267] : memref<100000xf32, #tpu.memory_space<vmem_shared>> -> memref<100000xf32, #tpu.memory_space<vmem_shared>>
    tpu.enqueue_indirect_dma source(%dma_start3A_268 : memref<100000xf32, #tpu.memory_space<vmem_shared>>) target(%dma_start3A_263 : memref<512xf32, #tpu.memory_space<vmem>>) offsets(%arg6 : memref<512xi32, #tpu.memory_space<vmem>>) semaphore(%arg10 : memref<!tpu.dma_semaphore, #tpu.memory_space<semaphore_mem>>)
    %dma_start3A_269 = arith.constant 3 : i32
    %dma_start3A_270 = arith.constant 43 : i32
    %dma_start3A_271 = arith.constant 0 : i32
    %dma_start3A_272 = tpu.memref_slice %arg7[%dma_start3A_270, %dma_start3A_271] : memref<64x512xf32, #tpu.memory_space<vmem>> -> memref<1x512xf32, #tpu.memory_space<vmem>>
    %dma_start3A_273 = tpu.memref_squeeze %dma_start3A_272 : memref<1x512xf32, #tpu.memory_space<vmem>> -> memref<512xf32, #tpu.memory_space<vmem>>
    %dma_start3A_274 = arith.constant 0 : i32
    %dma_start3A_275 = tpu.memref_slice %arg8[%dma_start3A_269, %dma_start3A_274] : memref<4x100000xf32, #tpu.memory_space<vmem_shared>> -> memref<1x100000xf32, #tpu.memory_space<vmem_shared>>
    %dma_start3A_276 = tpu.memref_squeeze %dma_start3A_275 : memref<1x100000xf32, #tpu.memory_space<vmem_shared>> -> memref<100000xf32, #tpu.memory_space<vmem_shared>>
    %dma_start3A_277 = arith.constant 0 : i32
    %dma_start3A_278 = tpu.memref_slice %dma_start3A_276[%dma_start3A_277] : memref<100000xf32, #tpu.memory_space<vmem_shared>> -> memref<100000xf32, #tpu.memory_space<vmem_shared>>
    tpu.enqueue_indirect_dma source(%dma_start3A_278 : memref<100000xf32, #tpu.memory_space<vmem_shared>>) target(%dma_start3A_273 : memref<512xf32, #tpu.memory_space<vmem>>) offsets(%arg6 : memref<512xi32, #tpu.memory_space<vmem>>) semaphore(%arg10 : memref<!tpu.dma_semaphore, #tpu.memory_space<semaphore_mem>>)
    %dma_wait3A_279 = arith.constant 0 : i32
    %dma_wait3A_280 = arith.constant 40 : i32
    %dma_wait3A_281 = arith.constant 0 : i32
    %dma_wait3A_282 = tpu.memref_slice %arg7[%dma_wait3A_280, %dma_wait3A_281] : memref<64x512xf32, #tpu.memory_space<vmem>> -> memref<1x512xf32, #tpu.memory_space<vmem>>
    %dma_wait3A_283 = tpu.memref_squeeze %dma_wait3A_282 : memref<1x512xf32, #tpu.memory_space<vmem>> -> memref<512xf32, #tpu.memory_space<vmem>>
    %dma_wait3A_284 = arith.constant 0 : i32
    %dma_wait3A_285 = tpu.memref_slice %arg8[%dma_wait3A_279, %dma_wait3A_284] : memref<4x100000xf32, #tpu.memory_space<vmem_shared>> -> memref<1x100000xf32, #tpu.memory_space<vmem_shared>>
    %dma_wait3A_286 = tpu.memref_squeeze %dma_wait3A_285 : memref<1x100000xf32, #tpu.memory_space<vmem_shared>> -> memref<100000xf32, #tpu.memory_space<vmem_shared>>
    %dma_wait3A_287 = arith.constant 0 : i32
    %dma_wait3A_288 = tpu.memref_slice %dma_wait3A_286[%dma_wait3A_287] : memref<100000xf32, #tpu.memory_space<vmem_shared>> -> memref<100000xf32, #tpu.memory_space<vmem_shared>>
    tpu.wait_indirect_dma semaphore(%arg10 : memref<!tpu.dma_semaphore, #tpu.memory_space<semaphore_mem>>) src(%dma_wait3A_288 : memref<100000xf32, #tpu.memory_space<vmem_shared>>) dst(%dma_wait3A_283 : memref<512xf32, #tpu.memory_space<vmem>>)
    %dma_wait3A_289 = arith.constant 1 : i32
    %dma_wait3A_290 = arith.constant 41 : i32
    %dma_wait3A_291 = arith.constant 0 : i32
    %dma_wait3A_292 = tpu.memref_slice %arg7[%dma_wait3A_290, %dma_wait3A_291] : memref<64x512xf32, #tpu.memory_space<vmem>> -> memref<1x512xf32, #tpu.memory_space<vmem>>
    %dma_wait3A_293 = tpu.memref_squeeze %dma_wait3A_292 : memref<1x512xf32, #tpu.memory_space<vmem>> -> memref<512xf32, #tpu.memory_space<vmem>>
    %dma_wait3A_294 = arith.constant 0 : i32
    %dma_wait3A_295 = tpu.memref_slice %arg8[%dma_wait3A_289, %dma_wait3A_294] : memref<4x100000xf32, #tpu.memory_space<vmem_shared>> -> memref<1x100000xf32, #tpu.memory_space<vmem_shared>>
    %dma_wait3A_296 = tpu.memref_squeeze %dma_wait3A_295 : memref<1x100000xf32, #tpu.memory_space<vmem_shared>> -> memref<100000xf32, #tpu.memory_space<vmem_shared>>
    %dma_wait3A_297 = arith.constant 0 : i32
    %dma_wait3A_298 = tpu.memref_slice %dma_wait3A_296[%dma_wait3A_297] : memref<100000xf32, #tpu.memory_space<vmem_shared>> -> memref<100000xf32, #tpu.memory_space<vmem_shared>>
    tpu.wait_indirect_dma semaphore(%arg10 : memref<!tpu.dma_semaphore, #tpu.memory_space<semaphore_mem>>) src(%dma_wait3A_298 : memref<100000xf32, #tpu.memory_space<vmem_shared>>) dst(%dma_wait3A_293 : memref<512xf32, #tpu.memory_space<vmem>>)
    %dma_wait3A_299 = arith.constant 2 : i32
    %dma_wait3A_300 = arith.constant 42 : i32
    %dma_wait3A_301 = arith.constant 0 : i32
    %dma_wait3A_302 = tpu.memref_slice %arg7[%dma_wait3A_300, %dma_wait3A_301] : memref<64x512xf32, #tpu.memory_space<vmem>> -> memref<1x512xf32, #tpu.memory_space<vmem>>
    %dma_wait3A_303 = tpu.memref_squeeze %dma_wait3A_302 : memref<1x512xf32, #tpu.memory_space<vmem>> -> memref<512xf32, #tpu.memory_space<vmem>>
    %dma_wait3A_304 = arith.constant 0 : i32
    %dma_wait3A_305 = tpu.memref_slice %arg8[%dma_wait3A_299, %dma_wait3A_304] : memref<4x100000xf32, #tpu.memory_space<vmem_shared>> -> memref<1x100000xf32, #tpu.memory_space<vmem_shared>>
    %dma_wait3A_306 = tpu.memref_squeeze %dma_wait3A_305 : memref<1x100000xf32, #tpu.memory_space<vmem_shared>> -> memref<100000xf32, #tpu.memory_space<vmem_shared>>
    %dma_wait3A_307 = arith.constant 0 : i32
    %dma_wait3A_308 = tpu.memref_slice %dma_wait3A_306[%dma_wait3A_307] : memref<100000xf32, #tpu.memory_space<vmem_shared>> -> memref<100000xf32, #tpu.memory_space<vmem_shared>>
    tpu.wait_indirect_dma semaphore(%arg10 : memref<!tpu.dma_semaphore, #tpu.memory_space<semaphore_mem>>) src(%dma_wait3A_308 : memref<100000xf32, #tpu.memory_space<vmem_shared>>) dst(%dma_wait3A_303 : memref<512xf32, #tpu.memory_space<vmem>>)
    %dma_wait3A_309 = arith.constant 3 : i32
    %dma_wait3A_310 = arith.constant 43 : i32
    %dma_wait3A_311 = arith.constant 0 : i32
    %dma_wait3A_312 = tpu.memref_slice %arg7[%dma_wait3A_310, %dma_wait3A_311] : memref<64x512xf32, #tpu.memory_space<vmem>> -> memref<1x512xf32, #tpu.memory_space<vmem>>
    %dma_wait3A_313 = tpu.memref_squeeze %dma_wait3A_312 : memref<1x512xf32, #tpu.memory_space<vmem>> -> memref<512xf32, #tpu.memory_space<vmem>>
    %dma_wait3A_314 = arith.constant 0 : i32
    %dma_wait3A_315 = tpu.memref_slice %arg8[%dma_wait3A_309, %dma_wait3A_314] : memref<4x100000xf32, #tpu.memory_space<vmem_shared>> -> memref<1x100000xf32, #tpu.memory_space<vmem_shared>>
    %dma_wait3A_316 = tpu.memref_squeeze %dma_wait3A_315 : memref<1x100000xf32, #tpu.memory_space<vmem_shared>> -> memref<100000xf32, #tpu.memory_space<vmem_shared>>
    %dma_wait3A_317 = arith.constant 0 : i32
    %dma_wait3A_318 = tpu.memref_slice %dma_wait3A_316[%dma_wait3A_317] : memref<100000xf32, #tpu.memory_space<vmem_shared>> -> memref<100000xf32, #tpu.memory_space<vmem_shared>>
    tpu.wait_indirect_dma semaphore(%arg10 : memref<!tpu.dma_semaphore, #tpu.memory_space<semaphore_mem>>) src(%dma_wait3A_318 : memref<100000xf32, #tpu.memory_space<vmem_shared>>) dst(%dma_wait3A_313 : memref<512xf32, #tpu.memory_space<vmem>>)
    %barrier3A_319 = arith.constant 0 : index
    tpu.barrier barrier_id(%barrier3A_319)
    %add3A_320 = arith.constant 12 : i32
    %add3A_321 = arith.addi %add3A_320, %select_n3A : i32
    %dma_wait3A_322 = tpu.memref_slice %arg9[%select_n3A, %mul3A_34] : memref<4x100000xf32, #tpu.memory_space<vmem_shared>> -> memref<1x25000xf32, #tpu.memory_space<vmem_shared>>
    %dma_wait3A_323 = tpu.memref_squeeze %dma_wait3A_322 : memref<1x25000xf32, #tpu.memory_space<vmem_shared>> -> memref<25000xf32, #tpu.memory_space<vmem_shared>>
    %dma_wait3A_324 = tpu.memref_slice %arg3[%add3A_321, %mul3A_34] : memref<32x100000xf32, #tpu.memory_space<hbm>> -> memref<1x25000xf32, #tpu.memory_space<hbm>>
    %dma_wait3A_325 = tpu.memref_squeeze %dma_wait3A_324 : memref<1x25000xf32, #tpu.memory_space<hbm>> -> memref<25000xf32, #tpu.memory_space<hbm>>
    tpu.wait_dma2 semaphore(%arg11 : memref<!tpu.dma_semaphore, #tpu.memory_space<semaphore_mem>>) src(%dma_wait3A_325 : memref<25000xf32, #tpu.memory_space<hbm>>) dst(%dma_wait3A_323 : memref<25000xf32, #tpu.memory_space<vmem_shared>>)
    %barrier3A_326 = arith.constant 0 : index
    tpu.barrier barrier_id(%barrier3A_326)
    %add3A_327 = arith.constant 16 : i32
    %add3A_328 = arith.addi %add3A_327, %select_n3A : i32
    %dma_start3A_329 = tpu.memref_slice %arg8[%select_n3A, %mul3A_34] : memref<4x100000xf32, #tpu.memory_space<vmem_shared>> -> memref<1x25000xf32, #tpu.memory_space<vmem_shared>>
    %dma_start3A_330 = tpu.memref_squeeze %dma_start3A_329 : memref<1x25000xf32, #tpu.memory_space<vmem_shared>> -> memref<25000xf32, #tpu.memory_space<vmem_shared>>
    %dma_start3A_331 = tpu.memref_slice %arg3[%add3A_328, %mul3A_34] : memref<32x100000xf32, #tpu.memory_space<hbm>> -> memref<1x25000xf32, #tpu.memory_space<hbm>>
    %dma_start3A_332 = tpu.memref_squeeze %dma_start3A_331 : memref<1x25000xf32, #tpu.memory_space<hbm>> -> memref<25000xf32, #tpu.memory_space<hbm>>
    tpu.enqueue_dma source(%dma_start3A_332 : memref<25000xf32, #tpu.memory_space<hbm>>) target(%dma_start3A_330 : memref<25000xf32, #tpu.memory_space<vmem_shared>>) target_semaphore(%arg11 : memref<!tpu.dma_semaphore, #tpu.memory_space<semaphore_mem>>)
    %dma_start3A_333 = arith.constant 0 : i32
    %dma_start3A_334 = arith.constant 44 : i32
    %dma_start3A_335 = arith.constant 0 : i32
    %dma_start3A_336 = tpu.memref_slice %arg7[%dma_start3A_334, %dma_start3A_335] : memref<64x512xf32, #tpu.memory_space<vmem>> -> memref<1x512xf32, #tpu.memory_space<vmem>>
    %dma_start3A_337 = tpu.memref_squeeze %dma_start3A_336 : memref<1x512xf32, #tpu.memory_space<vmem>> -> memref<512xf32, #tpu.memory_space<vmem>>
    %dma_start3A_338 = arith.constant 0 : i32
    %dma_start3A_339 = tpu.memref_slice %arg9[%dma_start3A_333, %dma_start3A_338] : memref<4x100000xf32, #tpu.memory_space<vmem_shared>> -> memref<1x100000xf32, #tpu.memory_space<vmem_shared>>
    %dma_start3A_340 = tpu.memref_squeeze %dma_start3A_339 : memref<1x100000xf32, #tpu.memory_space<vmem_shared>> -> memref<100000xf32, #tpu.memory_space<vmem_shared>>
    %dma_start3A_341 = arith.constant 0 : i32
    %dma_start3A_342 = tpu.memref_slice %dma_start3A_340[%dma_start3A_341] : memref<100000xf32, #tpu.memory_space<vmem_shared>> -> memref<100000xf32, #tpu.memory_space<vmem_shared>>
    tpu.enqueue_indirect_dma source(%dma_start3A_342 : memref<100000xf32, #tpu.memory_space<vmem_shared>>) target(%dma_start3A_337 : memref<512xf32, #tpu.memory_space<vmem>>) offsets(%arg6 : memref<512xi32, #tpu.memory_space<vmem>>) semaphore(%arg10 : memref<!tpu.dma_semaphore, #tpu.memory_space<semaphore_mem>>)
    %dma_start3A_343 = arith.constant 1 : i32
    %dma_start3A_344 = arith.constant 45 : i32
    %dma_start3A_345 = arith.constant 0 : i32
    %dma_start3A_346 = tpu.memref_slice %arg7[%dma_start3A_344, %dma_start3A_345] : memref<64x512xf32, #tpu.memory_space<vmem>> -> memref<1x512xf32, #tpu.memory_space<vmem>>
    %dma_start3A_347 = tpu.memref_squeeze %dma_start3A_346 : memref<1x512xf32, #tpu.memory_space<vmem>> -> memref<512xf32, #tpu.memory_space<vmem>>
    %dma_start3A_348 = arith.constant 0 : i32
    %dma_start3A_349 = tpu.memref_slice %arg9[%dma_start3A_343, %dma_start3A_348] : memref<4x100000xf32, #tpu.memory_space<vmem_shared>> -> memref<1x100000xf32, #tpu.memory_space<vmem_shared>>
    %dma_start3A_350 = tpu.memref_squeeze %dma_start3A_349 : memref<1x100000xf32, #tpu.memory_space<vmem_shared>> -> memref<100000xf32, #tpu.memory_space<vmem_shared>>
    %dma_start3A_351 = arith.constant 0 : i32
    %dma_start3A_352 = tpu.memref_slice %dma_start3A_350[%dma_start3A_351] : memref<100000xf32, #tpu.memory_space<vmem_shared>> -> memref<100000xf32, #tpu.memory_space<vmem_shared>>
    tpu.enqueue_indirect_dma source(%dma_start3A_352 : memref<100000xf32, #tpu.memory_space<vmem_shared>>) target(%dma_start3A_347 : memref<512xf32, #tpu.memory_space<vmem>>) offsets(%arg6 : memref<512xi32, #tpu.memory_space<vmem>>) semaphore(%arg10 : memref<!tpu.dma_semaphore, #tpu.memory_space<semaphore_mem>>)
    %dma_start3A_353 = arith.constant 2 : i32
    %dma_start3A_354 = arith.constant 46 : i32
    %dma_start3A_355 = arith.constant 0 : i32
    %dma_start3A_356 = tpu.memref_slice %arg7[%dma_start3A_354, %dma_start3A_355] : memref<64x512xf32, #tpu.memory_space<vmem>> -> memref<1x512xf32, #tpu.memory_space<vmem>>
    %dma_start3A_357 = tpu.memref_squeeze %dma_start3A_356 : memref<1x512xf32, #tpu.memory_space<vmem>> -> memref<512xf32, #tpu.memory_space<vmem>>
    %dma_start3A_358 = arith.constant 0 : i32
    %dma_start3A_359 = tpu.memref_slice %arg9[%dma_start3A_353, %dma_start3A_358] : memref<4x100000xf32, #tpu.memory_space<vmem_shared>> -> memref<1x100000xf32, #tpu.memory_space<vmem_shared>>
    %dma_start3A_360 = tpu.memref_squeeze %dma_start3A_359 : memref<1x100000xf32, #tpu.memory_space<vmem_shared>> -> memref<100000xf32, #tpu.memory_space<vmem_shared>>
    %dma_start3A_361 = arith.constant 0 : i32
    %dma_start3A_362 = tpu.memref_slice %dma_start3A_360[%dma_start3A_361] : memref<100000xf32, #tpu.memory_space<vmem_shared>> -> memref<100000xf32, #tpu.memory_space<vmem_shared>>
    tpu.enqueue_indirect_dma source(%dma_start3A_362 : memref<100000xf32, #tpu.memory_space<vmem_shared>>) target(%dma_start3A_357 : memref<512xf32, #tpu.memory_space<vmem>>) offsets(%arg6 : memref<512xi32, #tpu.memory_space<vmem>>) semaphore(%arg10 : memref<!tpu.dma_semaphore, #tpu.memory_space<semaphore_mem>>)
    %dma_start3A_363 = arith.constant 3 : i32
    %dma_start3A_364 = arith.constant 47 : i32
    %dma_start3A_365 = arith.constant 0 : i32
    %dma_start3A_366 = tpu.memref_slice %arg7[%dma_start3A_364, %dma_start3A_365] : memref<64x512xf32, #tpu.memory_space<vmem>> -> memref<1x512xf32, #tpu.memory_space<vmem>>
    %dma_start3A_367 = tpu.memref_squeeze %dma_start3A_366 : memref<1x512xf32, #tpu.memory_space<vmem>> -> memref<512xf32, #tpu.memory_space<vmem>>
    %dma_start3A_368 = arith.constant 0 : i32
    %dma_start3A_369 = tpu.memref_slice %arg9[%dma_start3A_363, %dma_start3A_368] : memref<4x100000xf32, #tpu.memory_space<vmem_shared>> -> memref<1x100000xf32, #tpu.memory_space<vmem_shared>>
    %dma_start3A_370 = tpu.memref_squeeze %dma_start3A_369 : memref<1x100000xf32, #tpu.memory_space<vmem_shared>> -> memref<100000xf32, #tpu.memory_space<vmem_shared>>
    %dma_start3A_371 = arith.constant 0 : i32
    %dma_start3A_372 = tpu.memref_slice %dma_start3A_370[%dma_start3A_371] : memref<100000xf32, #tpu.memory_space<vmem_shared>> -> memref<100000xf32, #tpu.memory_space<vmem_shared>>
    tpu.enqueue_indirect_dma source(%dma_start3A_372 : memref<100000xf32, #tpu.memory_space<vmem_shared>>) target(%dma_start3A_367 : memref<512xf32, #tpu.memory_space<vmem>>) offsets(%arg6 : memref<512xi32, #tpu.memory_space<vmem>>) semaphore(%arg10 : memref<!tpu.dma_semaphore, #tpu.memory_space<semaphore_mem>>)
    %dma_wait3A_373 = arith.constant 0 : i32
    %dma_wait3A_374 = arith.constant 44 : i32
    %dma_wait3A_375 = arith.constant 0 : i32
    %dma_wait3A_376 = tpu.memref_slice %arg7[%dma_wait3A_374, %dma_wait3A_375] : memref<64x512xf32, #tpu.memory_space<vmem>> -> memref<1x512xf32, #tpu.memory_space<vmem>>
    %dma_wait3A_377 = tpu.memref_squeeze %dma_wait3A_376 : memref<1x512xf32, #tpu.memory_space<vmem>> -> memref<512xf32, #tpu.memory_space<vmem>>
    %dma_wait3A_378 = arith.constant 0 : i32
    %dma_wait3A_379 = tpu.memref_slice %arg9[%dma_wait3A_373, %dma_wait3A_378] : memref<4x100000xf32, #tpu.memory_space<vmem_shared>> -> memref<1x100000xf32, #tpu.memory_space<vmem_shared>>
    %dma_wait3A_380 = tpu.memref_squeeze %dma_wait3A_379 : memref<1x100000xf32, #tpu.memory_space<vmem_shared>> -> memref<100000xf32, #tpu.memory_space<vmem_shared>>
    %dma_wait3A_381 = arith.constant 0 : i32
    %dma_wait3A_382 = tpu.memref_slice %dma_wait3A_380[%dma_wait3A_381] : memref<100000xf32, #tpu.memory_space<vmem_shared>> -> memref<100000xf32, #tpu.memory_space<vmem_shared>>
    tpu.wait_indirect_dma semaphore(%arg10 : memref<!tpu.dma_semaphore, #tpu.memory_space<semaphore_mem>>) src(%dma_wait3A_382 : memref<100000xf32, #tpu.memory_space<vmem_shared>>) dst(%dma_wait3A_377 : memref<512xf32, #tpu.memory_space<vmem>>)
    %dma_wait3A_383 = arith.constant 1 : i32
    %dma_wait3A_384 = arith.constant 45 : i32
    %dma_wait3A_385 = arith.constant 0 : i32
    %dma_wait3A_386 = tpu.memref_slice %arg7[%dma_wait3A_384, %dma_wait3A_385] : memref<64x512xf32, #tpu.memory_space<vmem>> -> memref<1x512xf32, #tpu.memory_space<vmem>>
    %dma_wait3A_387 = tpu.memref_squeeze %dma_wait3A_386 : memref<1x512xf32, #tpu.memory_space<vmem>> -> memref<512xf32, #tpu.memory_space<vmem>>
    %dma_wait3A_388 = arith.constant 0 : i32
    %dma_wait3A_389 = tpu.memref_slice %arg9[%dma_wait3A_383, %dma_wait3A_388] : memref<4x100000xf32, #tpu.memory_space<vmem_shared>> -> memref<1x100000xf32, #tpu.memory_space<vmem_shared>>
    %dma_wait3A_390 = tpu.memref_squeeze %dma_wait3A_389 : memref<1x100000xf32, #tpu.memory_space<vmem_shared>> -> memref<100000xf32, #tpu.memory_space<vmem_shared>>
    %dma_wait3A_391 = arith.constant 0 : i32
    %dma_wait3A_392 = tpu.memref_slice %dma_wait3A_390[%dma_wait3A_391] : memref<100000xf32, #tpu.memory_space<vmem_shared>> -> memref<100000xf32, #tpu.memory_space<vmem_shared>>
    tpu.wait_indirect_dma semaphore(%arg10 : memref<!tpu.dma_semaphore, #tpu.memory_space<semaphore_mem>>) src(%dma_wait3A_392 : memref<100000xf32, #tpu.memory_space<vmem_shared>>) dst(%dma_wait3A_387 : memref<512xf32, #tpu.memory_space<vmem>>)
    %dma_wait3A_393 = arith.constant 2 : i32
    %dma_wait3A_394 = arith.constant 46 : i32
    %dma_wait3A_395 = arith.constant 0 : i32
    %dma_wait3A_396 = tpu.memref_slice %arg7[%dma_wait3A_394, %dma_wait3A_395] : memref<64x512xf32, #tpu.memory_space<vmem>> -> memref<1x512xf32, #tpu.memory_space<vmem>>
    %dma_wait3A_397 = tpu.memref_squeeze %dma_wait3A_396 : memref<1x512xf32, #tpu.memory_space<vmem>> -> memref<512xf32, #tpu.memory_space<vmem>>
    %dma_wait3A_398 = arith.constant 0 : i32
    %dma_wait3A_399 = tpu.memref_slice %arg9[%dma_wait3A_393, %dma_wait3A_398] : memref<4x100000xf32, #tpu.memory_space<vmem_shared>> -> memref<1x100000xf32, #tpu.memory_space<vmem_shared>>
    %dma_wait3A_400 = tpu.memref_squeeze %dma_wait3A_399 : memref<1x100000xf32, #tpu.memory_space<vmem_shared>> -> memref<100000xf32, #tpu.memory_space<vmem_shared>>
    %dma_wait3A_401 = arith.constant 0 : i32
    %dma_wait3A_402 = tpu.memref_slice %dma_wait3A_400[%dma_wait3A_401] : memref<100000xf32, #tpu.memory_space<vmem_shared>> -> memref<100000xf32, #tpu.memory_space<vmem_shared>>
    tpu.wait_indirect_dma semaphore(%arg10 : memref<!tpu.dma_semaphore, #tpu.memory_space<semaphore_mem>>) src(%dma_wait3A_402 : memref<100000xf32, #tpu.memory_space<vmem_shared>>) dst(%dma_wait3A_397 : memref<512xf32, #tpu.memory_space<vmem>>)
    %dma_wait3A_403 = arith.constant 3 : i32
    %dma_wait3A_404 = arith.constant 47 : i32
    %dma_wait3A_405 = arith.constant 0 : i32
    %dma_wait3A_406 = tpu.memref_slice %arg7[%dma_wait3A_404, %dma_wait3A_405] : memref<64x512xf32, #tpu.memory_space<vmem>> -> memref<1x512xf32, #tpu.memory_space<vmem>>
    %dma_wait3A_407 = tpu.memref_squeeze %dma_wait3A_406 : memref<1x512xf32, #tpu.memory_space<vmem>> -> memref<512xf32, #tpu.memory_space<vmem>>
    %dma_wait3A_408 = arith.constant 0 : i32
    %dma_wait3A_409 = tpu.memref_slice %arg9[%dma_wait3A_403, %dma_wait3A_408] : memref<4x100000xf32, #tpu.memory_space<vmem_shared>> -> memref<1x100000xf32, #tpu.memory_space<vmem_shared>>
    %dma_wait3A_410 = tpu.memref_squeeze %dma_wait3A_409 : memref<1x100000xf32, #tpu.memory_space<vmem_shared>> -> memref<100000xf32, #tpu.memory_space<vmem_shared>>
    %dma_wait3A_411 = arith.constant 0 : i32
    %dma_wait3A_412 = tpu.memref_slice %dma_wait3A_410[%dma_wait3A_411] : memref<100000xf32, #tpu.memory_space<vmem_shared>> -> memref<100000xf32, #tpu.memory_space<vmem_shared>>
    tpu.wait_indirect_dma semaphore(%arg10 : memref<!tpu.dma_semaphore, #tpu.memory_space<semaphore_mem>>) src(%dma_wait3A_412 : memref<100000xf32, #tpu.memory_space<vmem_shared>>) dst(%dma_wait3A_407 : memref<512xf32, #tpu.memory_space<vmem>>)
    %barrier3A_413 = arith.constant 0 : index
    tpu.barrier barrier_id(%barrier3A_413)
    %add3A_414 = arith.constant 16 : i32
    %add3A_415 = arith.addi %add3A_414, %select_n3A : i32
    %dma_wait3A_416 = tpu.memref_slice %arg8[%select_n3A, %mul3A_34] : memref<4x100000xf32, #tpu.memory_space<vmem_shared>> -> memref<1x25000xf32, #tpu.memory_space<vmem_shared>>
    %dma_wait3A_417 = tpu.memref_squeeze %dma_wait3A_416 : memref<1x25000xf32, #tpu.memory_space<vmem_shared>> -> memref<25000xf32, #tpu.memory_space<vmem_shared>>
    %dma_wait3A_418 = tpu.memref_slice %arg3[%add3A_415, %mul3A_34] : memref<32x100000xf32, #tpu.memory_space<hbm>> -> memref<1x25000xf32, #tpu.memory_space<hbm>>
    %dma_wait3A_419 = tpu.memref_squeeze %dma_wait3A_418 : memref<1x25000xf32, #tpu.memory_space<hbm>> -> memref<25000xf32, #tpu.memory_space<hbm>>
    tpu.wait_dma2 semaphore(%arg11 : memref<!tpu.dma_semaphore, #tpu.memory_space<semaphore_mem>>) src(%dma_wait3A_419 : memref<25000xf32, #tpu.memory_space<hbm>>) dst(%dma_wait3A_417 : memref<25000xf32, #tpu.memory_space<vmem_shared>>)
    %barrier3A_420 = arith.constant 0 : index
    tpu.barrier barrier_id(%barrier3A_420)
    %add3A_421 = arith.constant 20 : i32
    %add3A_422 = arith.addi %add3A_421, %select_n3A : i32
    %dma_start3A_423 = tpu.memref_slice %arg9[%select_n3A, %mul3A_34] : memref<4x100000xf32, #tpu.memory_space<vmem_shared>> -> memref<1x25000xf32, #tpu.memory_space<vmem_shared>>
    %dma_start3A_424 = tpu.memref_squeeze %dma_start3A_423 : memref<1x25000xf32, #tpu.memory_space<vmem_shared>> -> memref<25000xf32, #tpu.memory_space<vmem_shared>>
    %dma_start3A_425 = tpu.memref_slice %arg3[%add3A_422, %mul3A_34] : memref<32x100000xf32, #tpu.memory_space<hbm>> -> memref<1x25000xf32, #tpu.memory_space<hbm>>
    %dma_start3A_426 = tpu.memref_squeeze %dma_start3A_425 : memref<1x25000xf32, #tpu.memory_space<hbm>> -> memref<25000xf32, #tpu.memory_space<hbm>>
    tpu.enqueue_dma source(%dma_start3A_426 : memref<25000xf32, #tpu.memory_space<hbm>>) target(%dma_start3A_424 : memref<25000xf32, #tpu.memory_space<vmem_shared>>) target_semaphore(%arg11 : memref<!tpu.dma_semaphore, #tpu.memory_space<semaphore_mem>>)
    %dma_start3A_427 = arith.constant 0 : i32
    %dma_start3A_428 = arith.constant 48 : i32
    %dma_start3A_429 = arith.constant 0 : i32
    %dma_start3A_430 = tpu.memref_slice %arg7[%dma_start3A_428, %dma_start3A_429] : memref<64x512xf32, #tpu.memory_space<vmem>> -> memref<1x512xf32, #tpu.memory_space<vmem>>
    %dma_start3A_431 = tpu.memref_squeeze %dma_start3A_430 : memref<1x512xf32, #tpu.memory_space<vmem>> -> memref<512xf32, #tpu.memory_space<vmem>>
    %dma_start3A_432 = arith.constant 0 : i32
    %dma_start3A_433 = tpu.memref_slice %arg8[%dma_start3A_427, %dma_start3A_432] : memref<4x100000xf32, #tpu.memory_space<vmem_shared>> -> memref<1x100000xf32, #tpu.memory_space<vmem_shared>>
    %dma_start3A_434 = tpu.memref_squeeze %dma_start3A_433 : memref<1x100000xf32, #tpu.memory_space<vmem_shared>> -> memref<100000xf32, #tpu.memory_space<vmem_shared>>
    %dma_start3A_435 = arith.constant 0 : i32
    %dma_start3A_436 = tpu.memref_slice %dma_start3A_434[%dma_start3A_435] : memref<100000xf32, #tpu.memory_space<vmem_shared>> -> memref<100000xf32, #tpu.memory_space<vmem_shared>>
    tpu.enqueue_indirect_dma source(%dma_start3A_436 : memref<100000xf32, #tpu.memory_space<vmem_shared>>) target(%dma_start3A_431 : memref<512xf32, #tpu.memory_space<vmem>>) offsets(%arg6 : memref<512xi32, #tpu.memory_space<vmem>>) semaphore(%arg10 : memref<!tpu.dma_semaphore, #tpu.memory_space<semaphore_mem>>)
    %dma_start3A_437 = arith.constant 1 : i32
    %dma_start3A_438 = arith.constant 49 : i32
    %dma_start3A_439 = arith.constant 0 : i32
    %dma_start3A_440 = tpu.memref_slice %arg7[%dma_start3A_438, %dma_start3A_439] : memref<64x512xf32, #tpu.memory_space<vmem>> -> memref<1x512xf32, #tpu.memory_space<vmem>>
    %dma_start3A_441 = tpu.memref_squeeze %dma_start3A_440 : memref<1x512xf32, #tpu.memory_space<vmem>> -> memref<512xf32, #tpu.memory_space<vmem>>
    %dma_start3A_442 = arith.constant 0 : i32
    %dma_start3A_443 = tpu.memref_slice %arg8[%dma_start3A_437, %dma_start3A_442] : memref<4x100000xf32, #tpu.memory_space<vmem_shared>> -> memref<1x100000xf32, #tpu.memory_space<vmem_shared>>
    %dma_start3A_444 = tpu.memref_squeeze %dma_start3A_443 : memref<1x100000xf32, #tpu.memory_space<vmem_shared>> -> memref<100000xf32, #tpu.memory_space<vmem_shared>>
    %dma_start3A_445 = arith.constant 0 : i32
    %dma_start3A_446 = tpu.memref_slice %dma_start3A_444[%dma_start3A_445] : memref<100000xf32, #tpu.memory_space<vmem_shared>> -> memref<100000xf32, #tpu.memory_space<vmem_shared>>
    tpu.enqueue_indirect_dma source(%dma_start3A_446 : memref<100000xf32, #tpu.memory_space<vmem_shared>>) target(%dma_start3A_441 : memref<512xf32, #tpu.memory_space<vmem>>) offsets(%arg6 : memref<512xi32, #tpu.memory_space<vmem>>) semaphore(%arg10 : memref<!tpu.dma_semaphore, #tpu.memory_space<semaphore_mem>>)
    %dma_start3A_447 = arith.constant 2 : i32
    %dma_start3A_448 = arith.constant 50 : i32
    %dma_start3A_449 = arith.constant 0 : i32
    %dma_start3A_450 = tpu.memref_slice %arg7[%dma_start3A_448, %dma_start3A_449] : memref<64x512xf32, #tpu.memory_space<vmem>> -> memref<1x512xf32, #tpu.memory_space<vmem>>
    %dma_start3A_451 = tpu.memref_squeeze %dma_start3A_450 : memref<1x512xf32, #tpu.memory_space<vmem>> -> memref<512xf32, #tpu.memory_space<vmem>>
    %dma_start3A_452 = arith.constant 0 : i32
    %dma_start3A_453 = tpu.memref_slice %arg8[%dma_start3A_447, %dma_start3A_452] : memref<4x100000xf32, #tpu.memory_space<vmem_shared>> -> memref<1x100000xf32, #tpu.memory_space<vmem_shared>>
    %dma_start3A_454 = tpu.memref_squeeze %dma_start3A_453 : memref<1x100000xf32, #tpu.memory_space<vmem_shared>> -> memref<100000xf32, #tpu.memory_space<vmem_shared>>
    %dma_start3A_455 = arith.constant 0 : i32
    %dma_start3A_456 = tpu.memref_slice %dma_start3A_454[%dma_start3A_455] : memref<100000xf32, #tpu.memory_space<vmem_shared>> -> memref<100000xf32, #tpu.memory_space<vmem_shared>>
    tpu.enqueue_indirect_dma source(%dma_start3A_456 : memref<100000xf32, #tpu.memory_space<vmem_shared>>) target(%dma_start3A_451 : memref<512xf32, #tpu.memory_space<vmem>>) offsets(%arg6 : memref<512xi32, #tpu.memory_space<vmem>>) semaphore(%arg10 : memref<!tpu.dma_semaphore, #tpu.memory_space<semaphore_mem>>)
    %dma_start3A_457 = arith.constant 3 : i32
    %dma_start3A_458 = arith.constant 51 : i32
    %dma_start3A_459 = arith.constant 0 : i32
    %dma_start3A_460 = tpu.memref_slice %arg7[%dma_start3A_458, %dma_start3A_459] : memref<64x512xf32, #tpu.memory_space<vmem>> -> memref<1x512xf32, #tpu.memory_space<vmem>>
    %dma_start3A_461 = tpu.memref_squeeze %dma_start3A_460 : memref<1x512xf32, #tpu.memory_space<vmem>> -> memref<512xf32, #tpu.memory_space<vmem>>
    %dma_start3A_462 = arith.constant 0 : i32
    %dma_start3A_463 = tpu.memref_slice %arg8[%dma_start3A_457, %dma_start3A_462] : memref<4x100000xf32, #tpu.memory_space<vmem_shared>> -> memref<1x100000xf32, #tpu.memory_space<vmem_shared>>
    %dma_start3A_464 = tpu.memref_squeeze %dma_start3A_463 : memref<1x100000xf32, #tpu.memory_space<vmem_shared>> -> memref<100000xf32, #tpu.memory_space<vmem_shared>>
    %dma_start3A_465 = arith.constant 0 : i32
    %dma_start3A_466 = tpu.memref_slice %dma_start3A_464[%dma_start3A_465] : memref<100000xf32, #tpu.memory_space<vmem_shared>> -> memref<100000xf32, #tpu.memory_space<vmem_shared>>
    tpu.enqueue_indirect_dma source(%dma_start3A_466 : memref<100000xf32, #tpu.memory_space<vmem_shared>>) target(%dma_start3A_461 : memref<512xf32, #tpu.memory_space<vmem>>) offsets(%arg6 : memref<512xi32, #tpu.memory_space<vmem>>) semaphore(%arg10 : memref<!tpu.dma_semaphore, #tpu.memory_space<semaphore_mem>>)
    %dma_wait3A_467 = arith.constant 0 : i32
    %dma_wait3A_468 = arith.constant 48 : i32
    %dma_wait3A_469 = arith.constant 0 : i32
    %dma_wait3A_470 = tpu.memref_slice %arg7[%dma_wait3A_468, %dma_wait3A_469] : memref<64x512xf32, #tpu.memory_space<vmem>> -> memref<1x512xf32, #tpu.memory_space<vmem>>
    %dma_wait3A_471 = tpu.memref_squeeze %dma_wait3A_470 : memref<1x512xf32, #tpu.memory_space<vmem>> -> memref<512xf32, #tpu.memory_space<vmem>>
    %dma_wait3A_472 = arith.constant 0 : i32
    %dma_wait3A_473 = tpu.memref_slice %arg8[%dma_wait3A_467, %dma_wait3A_472] : memref<4x100000xf32, #tpu.memory_space<vmem_shared>> -> memref<1x100000xf32, #tpu.memory_space<vmem_shared>>
    %dma_wait3A_474 = tpu.memref_squeeze %dma_wait3A_473 : memref<1x100000xf32, #tpu.memory_space<vmem_shared>> -> memref<100000xf32, #tpu.memory_space<vmem_shared>>
    %dma_wait3A_475 = arith.constant 0 : i32
    %dma_wait3A_476 = tpu.memref_slice %dma_wait3A_474[%dma_wait3A_475] : memref<100000xf32, #tpu.memory_space<vmem_shared>> -> memref<100000xf32, #tpu.memory_space<vmem_shared>>
    tpu.wait_indirect_dma semaphore(%arg10 : memref<!tpu.dma_semaphore, #tpu.memory_space<semaphore_mem>>) src(%dma_wait3A_476 : memref<100000xf32, #tpu.memory_space<vmem_shared>>) dst(%dma_wait3A_471 : memref<512xf32, #tpu.memory_space<vmem>>)
    %dma_wait3A_477 = arith.constant 1 : i32
    %dma_wait3A_478 = arith.constant 49 : i32
    %dma_wait3A_479 = arith.constant 0 : i32
    %dma_wait3A_480 = tpu.memref_slice %arg7[%dma_wait3A_478, %dma_wait3A_479] : memref<64x512xf32, #tpu.memory_space<vmem>> -> memref<1x512xf32, #tpu.memory_space<vmem>>
    %dma_wait3A_481 = tpu.memref_squeeze %dma_wait3A_480 : memref<1x512xf32, #tpu.memory_space<vmem>> -> memref<512xf32, #tpu.memory_space<vmem>>
    %dma_wait3A_482 = arith.constant 0 : i32
    %dma_wait3A_483 = tpu.memref_slice %arg8[%dma_wait3A_477, %dma_wait3A_482] : memref<4x100000xf32, #tpu.memory_space<vmem_shared>> -> memref<1x100000xf32, #tpu.memory_space<vmem_shared>>
    %dma_wait3A_484 = tpu.memref_squeeze %dma_wait3A_483 : memref<1x100000xf32, #tpu.memory_space<vmem_shared>> -> memref<100000xf32, #tpu.memory_space<vmem_shared>>
    %dma_wait3A_485 = arith.constant 0 : i32
    %dma_wait3A_486 = tpu.memref_slice %dma_wait3A_484[%dma_wait3A_485] : memref<100000xf32, #tpu.memory_space<vmem_shared>> -> memref<100000xf32, #tpu.memory_space<vmem_shared>>
    tpu.wait_indirect_dma semaphore(%arg10 : memref<!tpu.dma_semaphore, #tpu.memory_space<semaphore_mem>>) src(%dma_wait3A_486 : memref<100000xf32, #tpu.memory_space<vmem_shared>>) dst(%dma_wait3A_481 : memref<512xf32, #tpu.memory_space<vmem>>)
    %dma_wait3A_487 = arith.constant 2 : i32
    %dma_wait3A_488 = arith.constant 50 : i32
    %dma_wait3A_489 = arith.constant 0 : i32
    %dma_wait3A_490 = tpu.memref_slice %arg7[%dma_wait3A_488, %dma_wait3A_489] : memref<64x512xf32, #tpu.memory_space<vmem>> -> memref<1x512xf32, #tpu.memory_space<vmem>>
    %dma_wait3A_491 = tpu.memref_squeeze %dma_wait3A_490 : memref<1x512xf32, #tpu.memory_space<vmem>> -> memref<512xf32, #tpu.memory_space<vmem>>
    %dma_wait3A_492 = arith.constant 0 : i32
    %dma_wait3A_493 = tpu.memref_slice %arg8[%dma_wait3A_487, %dma_wait3A_492] : memref<4x100000xf32, #tpu.memory_space<vmem_shared>> -> memref<1x100000xf32, #tpu.memory_space<vmem_shared>>
    %dma_wait3A_494 = tpu.memref_squeeze %dma_wait3A_493 : memref<1x100000xf32, #tpu.memory_space<vmem_shared>> -> memref<100000xf32, #tpu.memory_space<vmem_shared>>
    %dma_wait3A_495 = arith.constant 0 : i32
    %dma_wait3A_496 = tpu.memref_slice %dma_wait3A_494[%dma_wait3A_495] : memref<100000xf32, #tpu.memory_space<vmem_shared>> -> memref<100000xf32, #tpu.memory_space<vmem_shared>>
    tpu.wait_indirect_dma semaphore(%arg10 : memref<!tpu.dma_semaphore, #tpu.memory_space<semaphore_mem>>) src(%dma_wait3A_496 : memref<100000xf32, #tpu.memory_space<vmem_shared>>) dst(%dma_wait3A_491 : memref<512xf32, #tpu.memory_space<vmem>>)
    %dma_wait3A_497 = arith.constant 3 : i32
    %dma_wait3A_498 = arith.constant 51 : i32
    %dma_wait3A_499 = arith.constant 0 : i32
    %dma_wait3A_500 = tpu.memref_slice %arg7[%dma_wait3A_498, %dma_wait3A_499] : memref<64x512xf32, #tpu.memory_space<vmem>> -> memref<1x512xf32, #tpu.memory_space<vmem>>
    %dma_wait3A_501 = tpu.memref_squeeze %dma_wait3A_500 : memref<1x512xf32, #tpu.memory_space<vmem>> -> memref<512xf32, #tpu.memory_space<vmem>>
    %dma_wait3A_502 = arith.constant 0 : i32
    %dma_wait3A_503 = tpu.memref_slice %arg8[%dma_wait3A_497, %dma_wait3A_502] : memref<4x100000xf32, #tpu.memory_space<vmem_shared>> -> memref<1x100000xf32, #tpu.memory_space<vmem_shared>>
    %dma_wait3A_504 = tpu.memref_squeeze %dma_wait3A_503 : memref<1x100000xf32, #tpu.memory_space<vmem_shared>> -> memref<100000xf32, #tpu.memory_space<vmem_shared>>
    %dma_wait3A_505 = arith.constant 0 : i32
    %dma_wait3A_506 = tpu.memref_slice %dma_wait3A_504[%dma_wait3A_505] : memref<100000xf32, #tpu.memory_space<vmem_shared>> -> memref<100000xf32, #tpu.memory_space<vmem_shared>>
    tpu.wait_indirect_dma semaphore(%arg10 : memref<!tpu.dma_semaphore, #tpu.memory_space<semaphore_mem>>) src(%dma_wait3A_506 : memref<100000xf32, #tpu.memory_space<vmem_shared>>) dst(%dma_wait3A_501 : memref<512xf32, #tpu.memory_space<vmem>>)
    %barrier3A_507 = arith.constant 0 : index
    tpu.barrier barrier_id(%barrier3A_507)
    %add3A_508 = arith.constant 20 : i32
    %add3A_509 = arith.addi %add3A_508, %select_n3A : i32
    %dma_wait3A_510 = tpu.memref_slice %arg9[%select_n3A, %mul3A_34] : memref<4x100000xf32, #tpu.memory_space<vmem_shared>> -> memref<1x25000xf32, #tpu.memory_space<vmem_shared>>
    %dma_wait3A_511 = tpu.memref_squeeze %dma_wait3A_510 : memref<1x25000xf32, #tpu.memory_space<vmem_shared>> -> memref<25000xf32, #tpu.memory_space<vmem_shared>>
    %dma_wait3A_512 = tpu.memref_slice %arg3[%add3A_509, %mul3A_34] : memref<32x100000xf32, #tpu.memory_space<hbm>> -> memref<1x25000xf32, #tpu.memory_space<hbm>>
    %dma_wait3A_513 = tpu.memref_squeeze %dma_wait3A_512 : memref<1x25000xf32, #tpu.memory_space<hbm>> -> memref<25000xf32, #tpu.memory_space<hbm>>
    tpu.wait_dma2 semaphore(%arg11 : memref<!tpu.dma_semaphore, #tpu.memory_space<semaphore_mem>>) src(%dma_wait3A_513 : memref<25000xf32, #tpu.memory_space<hbm>>) dst(%dma_wait3A_511 : memref<25000xf32, #tpu.memory_space<vmem_shared>>)
    %barrier3A_514 = arith.constant 0 : index
    tpu.barrier barrier_id(%barrier3A_514)
    %add3A_515 = arith.constant 24 : i32
    %add3A_516 = arith.addi %add3A_515, %select_n3A : i32
    %dma_start3A_517 = tpu.memref_slice %arg8[%select_n3A, %mul3A_34] : memref<4x100000xf32, #tpu.memory_space<vmem_shared>> -> memref<1x25000xf32, #tpu.memory_space<vmem_shared>>
    %dma_start3A_518 = tpu.memref_squeeze %dma_start3A_517 : memref<1x25000xf32, #tpu.memory_space<vmem_shared>> -> memref<25000xf32, #tpu.memory_space<vmem_shared>>
    %dma_start3A_519 = tpu.memref_slice %arg3[%add3A_516, %mul3A_34] : memref<32x100000xf32, #tpu.memory_space<hbm>> -> memref<1x25000xf32, #tpu.memory_space<hbm>>
    %dma_start3A_520 = tpu.memref_squeeze %dma_start3A_519 : memref<1x25000xf32, #tpu.memory_space<hbm>> -> memref<25000xf32, #tpu.memory_space<hbm>>
    tpu.enqueue_dma source(%dma_start3A_520 : memref<25000xf32, #tpu.memory_space<hbm>>) target(%dma_start3A_518 : memref<25000xf32, #tpu.memory_space<vmem_shared>>) target_semaphore(%arg11 : memref<!tpu.dma_semaphore, #tpu.memory_space<semaphore_mem>>)
    %dma_start3A_521 = arith.constant 0 : i32
    %dma_start3A_522 = arith.constant 52 : i32
    %dma_start3A_523 = arith.constant 0 : i32
    %dma_start3A_524 = tpu.memref_slice %arg7[%dma_start3A_522, %dma_start3A_523] : memref<64x512xf32, #tpu.memory_space<vmem>> -> memref<1x512xf32, #tpu.memory_space<vmem>>
    %dma_start3A_525 = tpu.memref_squeeze %dma_start3A_524 : memref<1x512xf32, #tpu.memory_space<vmem>> -> memref<512xf32, #tpu.memory_space<vmem>>
    %dma_start3A_526 = arith.constant 0 : i32
    %dma_start3A_527 = tpu.memref_slice %arg9[%dma_start3A_521, %dma_start3A_526] : memref<4x100000xf32, #tpu.memory_space<vmem_shared>> -> memref<1x100000xf32, #tpu.memory_space<vmem_shared>>
    %dma_start3A_528 = tpu.memref_squeeze %dma_start3A_527 : memref<1x100000xf32, #tpu.memory_space<vmem_shared>> -> memref<100000xf32, #tpu.memory_space<vmem_shared>>
    %dma_start3A_529 = arith.constant 0 : i32
    %dma_start3A_530 = tpu.memref_slice %dma_start3A_528[%dma_start3A_529] : memref<100000xf32, #tpu.memory_space<vmem_shared>> -> memref<100000xf32, #tpu.memory_space<vmem_shared>>
    tpu.enqueue_indirect_dma source(%dma_start3A_530 : memref<100000xf32, #tpu.memory_space<vmem_shared>>) target(%dma_start3A_525 : memref<512xf32, #tpu.memory_space<vmem>>) offsets(%arg6 : memref<512xi32, #tpu.memory_space<vmem>>) semaphore(%arg10 : memref<!tpu.dma_semaphore, #tpu.memory_space<semaphore_mem>>)
    %dma_start3A_531 = arith.constant 1 : i32
    %dma_start3A_532 = arith.constant 53 : i32
    %dma_start3A_533 = arith.constant 0 : i32
    %dma_start3A_534 = tpu.memref_slice %arg7[%dma_start3A_532, %dma_start3A_533] : memref<64x512xf32, #tpu.memory_space<vmem>> -> memref<1x512xf32, #tpu.memory_space<vmem>>
    %dma_start3A_535 = tpu.memref_squeeze %dma_start3A_534 : memref<1x512xf32, #tpu.memory_space<vmem>> -> memref<512xf32, #tpu.memory_space<vmem>>
    %dma_start3A_536 = arith.constant 0 : i32
    %dma_start3A_537 = tpu.memref_slice %arg9[%dma_start3A_531, %dma_start3A_536] : memref<4x100000xf32, #tpu.memory_space<vmem_shared>> -> memref<1x100000xf32, #tpu.memory_space<vmem_shared>>
    %dma_start3A_538 = tpu.memref_squeeze %dma_start3A_537 : memref<1x100000xf32, #tpu.memory_space<vmem_shared>> -> memref<100000xf32, #tpu.memory_space<vmem_shared>>
    %dma_start3A_539 = arith.constant 0 : i32
    %dma_start3A_540 = tpu.memref_slice %dma_start3A_538[%dma_start3A_539] : memref<100000xf32, #tpu.memory_space<vmem_shared>> -> memref<100000xf32, #tpu.memory_space<vmem_shared>>
    tpu.enqueue_indirect_dma source(%dma_start3A_540 : memref<100000xf32, #tpu.memory_space<vmem_shared>>) target(%dma_start3A_535 : memref<512xf32, #tpu.memory_space<vmem>>) offsets(%arg6 : memref<512xi32, #tpu.memory_space<vmem>>) semaphore(%arg10 : memref<!tpu.dma_semaphore, #tpu.memory_space<semaphore_mem>>)
    %dma_start3A_541 = arith.constant 2 : i32
    %dma_start3A_542 = arith.constant 54 : i32
    %dma_start3A_543 = arith.constant 0 : i32
    %dma_start3A_544 = tpu.memref_slice %arg7[%dma_start3A_542, %dma_start3A_543] : memref<64x512xf32, #tpu.memory_space<vmem>> -> memref<1x512xf32, #tpu.memory_space<vmem>>
    %dma_start3A_545 = tpu.memref_squeeze %dma_start3A_544 : memref<1x512xf32, #tpu.memory_space<vmem>> -> memref<512xf32, #tpu.memory_space<vmem>>
    %dma_start3A_546 = arith.constant 0 : i32
    %dma_start3A_547 = tpu.memref_slice %arg9[%dma_start3A_541, %dma_start3A_546] : memref<4x100000xf32, #tpu.memory_space<vmem_shared>> -> memref<1x100000xf32, #tpu.memory_space<vmem_shared>>
    %dma_start3A_548 = tpu.memref_squeeze %dma_start3A_547 : memref<1x100000xf32, #tpu.memory_space<vmem_shared>> -> memref<100000xf32, #tpu.memory_space<vmem_shared>>
    %dma_start3A_549 = arith.constant 0 : i32
    %dma_start3A_550 = tpu.memref_slice %dma_start3A_548[%dma_start3A_549] : memref<100000xf32, #tpu.memory_space<vmem_shared>> -> memref<100000xf32, #tpu.memory_space<vmem_shared>>
    tpu.enqueue_indirect_dma source(%dma_start3A_550 : memref<100000xf32, #tpu.memory_space<vmem_shared>>) target(%dma_start3A_545 : memref<512xf32, #tpu.memory_space<vmem>>) offsets(%arg6 : memref<512xi32, #tpu.memory_space<vmem>>) semaphore(%arg10 : memref<!tpu.dma_semaphore, #tpu.memory_space<semaphore_mem>>)
    %dma_start3A_551 = arith.constant 3 : i32
    %dma_start3A_552 = arith.constant 55 : i32
    %dma_start3A_553 = arith.constant 0 : i32
    %dma_start3A_554 = tpu.memref_slice %arg7[%dma_start3A_552, %dma_start3A_553] : memref<64x512xf32, #tpu.memory_space<vmem>> -> memref<1x512xf32, #tpu.memory_space<vmem>>
    %dma_start3A_555 = tpu.memref_squeeze %dma_start3A_554 : memref<1x512xf32, #tpu.memory_space<vmem>> -> memref<512xf32, #tpu.memory_space<vmem>>
    %dma_start3A_556 = arith.constant 0 : i32
    %dma_start3A_557 = tpu.memref_slice %arg9[%dma_start3A_551, %dma_start3A_556] : memref<4x100000xf32, #tpu.memory_space<vmem_shared>> -> memref<1x100000xf32, #tpu.memory_space<vmem_shared>>
    %dma_start3A_558 = tpu.memref_squeeze %dma_start3A_557 : memref<1x100000xf32, #tpu.memory_space<vmem_shared>> -> memref<100000xf32, #tpu.memory_space<vmem_shared>>
    %dma_start3A_559 = arith.constant 0 : i32
    %dma_start3A_560 = tpu.memref_slice %dma_start3A_558[%dma_start3A_559] : memref<100000xf32, #tpu.memory_space<vmem_shared>> -> memref<100000xf32, #tpu.memory_space<vmem_shared>>
    tpu.enqueue_indirect_dma source(%dma_start3A_560 : memref<100000xf32, #tpu.memory_space<vmem_shared>>) target(%dma_start3A_555 : memref<512xf32, #tpu.memory_space<vmem>>) offsets(%arg6 : memref<512xi32, #tpu.memory_space<vmem>>) semaphore(%arg10 : memref<!tpu.dma_semaphore, #tpu.memory_space<semaphore_mem>>)
    %dma_wait3A_561 = arith.constant 0 : i32
    %dma_wait3A_562 = arith.constant 52 : i32
    %dma_wait3A_563 = arith.constant 0 : i32
    %dma_wait3A_564 = tpu.memref_slice %arg7[%dma_wait3A_562, %dma_wait3A_563] : memref<64x512xf32, #tpu.memory_space<vmem>> -> memref<1x512xf32, #tpu.memory_space<vmem>>
    %dma_wait3A_565 = tpu.memref_squeeze %dma_wait3A_564 : memref<1x512xf32, #tpu.memory_space<vmem>> -> memref<512xf32, #tpu.memory_space<vmem>>
    %dma_wait3A_566 = arith.constant 0 : i32
    %dma_wait3A_567 = tpu.memref_slice %arg9[%dma_wait3A_561, %dma_wait3A_566] : memref<4x100000xf32, #tpu.memory_space<vmem_shared>> -> memref<1x100000xf32, #tpu.memory_space<vmem_shared>>
    %dma_wait3A_568 = tpu.memref_squeeze %dma_wait3A_567 : memref<1x100000xf32, #tpu.memory_space<vmem_shared>> -> memref<100000xf32, #tpu.memory_space<vmem_shared>>
    %dma_wait3A_569 = arith.constant 0 : i32
    %dma_wait3A_570 = tpu.memref_slice %dma_wait3A_568[%dma_wait3A_569] : memref<100000xf32, #tpu.memory_space<vmem_shared>> -> memref<100000xf32, #tpu.memory_space<vmem_shared>>
    tpu.wait_indirect_dma semaphore(%arg10 : memref<!tpu.dma_semaphore, #tpu.memory_space<semaphore_mem>>) src(%dma_wait3A_570 : memref<100000xf32, #tpu.memory_space<vmem_shared>>) dst(%dma_wait3A_565 : memref<512xf32, #tpu.memory_space<vmem>>)
    %dma_wait3A_571 = arith.constant 1 : i32
    %dma_wait3A_572 = arith.constant 53 : i32
    %dma_wait3A_573 = arith.constant 0 : i32
    %dma_wait3A_574 = tpu.memref_slice %arg7[%dma_wait3A_572, %dma_wait3A_573] : memref<64x512xf32, #tpu.memory_space<vmem>> -> memref<1x512xf32, #tpu.memory_space<vmem>>
    %dma_wait3A_575 = tpu.memref_squeeze %dma_wait3A_574 : memref<1x512xf32, #tpu.memory_space<vmem>> -> memref<512xf32, #tpu.memory_space<vmem>>
    %dma_wait3A_576 = arith.constant 0 : i32
    %dma_wait3A_577 = tpu.memref_slice %arg9[%dma_wait3A_571, %dma_wait3A_576] : memref<4x100000xf32, #tpu.memory_space<vmem_shared>> -> memref<1x100000xf32, #tpu.memory_space<vmem_shared>>
    %dma_wait3A_578 = tpu.memref_squeeze %dma_wait3A_577 : memref<1x100000xf32, #tpu.memory_space<vmem_shared>> -> memref<100000xf32, #tpu.memory_space<vmem_shared>>
    %dma_wait3A_579 = arith.constant 0 : i32
    %dma_wait3A_580 = tpu.memref_slice %dma_wait3A_578[%dma_wait3A_579] : memref<100000xf32, #tpu.memory_space<vmem_shared>> -> memref<100000xf32, #tpu.memory_space<vmem_shared>>
    tpu.wait_indirect_dma semaphore(%arg10 : memref<!tpu.dma_semaphore, #tpu.memory_space<semaphore_mem>>) src(%dma_wait3A_580 : memref<100000xf32, #tpu.memory_space<vmem_shared>>) dst(%dma_wait3A_575 : memref<512xf32, #tpu.memory_space<vmem>>)
    %dma_wait3A_581 = arith.constant 2 : i32
    %dma_wait3A_582 = arith.constant 54 : i32
    %dma_wait3A_583 = arith.constant 0 : i32
    %dma_wait3A_584 = tpu.memref_slice %arg7[%dma_wait3A_582, %dma_wait3A_583] : memref<64x512xf32, #tpu.memory_space<vmem>> -> memref<1x512xf32, #tpu.memory_space<vmem>>
    %dma_wait3A_585 = tpu.memref_squeeze %dma_wait3A_584 : memref<1x512xf32, #tpu.memory_space<vmem>> -> memref<512xf32, #tpu.memory_space<vmem>>
    %dma_wait3A_586 = arith.constant 0 : i32
    %dma_wait3A_587 = tpu.memref_slice %arg9[%dma_wait3A_581, %dma_wait3A_586] : memref<4x100000xf32, #tpu.memory_space<vmem_shared>> -> memref<1x100000xf32, #tpu.memory_space<vmem_shared>>
    %dma_wait3A_588 = tpu.memref_squeeze %dma_wait3A_587 : memref<1x100000xf32, #tpu.memory_space<vmem_shared>> -> memref<100000xf32, #tpu.memory_space<vmem_shared>>
    %dma_wait3A_589 = arith.constant 0 : i32
    %dma_wait3A_590 = tpu.memref_slice %dma_wait3A_588[%dma_wait3A_589] : memref<100000xf32, #tpu.memory_space<vmem_shared>> -> memref<100000xf32, #tpu.memory_space<vmem_shared>>
    tpu.wait_indirect_dma semaphore(%arg10 : memref<!tpu.dma_semaphore, #tpu.memory_space<semaphore_mem>>) src(%dma_wait3A_590 : memref<100000xf32, #tpu.memory_space<vmem_shared>>) dst(%dma_wait3A_585 : memref<512xf32, #tpu.memory_space<vmem>>)
    %dma_wait3A_591 = arith.constant 3 : i32
    %dma_wait3A_592 = arith.constant 55 : i32
    %dma_wait3A_593 = arith.constant 0 : i32
    %dma_wait3A_594 = tpu.memref_slice %arg7[%dma_wait3A_592, %dma_wait3A_593] : memref<64x512xf32, #tpu.memory_space<vmem>> -> memref<1x512xf32, #tpu.memory_space<vmem>>
    %dma_wait3A_595 = tpu.memref_squeeze %dma_wait3A_594 : memref<1x512xf32, #tpu.memory_space<vmem>> -> memref<512xf32, #tpu.memory_space<vmem>>
    %dma_wait3A_596 = arith.constant 0 : i32
    %dma_wait3A_597 = tpu.memref_slice %arg9[%dma_wait3A_591, %dma_wait3A_596] : memref<4x100000xf32, #tpu.memory_space<vmem_shared>> -> memref<1x100000xf32, #tpu.memory_space<vmem_shared>>
    %dma_wait3A_598 = tpu.memref_squeeze %dma_wait3A_597 : memref<1x100000xf32, #tpu.memory_space<vmem_shared>> -> memref<100000xf32, #tpu.memory_space<vmem_shared>>
    %dma_wait3A_599 = arith.constant 0 : i32
    %dma_wait3A_600 = tpu.memref_slice %dma_wait3A_598[%dma_wait3A_599] : memref<100000xf32, #tpu.memory_space<vmem_shared>> -> memref<100000xf32, #tpu.memory_space<vmem_shared>>
    tpu.wait_indirect_dma semaphore(%arg10 : memref<!tpu.dma_semaphore, #tpu.memory_space<semaphore_mem>>) src(%dma_wait3A_600 : memref<100000xf32, #tpu.memory_space<vmem_shared>>) dst(%dma_wait3A_595 : memref<512xf32, #tpu.memory_space<vmem>>)
    %barrier3A_601 = arith.constant 0 : index
    tpu.barrier barrier_id(%barrier3A_601)
    %add3A_602 = arith.constant 24 : i32
    %add3A_603 = arith.addi %add3A_602, %select_n3A : i32
    %dma_wait3A_604 = tpu.memref_slice %arg8[%select_n3A, %mul3A_34] : memref<4x100000xf32, #tpu.memory_space<vmem_shared>> -> memref<1x25000xf32, #tpu.memory_space<vmem_shared>>
    %dma_wait3A_605 = tpu.memref_squeeze %dma_wait3A_604 : memref<1x25000xf32, #tpu.memory_space<vmem_shared>> -> memref<25000xf32, #tpu.memory_space<vmem_shared>>
    %dma_wait3A_606 = tpu.memref_slice %arg3[%add3A_603, %mul3A_34] : memref<32x100000xf32, #tpu.memory_space<hbm>> -> memref<1x25000xf32, #tpu.memory_space<hbm>>
    %dma_wait3A_607 = tpu.memref_squeeze %dma_wait3A_606 : memref<1x25000xf32, #tpu.memory_space<hbm>> -> memref<25000xf32, #tpu.memory_space<hbm>>
    tpu.wait_dma2 semaphore(%arg11 : memref<!tpu.dma_semaphore, #tpu.memory_space<semaphore_mem>>) src(%dma_wait3A_607 : memref<25000xf32, #tpu.memory_space<hbm>>) dst(%dma_wait3A_605 : memref<25000xf32, #tpu.memory_space<vmem_shared>>)
    %barrier3A_608 = arith.constant 0 : index
    tpu.barrier barrier_id(%barrier3A_608)
    %add3A_609 = arith.constant 28 : i32
    %add3A_610 = arith.addi %add3A_609, %select_n3A : i32
    %dma_start3A_611 = tpu.memref_slice %arg9[%select_n3A, %mul3A_34] : memref<4x100000xf32, #tpu.memory_space<vmem_shared>> -> memref<1x25000xf32, #tpu.memory_space<vmem_shared>>
    %dma_start3A_612 = tpu.memref_squeeze %dma_start3A_611 : memref<1x25000xf32, #tpu.memory_space<vmem_shared>> -> memref<25000xf32, #tpu.memory_space<vmem_shared>>
    %dma_start3A_613 = tpu.memref_slice %arg3[%add3A_610, %mul3A_34] : memref<32x100000xf32, #tpu.memory_space<hbm>> -> memref<1x25000xf32, #tpu.memory_space<hbm>>
    %dma_start3A_614 = tpu.memref_squeeze %dma_start3A_613 : memref<1x25000xf32, #tpu.memory_space<hbm>> -> memref<25000xf32, #tpu.memory_space<hbm>>
    tpu.enqueue_dma source(%dma_start3A_614 : memref<25000xf32, #tpu.memory_space<hbm>>) target(%dma_start3A_612 : memref<25000xf32, #tpu.memory_space<vmem_shared>>) target_semaphore(%arg11 : memref<!tpu.dma_semaphore, #tpu.memory_space<semaphore_mem>>)
    %dma_start3A_615 = arith.constant 0 : i32
    %dma_start3A_616 = arith.constant 56 : i32
    %dma_start3A_617 = arith.constant 0 : i32
    %dma_start3A_618 = tpu.memref_slice %arg7[%dma_start3A_616, %dma_start3A_617] : memref<64x512xf32, #tpu.memory_space<vmem>> -> memref<1x512xf32, #tpu.memory_space<vmem>>
    %dma_start3A_619 = tpu.memref_squeeze %dma_start3A_618 : memref<1x512xf32, #tpu.memory_space<vmem>> -> memref<512xf32, #tpu.memory_space<vmem>>
    %dma_start3A_620 = arith.constant 0 : i32
    %dma_start3A_621 = tpu.memref_slice %arg8[%dma_start3A_615, %dma_start3A_620] : memref<4x100000xf32, #tpu.memory_space<vmem_shared>> -> memref<1x100000xf32, #tpu.memory_space<vmem_shared>>
    %dma_start3A_622 = tpu.memref_squeeze %dma_start3A_621 : memref<1x100000xf32, #tpu.memory_space<vmem_shared>> -> memref<100000xf32, #tpu.memory_space<vmem_shared>>
    %dma_start3A_623 = arith.constant 0 : i32
    %dma_start3A_624 = tpu.memref_slice %dma_start3A_622[%dma_start3A_623] : memref<100000xf32, #tpu.memory_space<vmem_shared>> -> memref<100000xf32, #tpu.memory_space<vmem_shared>>
    tpu.enqueue_indirect_dma source(%dma_start3A_624 : memref<100000xf32, #tpu.memory_space<vmem_shared>>) target(%dma_start3A_619 : memref<512xf32, #tpu.memory_space<vmem>>) offsets(%arg6 : memref<512xi32, #tpu.memory_space<vmem>>) semaphore(%arg10 : memref<!tpu.dma_semaphore, #tpu.memory_space<semaphore_mem>>)
    %dma_start3A_625 = arith.constant 1 : i32
    %dma_start3A_626 = arith.constant 57 : i32
    %dma_start3A_627 = arith.constant 0 : i32
    %dma_start3A_628 = tpu.memref_slice %arg7[%dma_start3A_626, %dma_start3A_627] : memref<64x512xf32, #tpu.memory_space<vmem>> -> memref<1x512xf32, #tpu.memory_space<vmem>>
    %dma_start3A_629 = tpu.memref_squeeze %dma_start3A_628 : memref<1x512xf32, #tpu.memory_space<vmem>> -> memref<512xf32, #tpu.memory_space<vmem>>
    %dma_start3A_630 = arith.constant 0 : i32
    %dma_start3A_631 = tpu.memref_slice %arg8[%dma_start3A_625, %dma_start3A_630] : memref<4x100000xf32, #tpu.memory_space<vmem_shared>> -> memref<1x100000xf32, #tpu.memory_space<vmem_shared>>
    %dma_start3A_632 = tpu.memref_squeeze %dma_start3A_631 : memref<1x100000xf32, #tpu.memory_space<vmem_shared>> -> memref<100000xf32, #tpu.memory_space<vmem_shared>>
    %dma_start3A_633 = arith.constant 0 : i32
    %dma_start3A_634 = tpu.memref_slice %dma_start3A_632[%dma_start3A_633] : memref<100000xf32, #tpu.memory_space<vmem_shared>> -> memref<100000xf32, #tpu.memory_space<vmem_shared>>
    tpu.enqueue_indirect_dma source(%dma_start3A_634 : memref<100000xf32, #tpu.memory_space<vmem_shared>>) target(%dma_start3A_629 : memref<512xf32, #tpu.memory_space<vmem>>) offsets(%arg6 : memref<512xi32, #tpu.memory_space<vmem>>) semaphore(%arg10 : memref<!tpu.dma_semaphore, #tpu.memory_space<semaphore_mem>>)
    %dma_start3A_635 = arith.constant 2 : i32
    %dma_start3A_636 = arith.constant 58 : i32
    %dma_start3A_637 = arith.constant 0 : i32
    %dma_start3A_638 = tpu.memref_slice %arg7[%dma_start3A_636, %dma_start3A_637] : memref<64x512xf32, #tpu.memory_space<vmem>> -> memref<1x512xf32, #tpu.memory_space<vmem>>
    %dma_start3A_639 = tpu.memref_squeeze %dma_start3A_638 : memref<1x512xf32, #tpu.memory_space<vmem>> -> memref<512xf32, #tpu.memory_space<vmem>>
    %dma_start3A_640 = arith.constant 0 : i32
    %dma_start3A_641 = tpu.memref_slice %arg8[%dma_start3A_635, %dma_start3A_640] : memref<4x100000xf32, #tpu.memory_space<vmem_shared>> -> memref<1x100000xf32, #tpu.memory_space<vmem_shared>>
    %dma_start3A_642 = tpu.memref_squeeze %dma_start3A_641 : memref<1x100000xf32, #tpu.memory_space<vmem_shared>> -> memref<100000xf32, #tpu.memory_space<vmem_shared>>
    %dma_start3A_643 = arith.constant 0 : i32
    %dma_start3A_644 = tpu.memref_slice %dma_start3A_642[%dma_start3A_643] : memref<100000xf32, #tpu.memory_space<vmem_shared>> -> memref<100000xf32, #tpu.memory_space<vmem_shared>>
    tpu.enqueue_indirect_dma source(%dma_start3A_644 : memref<100000xf32, #tpu.memory_space<vmem_shared>>) target(%dma_start3A_639 : memref<512xf32, #tpu.memory_space<vmem>>) offsets(%arg6 : memref<512xi32, #tpu.memory_space<vmem>>) semaphore(%arg10 : memref<!tpu.dma_semaphore, #tpu.memory_space<semaphore_mem>>)
    %dma_start3A_645 = arith.constant 3 : i32
    %dma_start3A_646 = arith.constant 59 : i32
    %dma_start3A_647 = arith.constant 0 : i32
    %dma_start3A_648 = tpu.memref_slice %arg7[%dma_start3A_646, %dma_start3A_647] : memref<64x512xf32, #tpu.memory_space<vmem>> -> memref<1x512xf32, #tpu.memory_space<vmem>>
    %dma_start3A_649 = tpu.memref_squeeze %dma_start3A_648 : memref<1x512xf32, #tpu.memory_space<vmem>> -> memref<512xf32, #tpu.memory_space<vmem>>
    %dma_start3A_650 = arith.constant 0 : i32
    %dma_start3A_651 = tpu.memref_slice %arg8[%dma_start3A_645, %dma_start3A_650] : memref<4x100000xf32, #tpu.memory_space<vmem_shared>> -> memref<1x100000xf32, #tpu.memory_space<vmem_shared>>
    %dma_start3A_652 = tpu.memref_squeeze %dma_start3A_651 : memref<1x100000xf32, #tpu.memory_space<vmem_shared>> -> memref<100000xf32, #tpu.memory_space<vmem_shared>>
    %dma_start3A_653 = arith.constant 0 : i32
    %dma_start3A_654 = tpu.memref_slice %dma_start3A_652[%dma_start3A_653] : memref<100000xf32, #tpu.memory_space<vmem_shared>> -> memref<100000xf32, #tpu.memory_space<vmem_shared>>
    tpu.enqueue_indirect_dma source(%dma_start3A_654 : memref<100000xf32, #tpu.memory_space<vmem_shared>>) target(%dma_start3A_649 : memref<512xf32, #tpu.memory_space<vmem>>) offsets(%arg6 : memref<512xi32, #tpu.memory_space<vmem>>) semaphore(%arg10 : memref<!tpu.dma_semaphore, #tpu.memory_space<semaphore_mem>>)
    %dma_wait3A_655 = arith.constant 0 : i32
    %dma_wait3A_656 = arith.constant 56 : i32
    %dma_wait3A_657 = arith.constant 0 : i32
    %dma_wait3A_658 = tpu.memref_slice %arg7[%dma_wait3A_656, %dma_wait3A_657] : memref<64x512xf32, #tpu.memory_space<vmem>> -> memref<1x512xf32, #tpu.memory_space<vmem>>
    %dma_wait3A_659 = tpu.memref_squeeze %dma_wait3A_658 : memref<1x512xf32, #tpu.memory_space<vmem>> -> memref<512xf32, #tpu.memory_space<vmem>>
    %dma_wait3A_660 = arith.constant 0 : i32
    %dma_wait3A_661 = tpu.memref_slice %arg8[%dma_wait3A_655, %dma_wait3A_660] : memref<4x100000xf32, #tpu.memory_space<vmem_shared>> -> memref<1x100000xf32, #tpu.memory_space<vmem_shared>>
    %dma_wait3A_662 = tpu.memref_squeeze %dma_wait3A_661 : memref<1x100000xf32, #tpu.memory_space<vmem_shared>> -> memref<100000xf32, #tpu.memory_space<vmem_shared>>
    %dma_wait3A_663 = arith.constant 0 : i32
    %dma_wait3A_664 = tpu.memref_slice %dma_wait3A_662[%dma_wait3A_663] : memref<100000xf32, #tpu.memory_space<vmem_shared>> -> memref<100000xf32, #tpu.memory_space<vmem_shared>>
    tpu.wait_indirect_dma semaphore(%arg10 : memref<!tpu.dma_semaphore, #tpu.memory_space<semaphore_mem>>) src(%dma_wait3A_664 : memref<100000xf32, #tpu.memory_space<vmem_shared>>) dst(%dma_wait3A_659 : memref<512xf32, #tpu.memory_space<vmem>>)
    %dma_wait3A_665 = arith.constant 1 : i32
    %dma_wait3A_666 = arith.constant 57 : i32
    %dma_wait3A_667 = arith.constant 0 : i32
    %dma_wait3A_668 = tpu.memref_slice %arg7[%dma_wait3A_666, %dma_wait3A_667] : memref<64x512xf32, #tpu.memory_space<vmem>> -> memref<1x512xf32, #tpu.memory_space<vmem>>
    %dma_wait3A_669 = tpu.memref_squeeze %dma_wait3A_668 : memref<1x512xf32, #tpu.memory_space<vmem>> -> memref<512xf32, #tpu.memory_space<vmem>>
    %dma_wait3A_670 = arith.constant 0 : i32
    %dma_wait3A_671 = tpu.memref_slice %arg8[%dma_wait3A_665, %dma_wait3A_670] : memref<4x100000xf32, #tpu.memory_space<vmem_shared>> -> memref<1x100000xf32, #tpu.memory_space<vmem_shared>>
    %dma_wait3A_672 = tpu.memref_squeeze %dma_wait3A_671 : memref<1x100000xf32, #tpu.memory_space<vmem_shared>> -> memref<100000xf32, #tpu.memory_space<vmem_shared>>
    %dma_wait3A_673 = arith.constant 0 : i32
    %dma_wait3A_674 = tpu.memref_slice %dma_wait3A_672[%dma_wait3A_673] : memref<100000xf32, #tpu.memory_space<vmem_shared>> -> memref<100000xf32, #tpu.memory_space<vmem_shared>>
    tpu.wait_indirect_dma semaphore(%arg10 : memref<!tpu.dma_semaphore, #tpu.memory_space<semaphore_mem>>) src(%dma_wait3A_674 : memref<100000xf32, #tpu.memory_space<vmem_shared>>) dst(%dma_wait3A_669 : memref<512xf32, #tpu.memory_space<vmem>>)
    %dma_wait3A_675 = arith.constant 2 : i32
    %dma_wait3A_676 = arith.constant 58 : i32
    %dma_wait3A_677 = arith.constant 0 : i32
    %dma_wait3A_678 = tpu.memref_slice %arg7[%dma_wait3A_676, %dma_wait3A_677] : memref<64x512xf32, #tpu.memory_space<vmem>> -> memref<1x512xf32, #tpu.memory_space<vmem>>
    %dma_wait3A_679 = tpu.memref_squeeze %dma_wait3A_678 : memref<1x512xf32, #tpu.memory_space<vmem>> -> memref<512xf32, #tpu.memory_space<vmem>>
    %dma_wait3A_680 = arith.constant 0 : i32
    %dma_wait3A_681 = tpu.memref_slice %arg8[%dma_wait3A_675, %dma_wait3A_680] : memref<4x100000xf32, #tpu.memory_space<vmem_shared>> -> memref<1x100000xf32, #tpu.memory_space<vmem_shared>>
    %dma_wait3A_682 = tpu.memref_squeeze %dma_wait3A_681 : memref<1x100000xf32, #tpu.memory_space<vmem_shared>> -> memref<100000xf32, #tpu.memory_space<vmem_shared>>
    %dma_wait3A_683 = arith.constant 0 : i32
    %dma_wait3A_684 = tpu.memref_slice %dma_wait3A_682[%dma_wait3A_683] : memref<100000xf32, #tpu.memory_space<vmem_shared>> -> memref<100000xf32, #tpu.memory_space<vmem_shared>>
    tpu.wait_indirect_dma semaphore(%arg10 : memref<!tpu.dma_semaphore, #tpu.memory_space<semaphore_mem>>) src(%dma_wait3A_684 : memref<100000xf32, #tpu.memory_space<vmem_shared>>) dst(%dma_wait3A_679 : memref<512xf32, #tpu.memory_space<vmem>>)
    %dma_wait3A_685 = arith.constant 3 : i32
    %dma_wait3A_686 = arith.constant 59 : i32
    %dma_wait3A_687 = arith.constant 0 : i32
    %dma_wait3A_688 = tpu.memref_slice %arg7[%dma_wait3A_686, %dma_wait3A_687] : memref<64x512xf32, #tpu.memory_space<vmem>> -> memref<1x512xf32, #tpu.memory_space<vmem>>
    %dma_wait3A_689 = tpu.memref_squeeze %dma_wait3A_688 : memref<1x512xf32, #tpu.memory_space<vmem>> -> memref<512xf32, #tpu.memory_space<vmem>>
    %dma_wait3A_690 = arith.constant 0 : i32
    %dma_wait3A_691 = tpu.memref_slice %arg8[%dma_wait3A_685, %dma_wait3A_690] : memref<4x100000xf32, #tpu.memory_space<vmem_shared>> -> memref<1x100000xf32, #tpu.memory_space<vmem_shared>>
    %dma_wait3A_692 = tpu.memref_squeeze %dma_wait3A_691 : memref<1x100000xf32, #tpu.memory_space<vmem_shared>> -> memref<100000xf32, #tpu.memory_space<vmem_shared>>
    %dma_wait3A_693 = arith.constant 0 : i32
    %dma_wait3A_694 = tpu.memref_slice %dma_wait3A_692[%dma_wait3A_693] : memref<100000xf32, #tpu.memory_space<vmem_shared>> -> memref<100000xf32, #tpu.memory_space<vmem_shared>>
    tpu.wait_indirect_dma semaphore(%arg10 : memref<!tpu.dma_semaphore, #tpu.memory_space<semaphore_mem>>) src(%dma_wait3A_694 : memref<100000xf32, #tpu.memory_space<vmem_shared>>) dst(%dma_wait3A_689 : memref<512xf32, #tpu.memory_space<vmem>>)
    %barrier3A_695 = arith.constant 0 : index
    tpu.barrier barrier_id(%barrier3A_695)
    %add3A_696 = arith.constant 28 : i32
    %add3A_697 = arith.addi %add3A_696, %select_n3A : i32
    %dma_wait3A_698 = tpu.memref_slice %arg9[%select_n3A, %mul3A_34] : memref<4x100000xf32, #tpu.memory_space<vmem_shared>> -> memref<1x25000xf32, #tpu.memory_space<vmem_shared>>
    %dma_wait3A_699 = tpu.memref_squeeze %dma_wait3A_698 : memref<1x25000xf32, #tpu.memory_space<vmem_shared>> -> memref<25000xf32, #tpu.memory_space<vmem_shared>>
    %dma_wait3A_700 = tpu.memref_slice %arg3[%add3A_697, %mul3A_34] : memref<32x100000xf32, #tpu.memory_space<hbm>> -> memref<1x25000xf32, #tpu.memory_space<hbm>>
    %dma_wait3A_701 = tpu.memref_squeeze %dma_wait3A_700 : memref<1x25000xf32, #tpu.memory_space<hbm>> -> memref<25000xf32, #tpu.memory_space<hbm>>
    tpu.wait_dma2 semaphore(%arg11 : memref<!tpu.dma_semaphore, #tpu.memory_space<semaphore_mem>>) src(%dma_wait3A_701 : memref<25000xf32, #tpu.memory_space<hbm>>) dst(%dma_wait3A_699 : memref<25000xf32, #tpu.memory_space<vmem_shared>>)
    %barrier3A_702 = arith.constant 0 : index
    tpu.barrier barrier_id(%barrier3A_702)
    %dma_start3A_703 = arith.constant 0 : i32
    %dma_start3A_704 = arith.constant 60 : i32
    %dma_start3A_705 = arith.constant 0 : i32
    %dma_start3A_706 = tpu.memref_slice %arg7[%dma_start3A_704, %dma_start3A_705] : memref<64x512xf32, #tpu.memory_space<vmem>> -> memref<1x512xf32, #tpu.memory_space<vmem>>
    %dma_start3A_707 = tpu.memref_squeeze %dma_start3A_706 : memref<1x512xf32, #tpu.memory_space<vmem>> -> memref<512xf32, #tpu.memory_space<vmem>>
    %dma_start3A_708 = arith.constant 0 : i32
    %dma_start3A_709 = tpu.memref_slice %arg9[%dma_start3A_703, %dma_start3A_708] : memref<4x100000xf32, #tpu.memory_space<vmem_shared>> -> memref<1x100000xf32, #tpu.memory_space<vmem_shared>>
    %dma_start3A_710 = tpu.memref_squeeze %dma_start3A_709 : memref<1x100000xf32, #tpu.memory_space<vmem_shared>> -> memref<100000xf32, #tpu.memory_space<vmem_shared>>
    %dma_start3A_711 = arith.constant 0 : i32
    %dma_start3A_712 = tpu.memref_slice %dma_start3A_710[%dma_start3A_711] : memref<100000xf32, #tpu.memory_space<vmem_shared>> -> memref<100000xf32, #tpu.memory_space<vmem_shared>>
    tpu.enqueue_indirect_dma source(%dma_start3A_712 : memref<100000xf32, #tpu.memory_space<vmem_shared>>) target(%dma_start3A_707 : memref<512xf32, #tpu.memory_space<vmem>>) offsets(%arg6 : memref<512xi32, #tpu.memory_space<vmem>>) semaphore(%arg10 : memref<!tpu.dma_semaphore, #tpu.memory_space<semaphore_mem>>)
    %dma_start3A_713 = arith.constant 1 : i32
    %dma_start3A_714 = arith.constant 61 : i32
    %dma_start3A_715 = arith.constant 0 : i32
    %dma_start3A_716 = tpu.memref_slice %arg7[%dma_start3A_714, %dma_start3A_715] : memref<64x512xf32, #tpu.memory_space<vmem>> -> memref<1x512xf32, #tpu.memory_space<vmem>>
    %dma_start3A_717 = tpu.memref_squeeze %dma_start3A_716 : memref<1x512xf32, #tpu.memory_space<vmem>> -> memref<512xf32, #tpu.memory_space<vmem>>
    %dma_start3A_718 = arith.constant 0 : i32
    %dma_start3A_719 = tpu.memref_slice %arg9[%dma_start3A_713, %dma_start3A_718] : memref<4x100000xf32, #tpu.memory_space<vmem_shared>> -> memref<1x100000xf32, #tpu.memory_space<vmem_shared>>
    %dma_start3A_720 = tpu.memref_squeeze %dma_start3A_719 : memref<1x100000xf32, #tpu.memory_space<vmem_shared>> -> memref<100000xf32, #tpu.memory_space<vmem_shared>>
    %dma_start3A_721 = arith.constant 0 : i32
    %dma_start3A_722 = tpu.memref_slice %dma_start3A_720[%dma_start3A_721] : memref<100000xf32, #tpu.memory_space<vmem_shared>> -> memref<100000xf32, #tpu.memory_space<vmem_shared>>
    tpu.enqueue_indirect_dma source(%dma_start3A_722 : memref<100000xf32, #tpu.memory_space<vmem_shared>>) target(%dma_start3A_717 : memref<512xf32, #tpu.memory_space<vmem>>) offsets(%arg6 : memref<512xi32, #tpu.memory_space<vmem>>) semaphore(%arg10 : memref<!tpu.dma_semaphore, #tpu.memory_space<semaphore_mem>>)
    %dma_start3A_723 = arith.constant 2 : i32
    %dma_start3A_724 = arith.constant 62 : i32
    %dma_start3A_725 = arith.constant 0 : i32
    %dma_start3A_726 = tpu.memref_slice %arg7[%dma_start3A_724, %dma_start3A_725] : memref<64x512xf32, #tpu.memory_space<vmem>> -> memref<1x512xf32, #tpu.memory_space<vmem>>
    %dma_start3A_727 = tpu.memref_squeeze %dma_start3A_726 : memref<1x512xf32, #tpu.memory_space<vmem>> -> memref<512xf32, #tpu.memory_space<vmem>>
    %dma_start3A_728 = arith.constant 0 : i32
    %dma_start3A_729 = tpu.memref_slice %arg9[%dma_start3A_723, %dma_start3A_728] : memref<4x100000xf32, #tpu.memory_space<vmem_shared>> -> memref<1x100000xf32, #tpu.memory_space<vmem_shared>>
    %dma_start3A_730 = tpu.memref_squeeze %dma_start3A_729 : memref<1x100000xf32, #tpu.memory_space<vmem_shared>> -> memref<100000xf32, #tpu.memory_space<vmem_shared>>
    %dma_start3A_731 = arith.constant 0 : i32
    %dma_start3A_732 = tpu.memref_slice %dma_start3A_730[%dma_start3A_731] : memref<100000xf32, #tpu.memory_space<vmem_shared>> -> memref<100000xf32, #tpu.memory_space<vmem_shared>>
    tpu.enqueue_indirect_dma source(%dma_start3A_732 : memref<100000xf32, #tpu.memory_space<vmem_shared>>) target(%dma_start3A_727 : memref<512xf32, #tpu.memory_space<vmem>>) offsets(%arg6 : memref<512xi32, #tpu.memory_space<vmem>>) semaphore(%arg10 : memref<!tpu.dma_semaphore, #tpu.memory_space<semaphore_mem>>)
    %dma_start3A_733 = arith.constant 3 : i32
    %dma_start3A_734 = arith.constant 63 : i32
    %dma_start3A_735 = arith.constant 0 : i32
    %dma_start3A_736 = tpu.memref_slice %arg7[%dma_start3A_734, %dma_start3A_735] : memref<64x512xf32, #tpu.memory_space<vmem>> -> memref<1x512xf32, #tpu.memory_space<vmem>>
    %dma_start3A_737 = tpu.memref_squeeze %dma_start3A_736 : memref<1x512xf32, #tpu.memory_space<vmem>> -> memref<512xf32, #tpu.memory_space<vmem>>
    %dma_start3A_738 = arith.constant 0 : i32
    %dma_start3A_739 = tpu.memref_slice %arg9[%dma_start3A_733, %dma_start3A_738] : memref<4x100000xf32, #tpu.memory_space<vmem_shared>> -> memref<1x100000xf32, #tpu.memory_space<vmem_shared>>
    %dma_start3A_740 = tpu.memref_squeeze %dma_start3A_739 : memref<1x100000xf32, #tpu.memory_space<vmem_shared>> -> memref<100000xf32, #tpu.memory_space<vmem_shared>>
    %dma_start3A_741 = arith.constant 0 : i32
    %dma_start3A_742 = tpu.memref_slice %dma_start3A_740[%dma_start3A_741] : memref<100000xf32, #tpu.memory_space<vmem_shared>> -> memref<100000xf32, #tpu.memory_space<vmem_shared>>
    tpu.enqueue_indirect_dma source(%dma_start3A_742 : memref<100000xf32, #tpu.memory_space<vmem_shared>>) target(%dma_start3A_737 : memref<512xf32, #tpu.memory_space<vmem>>) offsets(%arg6 : memref<512xi32, #tpu.memory_space<vmem>>) semaphore(%arg10 : memref<!tpu.dma_semaphore, #tpu.memory_space<semaphore_mem>>)
    %dma_wait3A_743 = arith.constant 0 : i32
    %dma_wait3A_744 = arith.constant 60 : i32
    %dma_wait3A_745 = arith.constant 0 : i32
    %dma_wait3A_746 = tpu.memref_slice %arg7[%dma_wait3A_744, %dma_wait3A_745] : memref<64x512xf32, #tpu.memory_space<vmem>> -> memref<1x512xf32, #tpu.memory_space<vmem>>
    %dma_wait3A_747 = tpu.memref_squeeze %dma_wait3A_746 : memref<1x512xf32, #tpu.memory_space<vmem>> -> memref<512xf32, #tpu.memory_space<vmem>>
    %dma_wait3A_748 = arith.constant 0 : i32
    %dma_wait3A_749 = tpu.memref_slice %arg9[%dma_wait3A_743, %dma_wait3A_748] : memref<4x100000xf32, #tpu.memory_space<vmem_shared>> -> memref<1x100000xf32, #tpu.memory_space<vmem_shared>>
    %dma_wait3A_750 = tpu.memref_squeeze %dma_wait3A_749 : memref<1x100000xf32, #tpu.memory_space<vmem_shared>> -> memref<100000xf32, #tpu.memory_space<vmem_shared>>
    %dma_wait3A_751 = arith.constant 0 : i32
    %dma_wait3A_752 = tpu.memref_slice %dma_wait3A_750[%dma_wait3A_751] : memref<100000xf32, #tpu.memory_space<vmem_shared>> -> memref<100000xf32, #tpu.memory_space<vmem_shared>>
    tpu.wait_indirect_dma semaphore(%arg10 : memref<!tpu.dma_semaphore, #tpu.memory_space<semaphore_mem>>) src(%dma_wait3A_752 : memref<100000xf32, #tpu.memory_space<vmem_shared>>) dst(%dma_wait3A_747 : memref<512xf32, #tpu.memory_space<vmem>>)
    %dma_wait3A_753 = arith.constant 1 : i32
    %dma_wait3A_754 = arith.constant 61 : i32
    %dma_wait3A_755 = arith.constant 0 : i32
    %dma_wait3A_756 = tpu.memref_slice %arg7[%dma_wait3A_754, %dma_wait3A_755] : memref<64x512xf32, #tpu.memory_space<vmem>> -> memref<1x512xf32, #tpu.memory_space<vmem>>
    %dma_wait3A_757 = tpu.memref_squeeze %dma_wait3A_756 : memref<1x512xf32, #tpu.memory_space<vmem>> -> memref<512xf32, #tpu.memory_space<vmem>>
    %dma_wait3A_758 = arith.constant 0 : i32
    %dma_wait3A_759 = tpu.memref_slice %arg9[%dma_wait3A_753, %dma_wait3A_758] : memref<4x100000xf32, #tpu.memory_space<vmem_shared>> -> memref<1x100000xf32, #tpu.memory_space<vmem_shared>>
    %dma_wait3A_760 = tpu.memref_squeeze %dma_wait3A_759 : memref<1x100000xf32, #tpu.memory_space<vmem_shared>> -> memref<100000xf32, #tpu.memory_space<vmem_shared>>
    %dma_wait3A_761 = arith.constant 0 : i32
    %dma_wait3A_762 = tpu.memref_slice %dma_wait3A_760[%dma_wait3A_761] : memref<100000xf32, #tpu.memory_space<vmem_shared>> -> memref<100000xf32, #tpu.memory_space<vmem_shared>>
    tpu.wait_indirect_dma semaphore(%arg10 : memref<!tpu.dma_semaphore, #tpu.memory_space<semaphore_mem>>) src(%dma_wait3A_762 : memref<100000xf32, #tpu.memory_space<vmem_shared>>) dst(%dma_wait3A_757 : memref<512xf32, #tpu.memory_space<vmem>>)
    %dma_wait3A_763 = arith.constant 2 : i32
    %dma_wait3A_764 = arith.constant 62 : i32
    %dma_wait3A_765 = arith.constant 0 : i32
    %dma_wait3A_766 = tpu.memref_slice %arg7[%dma_wait3A_764, %dma_wait3A_765] : memref<64x512xf32, #tpu.memory_space<vmem>> -> memref<1x512xf32, #tpu.memory_space<vmem>>
    %dma_wait3A_767 = tpu.memref_squeeze %dma_wait3A_766 : memref<1x512xf32, #tpu.memory_space<vmem>> -> memref<512xf32, #tpu.memory_space<vmem>>
    %dma_wait3A_768 = arith.constant 0 : i32
    %dma_wait3A_769 = tpu.memref_slice %arg9[%dma_wait3A_763, %dma_wait3A_768] : memref<4x100000xf32, #tpu.memory_space<vmem_shared>> -> memref<1x100000xf32, #tpu.memory_space<vmem_shared>>
    %dma_wait3A_770 = tpu.memref_squeeze %dma_wait3A_769 : memref<1x100000xf32, #tpu.memory_space<vmem_shared>> -> memref<100000xf32, #tpu.memory_space<vmem_shared>>
    %dma_wait3A_771 = arith.constant 0 : i32
    %dma_wait3A_772 = tpu.memref_slice %dma_wait3A_770[%dma_wait3A_771] : memref<100000xf32, #tpu.memory_space<vmem_shared>> -> memref<100000xf32, #tpu.memory_space<vmem_shared>>
    tpu.wait_indirect_dma semaphore(%arg10 : memref<!tpu.dma_semaphore, #tpu.memory_space<semaphore_mem>>) src(%dma_wait3A_772 : memref<100000xf32, #tpu.memory_space<vmem_shared>>) dst(%dma_wait3A_767 : memref<512xf32, #tpu.memory_space<vmem>>)
    %dma_wait3A_773 = arith.constant 3 : i32
    %dma_wait3A_774 = arith.constant 63 : i32
    %dma_wait3A_775 = arith.constant 0 : i32
    %dma_wait3A_776 = tpu.memref_slice %arg7[%dma_wait3A_774, %dma_wait3A_775] : memref<64x512xf32, #tpu.memory_space<vmem>> -> memref<1x512xf32, #tpu.memory_space<vmem>>
    %dma_wait3A_777 = tpu.memref_squeeze %dma_wait3A_776 : memref<1x512xf32, #tpu.memory_space<vmem>> -> memref<512xf32, #tpu.memory_space<vmem>>
    %dma_wait3A_778 = arith.constant 0 : i32
    %dma_wait3A_779 = tpu.memref_slice %arg9[%dma_wait3A_773, %dma_wait3A_778] : memref<4x100000xf32, #tpu.memory_space<vmem_shared>> -> memref<1x100000xf32, #tpu.memory_space<vmem_shared>>
    %dma_wait3A_780 = tpu.memref_squeeze %dma_wait3A_779 : memref<1x100000xf32, #tpu.memory_space<vmem_shared>> -> memref<100000xf32, #tpu.memory_space<vmem_shared>>
    %dma_wait3A_781 = arith.constant 0 : i32
    %dma_wait3A_782 = tpu.memref_slice %dma_wait3A_780[%dma_wait3A_781] : memref<100000xf32, #tpu.memory_space<vmem_shared>> -> memref<100000xf32, #tpu.memory_space<vmem_shared>>
    tpu.wait_indirect_dma semaphore(%arg10 : memref<!tpu.dma_semaphore, #tpu.memory_space<semaphore_mem>>) src(%dma_wait3A_782 : memref<100000xf32, #tpu.memory_space<vmem_shared>>) dst(%dma_wait3A_777 : memref<512xf32, #tpu.memory_space<vmem>>)
    %barrier3A_783 = arith.constant 0 : index
    tpu.barrier barrier_id(%barrier3A_783)
    "tpu.region"() ({
      %run_scoped3A = tpu.sem_alloc : memref<!tpu.dma_semaphore, #tpu.memory_space<semaphore_mem>>
      %dma_start3A_784 = arith.constant 0 : i32
      %dma_start3A_785 = tpu.memref_slice %arg5[%dma_start3A_784, %mul3A_2] : memref<64x16384xf32, #tpu.memory_space<hbm>> -> memref<64x512xf32, #tpu.memory_space<hbm>>
      %dma_start3A_786 = arith.constant 0 : i32
      %dma_start3A_787 = tpu.memref_slice %arg5[%dma_start3A_786, %mul3A_2] : memref<64x16384xf32, #tpu.memory_space<hbm>> -> memref<64x512xf32, #tpu.memory_space<hbm>>
      tpu.enqueue_dma source(%arg7 : memref<64x512xf32, #tpu.memory_space<vmem>>) target(%dma_start3A_787 : memref<64x512xf32, #tpu.memory_space<hbm>>) target_semaphore(%run_scoped3A : memref<!tpu.dma_semaphore, #tpu.memory_space<semaphore_mem>>)
      %dma_wait3A_788 = arith.constant 0 : i32
      %dma_wait3A_789 = tpu.memref_slice %arg5[%dma_wait3A_788, %mul3A_2] : memref<64x16384xf32, #tpu.memory_space<hbm>> -> memref<64x512xf32, #tpu.memory_space<hbm>>
      %dma_wait3A_790 = arith.constant 0 : i32
      %dma_wait3A_791 = tpu.memref_slice %arg5[%dma_wait3A_790, %mul3A_2] : memref<64x16384xf32, #tpu.memory_space<hbm>> -> memref<64x512xf32, #tpu.memory_space<hbm>>
      tpu.wait_dma2 semaphore(%run_scoped3A : memref<!tpu.dma_semaphore, #tpu.memory_space<semaphore_mem>>) src(%arg7 : memref<64x512xf32, #tpu.memory_space<vmem>>) dst(%dma_wait3A_791 : memref<64x512xf32, #tpu.memory_space<hbm>>)
      tpu.yield
    }) : () -> ()
    return
  }
}

</mosaic_0001>

<sc_bundles>
// kernel: kernel.4.cloned.1.call-start
scs
__scs_entry_jumppad:
0x0: {  	(pc) =	sbr.rel $0x88, $3  }
0x1: {  	(tag) =	ssettag $0x0;
	lr =	simm.s32 $0x1  }
0x2: {  	[smem:$0x3F9D] =	sst lr;
	_ =	strace $0xD0000000  }
0x3: {  	_ = 	snop  }
0x4: {  	_ = 	snop  }
0x5: {  	_ = 	snop  }
0x6: {  	_ = 	snop  }
0x7: {  	_ = 	snop  }
__scs_overlays_trampoline_lowered:
0x8: {  	[smem:$0x3FAC] =	sst s0  }
0x9: {  	[smem:$0x3FAD] =	sst s1  }
0xa: {  	[smem:$0x3FAE] =	sst s2  }
0xb: {  	[smem:$0x3FAF] =	sst s3  }
0xc: {  	[smem:$0x3FB0] =	sst s4  }
0xd: {  	[smem:$0x3FB1] =	sst s5  }
0xe: {  	[smem:$0x3FB2] =	sst s6  }
0xf: {  	[smem:$0x3FB3] =	sst s7  }
0x10: {  	[smem:$0x3FB4] =	sst s8  }
0x11: {  	[smem:$0x3FB5] =	sst s9;
	s0 =	simm.s32 @!p0 $0x0  }
0x12: {  	s1 =	sld [smem:$0x3F9B];
	s0 =	simm.s32 @p0 $0x1  }
0x13: {  	[smem:$0x3FB6] =	sst s0;
	s0 =	simm.s32 @!p1 $0x0  }
0x14: {  	s2 =	sld [smem:$0x3F9A];
	s0 =	simm.s32 @p1 $0x1  }
0x15: {  	[smem:$0x3FB7] =	sst s0;
	s0 =	simm.s32 @!p2 $0x0  }
0x16: {  	s3 =	sld [smem:$0x3FDB];
	s0 =	simm.s32 @p2 $0x1  }
0x17: {  	s4 =	simm.s32 $0x1BF5;
	[smem:$0x3FB9] =	sst s0  }
0x18: {  	s0 =	sld [smem:$0x3F9C];
	_ =	swait.ge [sflag:s4], $0x0  }
0x19: {  	s7 =	sld [smem:$0x3F9D]  }
0x1a: {  	s8 =	sadd.s32 $0xFFFFE003, lr  }
0x1b: {  	s9 =	sadd.s32 $0xFFFFFEF7, lr;
	s5 =	simm.s32 $0xFFFFFFFF;
	p2 =	slt.u32 s8, $0xFFFFF086  }
0x1c: {  	p1 =	slt.u32 s9, $0xF7A;
	s5 =	simm.s32 @!p2 $0x0  }
0x1d: {  	s5 =	simm.s32 @p1 $0x1;
	p0 =	seq.s32 s7, s2  }
0x1e: {  	s7 =	smul.u32 @!p0 $0xF7A, s2;
	p2 =	seq.s32 @!p0 s5, $0x0  }
0x1f: {  	s9 =	smul.u32 $0xF7A, s1;
	s8 =	simm.s32 @!p0 $0x1BF5;
	p2 =	por !p2, p0  }
0x20: {  	[sflag:s8] =	ssyncset.s32 @!p0 $0xFFFFF086;
	s6 =	sadd.s32 @!p0 s3, s7;
	s7 =	simm.s32 @!p0 $0x108  }
0x21: {  	s3 =	sadd.s32 s3, s9;
	s6 =	sadd.s32 @!p0 $0x88, s6;
	s7 =	simm.s32 @p2 $0x1082  }
0x22: {  	[simem:s7], [sflag:s8] =	dma.local @!p0 [hbm:s6], $0xF7A  }
0x23: {  	s9 =	sor.u32 $0xD0000000, s2;
	s6 =	simm.s32 $0x108;
	_ =	swait.ge @!p0 [sflag:s8], $0x0  }
0x24: {  	s3 =	sadd.s32 $0x88, s3;
	s6 =	simm.s32 @!p1 $0x1082;
	[sflag:s4] =	ssyncset.s32 $0xFFFFF086  }
0x25: {  	[simem:s6], [sflag:s4] =	dma.local [hbm:s3], $0xF7A  }
0x26: {  	[smem:$0x3F9D] =	sst s1;
	(tag) =	ssettag s2;
	_ =	strace s9  }
0x27: {  	s1 =	sld [smem:$0x3FAD]  }
0x28: {  	s2 =	sld [smem:$0x3FAE]  }
0x29: {  	s4 =	sld [smem:$0x3FB0]  }
0x2a: {  	p0 =	seq.s32 s5, $0x0;
	s5 =	sld [smem:$0x3FB1]  }
0x2b: {  	s6 =	sld [smem:$0x3FB2]  }
0x2c: {  	s7 =	sld [smem:$0x3FB3]  }
0x2d: {  	s3 =	simm.s32 $0x108;
	s8 =	sld [smem:$0x3FB4]  }
0x2e: {  	s3 =	simm.s32 @!p0 $0x1082;
	s9 =	sld [smem:$0x3FB5]  }
0x2f: {  	lr =	sadd.s32 s0, s3;
	s0 =	sld [smem:$0x3FAC]  }
0x30: {  	s3 =	sld [smem:$0x3FAF]  }
0x31: {  	[smem:$0x3FB8] =	sst s10  }
0x32: {  	s10 =	sld [smem:$0x3FB6];
	_ =	sdelay $0x3  }
0x33: {  	p0 =	seq.s32 s10, $0x1;
	s10 =	sld [smem:$0x3FB8];
	_ =	sdelay $0x3  }
0x34: {  	[smem:$0x3FB8] =	sst s10  }
0x35: {  	s10 =	sld [smem:$0x3FB7];
	_ =	sdelay $0x3  }
0x36: {  	p1 =	seq.s32 s10, $0x1;
	s10 =	sld [smem:$0x3FB8];
	_ =	sdelay $0x3  }
0x37: {  	[smem:$0x3FB8] =	sst s10  }
0x38: {  	s10 =	sld [smem:$0x3FB9]  }
0x39: {  	_ = 	snop;
	(pc) =	sbr.ind lr, $3  }
0x3a: {  	_ = 	snop  }
0x3b: {  	_ = 	snop  }
0x3c: {  	p2 =	seq.s32 s10, $0x1;
	s10 =	sld [smem:$0x3FB8]  }
0x3d: {  	_ =	shalt  }
0x3e: {  	_ =	shalt  }
0x3f: {  	_ =	shalt  }
0x40: {  	_ =	shalt  }
0x41: {  	_ =	shalt  }
0x42: {  	_ =	shalt  }
0x43: {  	_ =	shalt  }
0x44: {  	_ =	shalt  }
0x45: {  	_ =	shalt  }
0x46: {  	_ =	shalt  }
0x47: {  	_ =	shalt  }
0x48: {  	_ =	shalt  }
0x49: {  	_ =	shalt  }
0x4a: {  	_ =	shalt  }
0x4b: {  	_ =	shalt  }
0x4c: {  	_ =	shalt  }
0x4d: {  	_ =	shalt  }
0x4e: {  	_ =	shalt  }
0x4f: {  	_ =	shalt  }
0x50: {  	_ =	shalt  }
0x51: {  	_ =	shalt  }
0x52: {  	_ =	shalt  }
0x53: {  	_ =	shalt  }
0x54: {  	_ =	shalt  }
0x55: {  	_ =	shalt  }
0x56: {  	_ =	shalt  }
0x57: {  	_ =	shalt  }
0x58: {  	_ =	shalt  }
0x59: {  	_ =	shalt  }
0x5a: {  	_ =	shalt  }
0x5b: {  	_ =	shalt  }
0x5c: {  	_ =	shalt  }
0x5d: {  	_ =	shalt  }
0x5e: {  	_ =	shalt  }
0x5f: {  	_ =	shalt  }
0x60: {  	_ =	shalt  }
0x61: {  	_ =	shalt  }
0x62: {  	_ =	shalt  }
0x63: {  	_ =	shalt  }
0x64: {  	_ =	shalt  }
0x65: {  	_ =	shalt  }
0x66: {  	_ =	shalt  }
0x67: {  	_ =	shalt  }
0x68: {  	_ =	shalt  }
0x69: {  	_ =	shalt  }
0x6a: {  	_ =	shalt  }
0x6b: {  	_ =	shalt  }
0x6c: {  	_ =	shalt  }
0x6d: {  	_ =	shalt  }
0x6e: {  	_ =	shalt  }
0x6f: {  	_ =	shalt  }
0x70: {  	_ =	shalt  }
0x71: {  	_ =	shalt  }
0x72: {  	_ =	shalt  }
0x73: {  	_ =	shalt  }
0x74: {  	_ =	shalt  }
0x75: {  	_ =	shalt  }
0x76: {  	_ =	shalt  }
0x77: {  	_ =	shalt  }
0x78: {  	_ =	shalt  }
0x79: {  	_ =	shalt  }
0x7a: {  	_ =	shalt  }
0x7b: {  	_ =	shalt  }
0x7c: {  	_ =	shalt  }
0x7d: {  	_ =	shalt  }
0x7e: {  	_ =	shalt  }
0x7f: {  	_ =	shalt  }
0x80: {  	_ =	shalt  }
0x81: {  	_ =	shalt  }
0x82: {  	_ =	shalt  }
0x83: {  	_ =	shalt  }
0x84: {  	_ =	shalt  }
0x85: {  	_ =	shalt  }
0x86: {  	_ =	shalt  }
0x87: {  	_ =	shalt  }
.Lfunc_end0:
.L_simem_size_0:
called_computation_lowered:
.L_overlay_start_0:
0x88: {  	s2 =	sld [smem:$0x3FD9]  }
0x89: {  	s3 =	sld [smem:$0x3FFE];
	_ =	sdelay $0x1  }
0x8a: {  	s1 =	srdreg.scid  }
0x8b: {  	s0 =	sand.u32 $0x1, s1  }
0x8c: {  	s17 =	sshll.u32 s0, $0xA;
	s2 =	sadd.s32 s3, s2  }
0x8d: {  	s2 =	sadd.s32 s2, s17  }
0x8e: {  	[smem:$0x3FC4] =	sst s2  }
0x8f: {  	_ = 	snop  }
0x90: {  	s2 =	sld [smem:$0x3FC9]  }
0x91: {  	s18 =	sld [smem:$0x3FD0];
	(tm) =	ssettm $0x1  }
0x92: {  	s4 =	sld [smem:$0x3FFB];
	_ =	sdelay $0x3  }
0x93: {  	_ =	strace s4  }
0x94: {  	s4 =	sld [smem:$0x3FFC];
	_ =	sdelay $0x3  }
0x95: {  	_ =	strace s4  }
0x96: {  	s4 =	sld [smem:$0x3FFD];
	_ =	sdelay $0x3  }
0x97: {  	_ =	strace s4  }
0x98: {  	_ =	strace $0x8FFFFFFF  }
0x99: {  	s19 =	sld [smem:$0x3FDB];
	_ =	sdelay $0x1  }
0x9a: {  	s5 =	simm.s32 $_scs_section_size  }
0x9b: {  	s6 =	simm.s32 $_size__tile_overlayer_lowered;
	s7 =	simm.s32 $_tile_overlayer_lowered  }
0x9c: {  	s22 =	simm.s32 $0x1BFF;
	s21 =	sshll.u32 s7, $0x1;
	s4 =	sadd.s32 s5, s19  }
0x9d: {  	s8 =	simm.s32 $0x0;
	s20 =	sshll.u32 s6, $0x1;
	s6 =	sadd.s32 s21, s4  }
0x9e: {  	[timem:s8], [sflag:s22] =	dma.local [hbm:s6], s20  }
0x9f: {  	_ =	swait.ge [sflag:s22], s20  }
0xa0: {  	s5 =	ssub.s32 $0x0, s20;
	[sflag:s22] =	ssyncset.done $0x0  }
0xa1: {  	[sflag:s22] =	ssyncadd.s32 s5;
	_ =	sdelay $0x1  }
0xa2: {  	s23 =	simm.s32 $0x1B8B  }
0xa3: {  	_ =	swait.ge [sflag:s23], $0x1  }
0xa4: {  	[sflag:s23] =	ssyncset.done $0x0  }
0xa5: {  	s25 =	simm.s32 $0x1B8E;
	s24 =	sld [smem:$0x3FFE];
	[sflag:s23] =	ssyncadd.s32 $0xFFFFFFFF  }
0xa6: {  	s26 =	simm.s32 $execute0_lowered;
	[smem:$0x3FD2] =	sst s25  }
0xa7: {  	s6 =	sshll.u32 s26, $0x1;
	_ =	strace $0x80000046;
	[dreg:$0x1] =	wrdreg $0xFFFFFFFF  }
0xa8: {  	s28 =	simm.s32 $_size_execute0_lowered;
	s4 =	sadd.s32 s4, s6;
	[dreg:$0x0] =	wrdreg $0x0  }
0xa9: {  	s6 =	sshll.u32 s28, $0x1;
	[dreg:$0x2] =	wrdreg s4  }
0xaa: {  	[dreg:$0x3] =	wrdreg s6  }
0xab: {  	[dreg:$0x4] =	wrdreg $0xC0  }
0xac: {  	_ =	task [dreg:s8], $0x5FFFF  }
0xad: {  	[dreg:$0x1] =	wrdreg $0xFFFFFFFF  }
0xae: {  	[dreg:$0x0] =	wrdreg $0x60  }
0xaf: {  	[dreg:$0x2] =	wrdreg s2  }
0xb0: {  	[dreg:$0x3] =	wrdreg s24  }
0xb1: {  	[dreg:$0x4] =	wrdreg s18  }
0xb2: {  	[dreg:$0x5] =	wrdreg $0x9  }
0xb3: {  	_ =	task.clear_ibuf [dreg:s8], $0x6FFFF;
	_ =	strace $0x90000046  }
0xb4: {  	s29 =	simm.s32 $0x9;
	_ =	strace $0x80000048  }
0xb5: {  	_ =	swait.ge [sflag:s29], $0x1  }
0xb6: {  	[sflag:s29] =	ssyncadd.s32 $0xFFFFFFFF  }
0xb7: {  	_ =	strace $0x90000048  }
0xb8: {  	_ =	sfence  }
0xb9: {  	s30 =	sld [smem:$0x0];
	_ =	sdelay $0x2  }
0xba: {  	s31 =	sshll.u32 s1, $0xD;
	s1 =	sshrl.u32 s1, $0x2  }
0xbb: {  	s3 =	sand.u32 $0x4000, s31;
	s1 =	sadd.s32 s1, s30  }
0xbc: {  	s0 =	sor.u32 s3, s0;
	s1 =	sshll.u32 s1, $0x11  }
0xbd: {  	s0 =	sor.u32 s1, s0  }
0xbe: {  	s0 =	sadd.s32 $0x8F2B, s0  }
0xbf: {  	[sflag:s0] =	ssyncadd.remote.s32 $0x1  }
0xc0: {  	_ =	sfence.sel $0xFFFF  }
0xc1: {  	[dreg:$0x0] =	wrdreg $0xFFFFFFFF;
	(pc) =	sbr.abs _section_cstart, $3  }
0xc2: {  	[dreg:$0x1] =	wrdreg $0xFFFFFFFF  }
0xc3: {  	_ =	task.clear_ibuf [dreg:s8], $0x2FFFF;
	_ =	strace $0x9FFFFFFF  }
0xc4: {  	(tm) =	ssettm $0x7FFFFFFF  }
0xc5: {  	_ =	shalt  }
tec
execute0_lowered:
.L_overlay_start_1:
0x0: {  	(tag) =	ssettag $0x1  }
0x1: {  	s4 =	rddreg [dreg:$0x0]  }
0x2: {  	s3 =	rddreg [dreg:$0x1]  }
0x3: {  	s5 =	rddreg [dreg:$0x2]  }
0x4: {  	s0 =	rddreg [dreg:$0x3];
	s1 =	simm.s32 $0x0  }
0x5: {  	s2 =	srdreg.scid;
	s10 =	simm.s32 $0x4000;
	s11 =	simm.s32 $0x400  }
0x6: {  	s12 =	simm.s32 $0x0;
	[smem:$0x7FF] =	sst s1;
	s6 =	sand.u32 $0x1, s2  }
0x7: {  	s2 =	stileid.u32;
	s3 =	sadd.s32 $0x800, s3;
	_ =	strace $0x80000047  }
0x8: {  	s7 =	ssub.s32 $0x2, s6;
	s9 =	sshll.u32 s2, $0x7;
	s6 =	sshll.u32 s6, $0x6  }
0x9: {  	s8 =	sshrl.u32 s7, $0x1;
	s6 =	sor.u32 s6, s9;
	s9 =	simm.s32 $0x300  }
0xa: {  	s7 =	ssub.s32 s7, s8;
	s4 =	sadd.s32 s4, s6;
	s5 =	sadd.s32 s5, s6  }
0xb: {  	s8 =	simm.s32 $0x200;
	s6 =	smax.u32 s7, $0x1;
	s7 =	simm.s32 $0x1  }
.LBB2_1:
0xc: {  	[tilespmem:s1], [sflag:$0x1] =	stream.linear.gather [hbm4b:s4+s1], $0x200, $0x38;
	[tilespmem:$0x4400] =	vst v63  }
0xd: {  	_ =	swait.ge [sflag:s7], $0x200  }
0xe: {  	[sflag:s7] =	ssyncset.done $0x0  }
0xf: {  	[sflag:s7] =	ssyncadd.s32 $0xFFFFFE00  }
0x10: {  	[tilespmem:s8], [sflag:$0x1] =	stream.linear.gather [hbm4b:s3+s1], $0x100, $0x38;
	[tilespmem:$0x4400] =	vst v63  }
0x11: {  	_ =	swait.ge [sflag:s7], $0x100  }
0x12: {  	[sflag:s7] =	ssyncset.done $0x0  }
0x13: {  	[sflag:s7] =	ssyncadd.s32 $0xFFFFFF00  }
0x14: {  	v0 =	vld [tilespmem:$0x200]  }
0x15: {  	v1 =	vld [tilespmem:$0x210]  }
0x16: {  	v2 =	vld [tilespmem:$0x220]  }
0x17: {  	v3 =	vld [tilespmem:$0x230]  }
0x18: {  	v4 =	vld [tilespmem:$0x240]  }
0x19: {  	[tilespmem:$0x300] =	vst v0;
	v0 =	vld [tilespmem:$0x250]  }
0x1a: {  	v62 =	vld [tilespmem:$0x290];
	[tilespmem:$0x310] =	vst v1  }
0x1b: {  	v1 =	vld [tilespmem:$0x260];
	[tilespmem:$0x320] =	vst v2  }
0x1c: {  	v2 =	vld [tilespmem:$0x270];
	[tilespmem:$0x330] =	vst v3  }
0x1d: {  	v3 =	vld [tilespmem:$0x280];
	[tilespmem:$0x340] =	vst v4  }
0x1e: {  	[tilespmem:$0x350] =	vst v0;
	v0 =	vld [tilespmem:$0x2A0]  }
0x1f: {  	v63 =	vld [tilespmem:$0x2E0];
	[tilespmem:$0x390] =	vst v62  }
0x20: {  	[tilespmem:$0x360] =	vst v1;
	v1 =	vld [tilespmem:$0x2B0]  }
0x21: {  	[tilespmem:$0x370] =	vst v2;
	v2 =	vld [tilespmem:$0x2C0]  }
0x22: {  	[tilespmem:$0x380] =	vst v3;
	v3 =	vld [tilespmem:$0x2D0]  }
0x23: {  	[tilespmem:$0x3A0] =	vst v0;
	v0 =	vld [tilespmem:$0x2F0]  }
0x24: {  	[tilespmem:$0x3E0] =	vst v63  }
0x25: {  	[tilespmem:$0x3B0] =	vst v1  }
0x26: {  	[tilespmem:$0x3C0] =	vst v2  }
0x27: {  	[tilespmem:$0x3D0] =	vst v3  }
0x28: {  	s13 =	simm.s32 $0x0;
	[tilespmem:$0x3F0] =	vst v0  }
0x29: {  	v0 =	vld [tilespmem:s13+$0x0];
	_ =	sdelay $0x4  }
0x2a: {  	v0 =	vshll.u32 v0, $0x5;
	_ =	sdelay $0x4  }
0x2b: {  	v1 =	vld.idx.msk [tilespmem:v0+s9+$0x0], $0xffff  }
0x2c: {  	v2 =	vor.u32 $0x1, v0;
	_ =	sdelay $0x3  }
0x2d: {  	[tilespmem:s13+$0x400] =	vst v1  }
0x2e: {  	v1 =	vld.idx.msk [tilespmem:v2+s9+$0x0], $0xffff  }
0x2f: {  	v2 =	vor.u32 $0x2, v0;
	_ =	sdelay $0x3  }
0x30: {  	[tilespmem:s13+$0x600] =	vst v1  }
0x31: {  	v1 =	vld.idx.msk [tilespmem:v2+s9+$0x0], $0xffff  }
0x32: {  	v2 =	vor.u32 $0x3, v0;
	_ =	sdelay $0x3  }
0x33: {  	[tilespmem:s13+$0x800] =	vst v1  }
0x34: {  	v1 =	vld.idx.msk [tilespmem:v2+s9+$0x0], $0xffff  }
0x35: {  	v2 =	vor.u32 $0x4, v0;
	_ =	sdelay $0x3  }
0x36: {  	[tilespmem:s13+$0xA00] =	vst v1  }
0x37: {  	v1 =	vld.idx.msk [tilespmem:v2+s9+$0x0], $0xffff  }
0x38: {  	v2 =	vor.u32 $0x5, v0;
	_ =	sdelay $0x3  }
0x39: {  	[tilespmem:s13+$0xC00] =	vst v1  }
0x3a: {  	v1 =	vld.idx.msk [tilespmem:v2+s9+$0x0], $0xffff  }
0x3b: {  	v2 =	vor.u32 $0x6, v0;
	_ =	sdelay $0x3  }
0x3c: {  	[tilespmem:s13+$0xE00] =	vst v1  }
0x3d: {  	v1 =	vld.idx.msk [tilespmem:v2+s9+$0x0], $0xffff  }
0x3e: {  	v2 =	vor.u32 $0x7, v0;
	_ =	sdelay $0x3  }
0x3f: {  	[tilespmem:s13+$0x1000] =	vst v1  }
0x40: {  	v1 =	vld.idx.msk [tilespmem:v2+s9+$0x0], $0xffff  }
0x41: {  	v2 =	vor.u32 $0x8, v0;
	_ =	sdelay $0x3  }
0x42: {  	[tilespmem:s13+$0x1200] =	vst v1  }
0x43: {  	v1 =	vld.idx.msk [tilespmem:v2+s9+$0x0], $0xffff  }
0x44: {  	v2 =	vor.u32 $0x9, v0;
	_ =	sdelay $0x3  }
0x45: {  	[tilespmem:s13+$0x1400] =	vst v1  }
0x46: {  	v1 =	vld.idx.msk [tilespmem:v2+s9+$0x0], $0xffff  }
0x47: {  	v2 =	vor.u32 $0xA, v0;
	_ =	sdelay $0x3  }
0x48: {  	[tilespmem:s13+$0x1600] =	vst v1  }
0x49: {  	v1 =	vld.idx.msk [tilespmem:v2+s9+$0x0], $0xffff  }
0x4a: {  	v2 =	vor.u32 $0xB, v0;
	_ =	sdelay $0x3  }
0x4b: {  	[tilespmem:s13+$0x1800] =	vst v1  }
0x4c: {  	v1 =	vld.idx.msk [tilespmem:v2+s9+$0x0], $0xffff  }
0x4d: {  	v2 =	vor.u32 $0xC, v0;
	_ =	sdelay $0x3  }
0x4e: {  	[tilespmem:s13+$0x1A00] =	vst v1  }
0x4f: {  	v1 =	vld.idx.msk [tilespmem:v2+s9+$0x0], $0xffff  }
0x50: {  	v2 =	vor.u32 $0xD, v0;
	_ =	sdelay $0x3  }
0x51: {  	[tilespmem:s13+$0x1C00] =	vst v1  }
0x52: {  	v1 =	vld.idx.msk [tilespmem:v2+s9+$0x0], $0xffff  }
0x53: {  	v2 =	vor.u32 $0xE, v0;
	_ =	sdelay $0x3  }
0x54: {  	[tilespmem:s13+$0x1E00] =	vst v1  }
0x55: {  	v1 =	vld.idx.msk [tilespmem:v2+s9+$0x0], $0xffff  }
0x56: {  	v2 =	vor.u32 $0xF, v0;
	_ =	sdelay $0x3  }
0x57: {  	[tilespmem:s13+$0x2000] =	vst v1  }
0x58: {  	v1 =	vld.idx.msk [tilespmem:v2+s9+$0x0], $0xffff  }
0x59: {  	v2 =	vor.u32 $0x10, v0;
	_ =	sdelay $0x3  }
0x5a: {  	[tilespmem:s13+$0x2200] =	vst v1  }
0x5b: {  	v1 =	vld.idx.msk [tilespmem:v2+s9+$0x0], $0xffff  }
0x5c: {  	v2 =	vor.u32 $0x11, v0;
	_ =	sdelay $0x3  }
0x5d: {  	[tilespmem:s13+$0x2400] =	vst v1  }
0x5e: {  	v1 =	vld.idx.msk [tilespmem:v2+s9+$0x0], $0xffff  }
0x5f: {  	v2 =	vor.u32 $0x12, v0;
	_ =	sdelay $0x3  }
0x60: {  	[tilespmem:s13+$0x2600] =	vst v1  }
0x61: {  	v1 =	vld.idx.msk [tilespmem:v2+s9+$0x0], $0xffff  }
0x62: {  	v2 =	vor.u32 $0x13, v0;
	_ =	sdelay $0x3  }
0x63: {  	[tilespmem:s13+$0x2800] =	vst v1  }
0x64: {  	v1 =	vld.idx.msk [tilespmem:v2+s9+$0x0], $0xffff  }
0x65: {  	v2 =	vor.u32 $0x14, v0;
	_ =	sdelay $0x3  }
0x66: {  	[tilespmem:s13+$0x2A00] =	vst v1  }
0x67: {  	v1 =	vld.idx.msk [tilespmem:v2+s9+$0x0], $0xffff  }
0x68: {  	v2 =	vor.u32 $0x15, v0;
	_ =	sdelay $0x3  }
0x69: {  	[tilespmem:s13+$0x2C00] =	vst v1  }
0x6a: {  	v1 =	vld.idx.msk [tilespmem:v2+s9+$0x0], $0xffff  }
0x6b: {  	v2 =	vor.u32 $0x16, v0;
	_ =	sdelay $0x3  }
0x6c: {  	[tilespmem:s13+$0x2E00] =	vst v1  }
0x6d: {  	v1 =	vld.idx.msk [tilespmem:v2+s9+$0x0], $0xffff  }
0x6e: {  	v2 =	vor.u32 $0x17, v0;
	_ =	sdelay $0x3  }
0x6f: {  	[tilespmem:s13+$0x3000] =	vst v1  }
0x70: {  	v1 =	vld.idx.msk [tilespmem:v2+s9+$0x0], $0xffff  }
0x71: {  	v2 =	vor.u32 $0x18, v0;
	_ =	sdelay $0x3  }
0x72: {  	[tilespmem:s13+$0x3200] =	vst v1  }
0x73: {  	v1 =	vld.idx.msk [tilespmem:v2+s9+$0x0], $0xffff  }
0x74: {  	v2 =	vor.u32 $0x19, v0;
	_ =	sdelay $0x3  }
0x75: {  	[tilespmem:s13+$0x3400] =	vst v1  }
0x76: {  	v1 =	vld.idx.msk [tilespmem:v2+s9+$0x0], $0xffff  }
0x77: {  	v2 =	vor.u32 $0x1A, v0;
	_ =	sdelay $0x3  }
0x78: {  	[tilespmem:s13+$0x3600] =	vst v1  }
0x79: {  	v1 =	vld.idx.msk [tilespmem:v2+s9+$0x0], $0xffff  }
0x7a: {  	v2 =	vor.u32 $0x1B, v0;
	_ =	sdelay $0x3  }
0x7b: {  	[tilespmem:s13+$0x3800] =	vst v1  }
0x7c: {  	v1 =	vld.idx.msk [tilespmem:v2+s9+$0x0], $0xffff  }
0x7d: {  	v2 =	vor.u32 $0x1C, v0;
	_ =	sdelay $0x3  }
0x7e: {  	[tilespmem:s13+$0x3A00] =	vst v1  }
0x7f: {  	v1 =	vld.idx.msk [tilespmem:v2+s9+$0x0], $0xffff  }
0x80: {  	v2 =	vor.u32 $0x1D, v0;
	_ =	sdelay $0x3  }
0x81: {  	[tilespmem:s13+$0x3C00] =	vst v1  }
0x82: {  	v1 =	vld.idx.msk [tilespmem:v2+s9+$0x0], $0xffff  }
0x83: {  	v2 =	vor.u32 $0x1E, v0;
	_ =	sdelay $0x3  }
0x84: {  	[tilespmem:s13+$0x3E00] =	vst v1  }
0x85: {  	v1 =	vld.idx.msk [tilespmem:v2+s9+$0x0], $0xffff  }
0x86: {  	v0 =	vor.u32 $0x1F, v0  }
0x87: {  	s15 =	simm.s32 $0x10;
	s14 =	simm.s32 $0x80  }
.LBB2_2:
0x88: {  	p0 =	sne.s32 s14, $0x7C0;
	v2 =	vld [tilespmem:s15+$0x0];
	_ =	sdelay $0x1  }
0x89: {  	[tilespmem:s13+$0x4000] =	vst v1  }
0x8a: {  	v1 =	vld.idx.msk [tilespmem:v0+s9+$0x0], $0xffff;
	_ =	sdelay $0x1  }
0x8b: {  	v0 =	vshll.u32 v2, $0x5;
	_ =	sdelay $0x3  }
0x8c: {  	[tilespmem:s13+$0x4200] =	vst v1;
	s13 =	smov.u32 s15  }
0x8d: {  	v1 =	vld.idx.msk [tilespmem:v0+s9+$0x0], $0xffff;
	_ =	sdelay $0x1  }
0x8e: {  	v2 =	vor.u32 $0x1, v0;
	_ =	sdelay $0x3  }
0x8f: {  	[tilespmem:s13+$0x400] =	vst v1  }
0x90: {  	v1 =	vld.idx.msk [tilespmem:v2+s9+$0x0], $0xffff;
	_ =	sdelay $0x1  }
0x91: {  	v2 =	vor.u32 $0x2, v0;
	_ =	sdelay $0x3  }
0x92: {  	[tilespmem:s13+$0x600] =	vst v1  }
0x93: {  	v1 =	vld.idx.msk [tilespmem:v2+s9+$0x0], $0xffff;
	_ =	sdelay $0x1  }
0x94: {  	v2 =	vor.u32 $0x3, v0;
	_ =	sdelay $0x3  }
0x95: {  	[tilespmem:s13+$0x800] =	vst v1  }
0x96: {  	v1 =	vld.idx.msk [tilespmem:v2+s9+$0x0], $0xffff;
	_ =	sdelay $0x1  }
0x97: {  	v2 =	vor.u32 $0x4, v0;
	_ =	sdelay $0x3  }
0x98: {  	[tilespmem:s13+$0xA00] =	vst v1  }
0x99: {  	v1 =	vld.idx.msk [tilespmem:v2+s9+$0x0], $0xffff;
	_ =	sdelay $0x1  }
0x9a: {  	v2 =	vor.u32 $0x5, v0;
	_ =	sdelay $0x3  }
0x9b: {  	[tilespmem:s13+$0xC00] =	vst v1  }
0x9c: {  	v1 =	vld.idx.msk [tilespmem:v2+s9+$0x0], $0xffff;
	_ =	sdelay $0x1  }
0x9d: {  	v2 =	vor.u32 $0x6, v0;
	_ =	sdelay $0x3  }
0x9e: {  	[tilespmem:s13+$0xE00] =	vst v1  }
0x9f: {  	v1 =	vld.idx.msk [tilespmem:v2+s9+$0x0], $0xffff;
	_ =	sdelay $0x1  }
0xa0: {  	v2 =	vor.u32 $0x7, v0;
	_ =	sdelay $0x3  }
0xa1: {  	[tilespmem:s13+$0x1000] =	vst v1  }
0xa2: {  	v1 =	vld.idx.msk [tilespmem:v2+s9+$0x0], $0xffff;
	_ =	sdelay $0x1  }
0xa3: {  	v2 =	vor.u32 $0x8, v0;
	_ =	sdelay $0x3  }
0xa4: {  	[tilespmem:s13+$0x1200] =	vst v1  }
0xa5: {  	v1 =	vld.idx.msk [tilespmem:v2+s9+$0x0], $0xffff;
	_ =	sdelay $0x1  }
0xa6: {  	v2 =	vor.u32 $0x9, v0;
	_ =	sdelay $0x3  }
0xa7: {  	[tilespmem:s13+$0x1400] =	vst v1  }
0xa8: {  	v1 =	vld.idx.msk [tilespmem:v2+s9+$0x0], $0xffff;
	_ =	sdelay $0x1  }
0xa9: {  	v2 =	vor.u32 $0xA, v0;
	_ =	sdelay $0x3  }
0xaa: {  	[tilespmem:s13+$0x1600] =	vst v1  }
0xab: {  	v1 =	vld.idx.msk [tilespmem:v2+s9+$0x0], $0xffff;
	_ =	sdelay $0x1  }
0xac: {  	v2 =	vor.u32 $0xB, v0;
	_ =	sdelay $0x3  }
0xad: {  	[tilespmem:s13+$0x1800] =	vst v1  }
0xae: {  	v1 =	vld.idx.msk [tilespmem:v2+s9+$0x0], $0xffff;
	_ =	sdelay $0x1  }
0xaf: {  	v2 =	vor.u32 $0xC, v0;
	_ =	sdelay $0x3  }
0xb0: {  	[tilespmem:s13+$0x1A00] =	vst v1  }
0xb1: {  	v1 =	vld.idx.msk [tilespmem:v2+s9+$0x0], $0xffff;
	_ =	sdelay $0x1  }
0xb2: {  	v2 =	vor.u32 $0xD, v0;
	_ =	sdelay $0x3  }
0xb3: {  	[tilespmem:s13+$0x1C00] =	vst v1  }
0xb4: {  	v1 =	vld.idx.msk [tilespmem:v2+s9+$0x0], $0xffff;
	_ =	sdelay $0x1  }
0xb5: {  	v2 =	vor.u32 $0xE, v0;
	_ =	sdelay $0x3  }
0xb6: {  	[tilespmem:s13+$0x1E00] =	vst v1  }
0xb7: {  	v1 =	vld.idx.msk [tilespmem:v2+s9+$0x0], $0xffff;
	_ =	sdelay $0x1  }
0xb8: {  	v2 =	vor.u32 $0xF, v0;
	_ =	sdelay $0x3  }
0xb9: {  	[tilespmem:s13+$0x2000] =	vst v1  }
0xba: {  	v1 =	vld.idx.msk [tilespmem:v2+s9+$0x0], $0xffff;
	_ =	sdelay $0x1  }
0xbb: {  	v2 =	vor.u32 $0x10, v0;
	_ =	sdelay $0x3  }
0xbc: {  	[tilespmem:s13+$0x2200] =	vst v1  }
0xbd: {  	v1 =	vld.idx.msk [tilespmem:v2+s9+$0x0], $0xffff;
	_ =	sdelay $0x1  }
0xbe: {  	v2 =	vor.u32 $0x11, v0;
	_ =	sdelay $0x3  }
0xbf: {  	[tilespmem:s13+$0x2400] =	vst v1  }
0xc0: {  	v1 =	vld.idx.msk [tilespmem:v2+s9+$0x0], $0xffff;
	_ =	sdelay $0x1  }
0xc1: {  	v2 =	vor.u32 $0x12, v0;
	_ =	sdelay $0x3  }
0xc2: {  	[tilespmem:s13+$0x2600] =	vst v1  }
0xc3: {  	v1 =	vld.idx.msk [tilespmem:v2+s9+$0x0], $0xffff;
	_ =	sdelay $0x1  }
0xc4: {  	v2 =	vor.u32 $0x13, v0;
	_ =	sdelay $0x3  }
0xc5: {  	[tilespmem:s13+$0x2800] =	vst v1  }
0xc6: {  	v1 =	vld.idx.msk [tilespmem:v2+s9+$0x0], $0xffff;
	_ =	sdelay $0x1  }
0xc7: {  	v2 =	vor.u32 $0x14, v0;
	_ =	sdelay $0x3  }
0xc8: {  	[tilespmem:s13+$0x2A00] =	vst v1  }
0xc9: {  	v1 =	vld.idx.msk [tilespmem:v2+s9+$0x0], $0xffff;
	_ =	sdelay $0x1  }
0xca: {  	v2 =	vor.u32 $0x15, v0;
	_ =	sdelay $0x3  }
0xcb: {  	[tilespmem:s13+$0x2C00] =	vst v1  }
0xcc: {  	v1 =	vld.idx.msk [tilespmem:v2+s9+$0x0], $0xffff;
	_ =	sdelay $0x1  }
0xcd: {  	v2 =	vor.u32 $0x16, v0;
	_ =	sdelay $0x3  }
0xce: {  	[tilespmem:s13+$0x2E00] =	vst v1  }
0xcf: {  	v1 =	vld.idx.msk [tilespmem:v2+s9+$0x0], $0xffff;
	_ =	sdelay $0x1  }
0xd0: {  	v2 =	vor.u32 $0x17, v0;
	_ =	sdelay $0x3  }
0xd1: {  	[tilespmem:s13+$0x3000] =	vst v1  }
0xd2: {  	v1 =	vld.idx.msk [tilespmem:v2+s9+$0x0], $0xffff;
	_ =	sdelay $0x1  }
0xd3: {  	v2 =	vor.u32 $0x18, v0;
	_ =	sdelay $0x3  }
0xd4: {  	[tilespmem:s13+$0x3200] =	vst v1  }
0xd5: {  	v1 =	vld.idx.msk [tilespmem:v2+s9+$0x0], $0xffff;
	_ =	sdelay $0x1  }
0xd6: {  	v2 =	vor.u32 $0x19, v0;
	_ =	sdelay $0x3  }
0xd7: {  	[tilespmem:s13+$0x3400] =	vst v1  }
0xd8: {  	v1 =	vld.idx.msk [tilespmem:v2+s9+$0x0], $0xffff;
	_ =	sdelay $0x1  }
0xd9: {  	v2 =	vor.u32 $0x1A, v0;
	_ =	sdelay $0x3  }
0xda: {  	[tilespmem:s13+$0x3600] =	vst v1  }
0xdb: {  	v1 =	vld.idx.msk [tilespmem:v2+s9+$0x0], $0xffff;
	_ =	sdelay $0x1  }
0xdc: {  	v2 =	vor.u32 $0x1B, v0;
	_ =	sdelay $0x3  }
0xdd: {  	[tilespmem:s13+$0x3800] =	vst v1  }
0xde: {  	v1 =	vld.idx.msk [tilespmem:v2+s9+$0x0], $0xffff;
	_ =	sdelay $0x1  }
0xdf: {  	v2 =	vor.u32 $0x1C, v0;
	_ =	sdelay $0x3  }
0xe0: {  	[tilespmem:s13+$0x3A00] =	vst v1  }
0xe1: {  	v1 =	vld.idx.msk [tilespmem:v2+s9+$0x0], $0xffff;
	_ =	sdelay $0x1  }
0xe2: {  	v2 =	vor.u32 $0x1D, v0;
	_ =	sdelay $0x3  }
0xe3: {  	[tilespmem:s13+$0x3C00] =	vst v1  }
0xe4: {  	v1 =	vld.idx.msk [tilespmem:v2+s9+$0x0], $0xffff;
	_ =	sdelay $0x1  }
0xe5: {  	v2 =	vor.u32 $0x1E, v0;
	_ =	sdelay $0x3  }
.Ltmp0:
0xe6: {  	[tilespmem:s13+$0x3E00] =	vst v1;
	(pc) =	sbr.rel @p0 .LBB2_2-.Ltmp0, $3  }
0xe7: {  	v1 =	vld.idx.msk [tilespmem:v2+s9+$0x0], $0xffff;
	_ =	sdelay $0x1  }
0xe8: {  	v0 =	vor.u32 $0x1F, v0  }
0xe9: {  	s15 =	sshra.s32 s14, $0x2;
	s14 =	sadd.s32 $0x40, s14  }
0xea: {  	v2 =	vld [tilespmem:s15+$0x0];
	_ =	sdelay $0x2  }
0xeb: {  	[tilespmem:s13+$0x4000] =	vst v1  }
0xec: {  	v0 =	vld.idx.msk [tilespmem:v0+s9+$0x0], $0xffff  }
0xed: {  	v34 =	vshll.u32 v2, $0x5;
	_ =	sdelay $0x3  }
0xee: {  	[tilespmem:s13+$0x4200] =	vst v0  }
0xef: {  	v0 =	vld.idx.msk [tilespmem:v34+s9+$0x0], $0xffff  }
0xf0: {  	v2 =	vor.u32 $0x1, v34;
	_ =	sdelay $0x3  }
0xf1: {  	[tilespmem:s15+$0x400] =	vst v0  }
0xf2: {  	v0 =	vld.idx.msk [tilespmem:v2+s9+$0x0], $0xffff  }
0xf3: {  	v35 =	vor.u32 $0x2, v34;
	_ =	sdelay $0x3  }
0xf4: {  	[tilespmem:s15+$0x600] =	vst v0  }
0xf5: {  	v0 =	vld.idx.msk [tilespmem:v35+s9+$0x0], $0xffff  }
0xf6: {  	v36 =	vor.u32 $0x3, v34;
	_ =	sdelay $0x3  }
0xf7: {  	[tilespmem:s15+$0x800] =	vst v0  }
0xf8: {  	v0 =	vld.idx.msk [tilespmem:v36+s9+$0x0], $0xffff  }
0xf9: {  	v37 =	vor.u32 $0x4, v34;
	_ =	sdelay $0x3  }
0xfa: {  	[tilespmem:s15+$0xA00] =	vst v0  }
0xfb: {  	v0 =	vld.idx.msk [tilespmem:v37+s9+$0x0], $0xffff  }
0xfc: {  	v38 =	vor.u32 $0x5, v34;
	_ =	sdelay $0x3  }
0xfd: {  	[tilespmem:s15+$0xC00] =	vst v0  }
0xfe: {  	v0 =	vld.idx.msk [tilespmem:v38+s9+$0x0], $0xffff  }
0xff: {  	v39 =	vor.u32 $0x6, v34;
	_ =	sdelay $0x3  }
0x100: {  	[tilespmem:s15+$0xE00] =	vst v0  }
0x101: {  	v0 =	vld.idx.msk [tilespmem:v39+s9+$0x0], $0xffff  }
0x102: {  	v40 =	vor.u32 $0x7, v34;
	_ =	sdelay $0x3  }
0x103: {  	[tilespmem:s15+$0x1000] =	vst v0  }
0x104: {  	v0 =	vld.idx.msk [tilespmem:v40+s9+$0x0], $0xffff  }
0x105: {  	v41 =	vor.u32 $0x8, v34;
	_ =	sdelay $0x3  }
0x106: {  	[tilespmem:s15+$0x1200] =	vst v0  }
0x107: {  	v0 =	vld.idx.msk [tilespmem:v41+s9+$0x0], $0xffff  }
0x108: {  	v42 =	vor.u32 $0x9, v34;
	_ =	sdelay $0x3  }
0x109: {  	[tilespmem:s15+$0x1400] =	vst v0  }
0x10a: {  	v0 =	vld.idx.msk [tilespmem:v42+s9+$0x0], $0xffff  }
0x10b: {  	v43 =	vor.u32 $0xA, v34;
	_ =	sdelay $0x3  }
0x10c: {  	[tilespmem:s15+$0x1600] =	vst v0  }
0x10d: {  	v0 =	vld.idx.msk [tilespmem:v43+s9+$0x0], $0xffff  }
0x10e: {  	v44 =	vor.u32 $0xB, v34;
	_ =	sdelay $0x3  }
0x10f: {  	[tilespmem:s15+$0x1800] =	vst v0  }
0x110: {  	v0 =	vld.idx.msk [tilespmem:v44+s9+$0x0], $0xffff  }
0x111: {  	v45 =	vor.u32 $0xC, v34;
	_ =	sdelay $0x3  }
0x112: {  	[tilespmem:s15+$0x1A00] =	vst v0  }
0x113: {  	v0 =	vld.idx.msk [tilespmem:v45+s9+$0x0], $0xffff  }
0x114: {  	v46 =	vor.u32 $0xD, v34;
	_ =	sdelay $0x3  }
0x115: {  	[tilespmem:s15+$0x1C00] =	vst v0  }
0x116: {  	v0 =	vld.idx.msk [tilespmem:v46+s9+$0x0], $0xffff  }
0x117: {  	v47 =	vor.u32 $0xE, v34;
	_ =	sdelay $0x3  }
0x118: {  	[tilespmem:s15+$0x1E00] =	vst v0  }
0x119: {  	v0 =	vld.idx.msk [tilespmem:v47+s9+$0x0], $0xffff  }
0x11a: {  	v48 =	vor.u32 $0xF, v34;
	_ =	sdelay $0x3  }
0x11b: {  	[tilespmem:s15+$0x2000] =	vst v0  }
0x11c: {  	v0 =	vld.idx.msk [tilespmem:v48+s9+$0x0], $0xffff  }
0x11d: {  	v49 =	vor.u32 $0x10, v34;
	_ =	sdelay $0x3  }
0x11e: {  	[tilespmem:s15+$0x2200] =	vst v0  }
0x11f: {  	v0 =	vld.idx.msk [tilespmem:v49+s9+$0x0], $0xffff  }
0x120: {  	v50 =	vor.u32 $0x11, v34;
	_ =	sdelay $0x3  }
0x121: {  	[tilespmem:s15+$0x2400] =	vst v0  }
0x122: {  	v0 =	vld.idx.msk [tilespmem:v50+s9+$0x0], $0xffff  }
0x123: {  	v51 =	vor.u32 $0x12, v34;
	_ =	sdelay $0x3  }
0x124: {  	[tilespmem:s15+$0x2600] =	vst v0  }
0x125: {  	v0 =	vld.idx.msk [tilespmem:v51+s9+$0x0], $0xffff  }
0x126: {  	v52 =	vor.u32 $0x13, v34;
	_ =	sdelay $0x3  }
0x127: {  	[tilespmem:s15+$0x2800] =	vst v0  }
0x128: {  	v0 =	vld.idx.msk [tilespmem:v52+s9+$0x0], $0xffff  }
0x129: {  	v53 =	vor.u32 $0x14, v34;
	_ =	sdelay $0x3  }
0x12a: {  	[tilespmem:s15+$0x2A00] =	vst v0  }
0x12b: {  	v0 =	vld.idx.msk [tilespmem:v53+s9+$0x0], $0xffff  }
0x12c: {  	v54 =	vor.u32 $0x15, v34;
	_ =	sdelay $0x3  }
0x12d: {  	[tilespmem:s15+$0x2C00] =	vst v0  }
0x12e: {  	v0 =	vld.idx.msk [tilespmem:v54+s9+$0x0], $0xffff  }
0x12f: {  	v55 =	vor.u32 $0x16, v34;
	_ =	sdelay $0x3  }
0x130: {  	[tilespmem:s15+$0x2E00] =	vst v0  }
0x131: {  	v0 =	vld.idx.msk [tilespmem:v55+s9+$0x0], $0xffff  }
0x132: {  	v56 =	vor.u32 $0x17, v34;
	_ =	sdelay $0x3  }
0x133: {  	[tilespmem:s15+$0x3000] =	vst v0  }
0x134: {  	v0 =	vld.idx.msk [tilespmem:v56+s9+$0x0], $0xffff  }
0x135: {  	v57 =	vor.u32 $0x18, v34;
	_ =	sdelay $0x3  }
0x136: {  	[tilespmem:s15+$0x3200] =	vst v0  }
0x137: {  	v0 =	vld.idx.msk [tilespmem:v57+s9+$0x0], $0xffff  }
0x138: {  	v58 =	vor.u32 $0x19, v34;
	_ =	sdelay $0x3  }
0x139: {  	[tilespmem:s15+$0x3400] =	vst v0  }
0x13a: {  	v0 =	vld.idx.msk [tilespmem:v58+s9+$0x0], $0xffff  }
0x13b: {  	v59 =	vor.u32 $0x1A, v34;
	_ =	sdelay $0x3  }
0x13c: {  	[tilespmem:s15+$0x3600] =	vst v0  }
0x13d: {  	v0 =	vld.idx.msk [tilespmem:v59+s9+$0x0], $0xffff  }
0x13e: {  	v60 =	vor.u32 $0x1B, v34;
	_ =	sdelay $0x3  }
0x13f: {  	[tilespmem:s15+$0x3800] =	vst v0  }
0x140: {  	v0 =	vld.idx.msk [tilespmem:v60+s9+$0x0], $0xffff  }
0x141: {  	v61 =	vor.u32 $0x1C, v34;
	_ =	sdelay $0x3  }
0x142: {  	[tilespmem:s15+$0x3A00] =	vst v0  }
0x143: {  	v0 =	vld.idx.msk [tilespmem:v61+s9+$0x0], $0xffff  }
0x144: {  	v62 =	vor.u32 $0x1D, v34;
	_ =	sdelay $0x3  }
0x145: {  	[tilespmem:s15+$0x3C00] =	vst v0  }
0x146: {  	v0 =	vld.idx.msk [tilespmem:v62+s9+$0x0], $0xffff  }
0x147: {  	v63 =	vor.u32 $0x1E, v34;
	_ =	sdelay $0x3  }
0x148: {  	[tilespmem:s15+$0x3E00] =	vst v0  }
0x149: {  	v0 =	vld.idx.msk [tilespmem:v63+s9+$0x0], $0xffff  }
0x14a: {  	v1 =	vor.u32 $0x1F, v34;
	_ =	sdelay $0x3  }
0x14b: {  	[tilespmem:s15+$0x4000] =	vst v0  }
0x14c: {  	v0 =	vld.idx.msk [tilespmem:v1+s9+$0x0], $0xffff;
	_ =	sdelay $0x2  }
0x14d: {  	s12 =	sadd.s32 $0x1, s12  }
0x14e: {  	p0 =	sne.s32 s12, s6  }
.Ltmp1:
0x14f: {  	[tilespmem:s15+$0x4200] =	vst v0;
	(pc) =	sbr.rel @p0 .LBB2_1-.Ltmp1, $4  }
0x150: {  	[hbm4b:s5+s8] =	stream.strided.scatter [tilespmem:s11], [sflag:$0x1], $0x4000, s10, s8, $0x38;
	[tilespmem:$0x4400] =	vst v63  }
0x151: {  	_ =	swait.ge [sflag:s7], $0x4000  }
0x152: {  	[sflag:s7] =	ssyncset.done $0x0  }
0x153: {  	[sflag:s7] =	ssyncadd.s32 $0xFFFFC000  }
0x154: {  	_ =	sfence.sel $0x180000  }
0x155: {  	[bflag:$0x0] =	sbarrier.arrive $0xFFFF  }
0x156: {  	p0 =	sne.s32 s2, $0x0;
	_ =	strace $0x90000047  }
0x157: {  	s0 =	sadd.s32 @!p0 $0x100000, s0;
	[bflag:$0x2] =	sbarrier.arrive $0xFFFF  }
0x158: {  	[sflag:s0] =	ssyncadd.tile.s32 @!p0 $0x1;
	_ =	shalt  }
.Lfunc_end2:
_tile_overlayer_lowered:
.L_overlay_start_2:
0x159: {  	(tag) =	ssettag $0x2  }
0x15a: {  	s0 =	rddreg [dreg:$0x0];
	s2 =	stileid.u32  }
0x15b: {  	s1 =	rddreg [dreg:$0x1];
	p0 =	sne.s32 s2, $0x0  }
0x15c: {  	s3 =	rddreg [dreg:$0x2];
	[bflag:$0x3] =	sbarrier.arrive $0xFFFF;
	s2 =	simm.s32 @!p0 $0x1C01  }
0x15d: {  	[timem:s3], [sflag:s2] =	dma.local @!p0 [hbm:s0], s1  }
0x15e: {  	s0 =	simm.s32 @!p0 $0x1  }
0x15f: {  	_ =	swait.ge @!p0 [sflag:s0], s1  }
0x160: {  	s1 =	ssub.s32 @!p0 $0x0, s1;
	[sflag:s0] =	ssyncset.done @!p0 $0x0  }
0x161: {  	[sflag:s0] =	ssyncadd.s32 @!p0 s1  }
0x162: {  	[bflag:$0x3] =	sbarrier.arrive $0xFFFF  }
0x163: {  	_ =	shalt  }

// kernel: kernel.7.cloned.1.call-start
scs
__scs_entry_jumppad:
0x0: {  	(pc) =	sbr.rel $0x88, $3  }
0x1: {  	(tag) =	ssettag $0x0;
	lr =	simm.s32 $0x1  }
0x2: {  	[smem:$0x3F9D] =	sst lr;
	_ =	strace $0xD0000000  }
0x3: {  	_ = 	snop  }
0x4: {  	_ = 	snop  }
0x5: {  	_ = 	snop  }
0x6: {  	_ = 	snop  }
0x7: {  	_ = 	snop  }
__scs_overlays_trampoline_lowered:
0x8: {  	[smem:$0x3FAC] =	sst s0  }
0x9: {  	[smem:$0x3FAD] =	sst s1  }
0xa: {  	[smem:$0x3FAE] =	sst s2  }
0xb: {  	[smem:$0x3FAF] =	sst s3  }
0xc: {  	[smem:$0x3FB0] =	sst s4  }
0xd: {  	[smem:$0x3FB1] =	sst s5  }
0xe: {  	[smem:$0x3FB2] =	sst s6  }
0xf: {  	[smem:$0x3FB3] =	sst s7  }
0x10: {  	[smem:$0x3FB4] =	sst s8  }
0x11: {  	[smem:$0x3FB5] =	sst s9;
	s0 =	simm.s32 @!p0 $0x0  }
0x12: {  	s1 =	sld [smem:$0x3F9B];
	s0 =	simm.s32 @p0 $0x1  }
0x13: {  	[smem:$0x3FB6] =	sst s0;
	s0 =	simm.s32 @!p1 $0x0  }
0x14: {  	s2 =	sld [smem:$0x3F9A];
	s0 =	simm.s32 @p1 $0x1  }
0x15: {  	[smem:$0x3FB7] =	sst s0;
	s0 =	simm.s32 @!p2 $0x0  }
0x16: {  	s3 =	sld [smem:$0x3FDB];
	s0 =	simm.s32 @p2 $0x1  }
0x17: {  	s4 =	simm.s32 $0x1BF5;
	[smem:$0x3FB9] =	sst s0  }
0x18: {  	s0 =	sld [smem:$0x3F9C];
	_ =	swait.ge [sflag:s4], $0x0  }
0x19: {  	s7 =	sld [smem:$0x3F9D]  }
0x1a: {  	s8 =	sadd.s32 $0xFFFFE003, lr  }
0x1b: {  	s9 =	sadd.s32 $0xFFFFFEF7, lr;
	s5 =	simm.s32 $0xFFFFFFFF;
	p2 =	slt.u32 s8, $0xFFFFF086  }
0x1c: {  	p1 =	slt.u32 s9, $0xF7A;
	s5 =	simm.s32 @!p2 $0x0  }
0x1d: {  	s5 =	simm.s32 @p1 $0x1;
	p0 =	seq.s32 s7, s2  }
0x1e: {  	s7 =	smul.u32 @!p0 $0xF7A, s2;
	p2 =	seq.s32 @!p0 s5, $0x0  }
0x1f: {  	s9 =	smul.u32 $0xF7A, s1;
	s8 =	simm.s32 @!p0 $0x1BF5;
	p2 =	por !p2, p0  }
0x20: {  	[sflag:s8] =	ssyncset.s32 @!p0 $0xFFFFF086;
	s6 =	sadd.s32 @!p0 s3, s7;
	s7 =	simm.s32 @!p0 $0x108  }
0x21: {  	s3 =	sadd.s32 s3, s9;
	s6 =	sadd.s32 @!p0 $0x88, s6;
	s7 =	simm.s32 @p2 $0x1082  }
0x22: {  	[simem:s7], [sflag:s8] =	dma.local @!p0 [hbm:s6], $0xF7A  }
0x23: {  	s9 =	sor.u32 $0xD0000000, s2;
	s6 =	simm.s32 $0x108;
	_ =	swait.ge @!p0 [sflag:s8], $0x0  }
0x24: {  	s3 =	sadd.s32 $0x88, s3;
	s6 =	simm.s32 @!p1 $0x1082;
	[sflag:s4] =	ssyncset.s32 $0xFFFFF086  }
0x25: {  	[simem:s6], [sflag:s4] =	dma.local [hbm:s3], $0xF7A  }
0x26: {  	[smem:$0x3F9D] =	sst s1;
	(tag) =	ssettag s2;
	_ =	strace s9  }
0x27: {  	s1 =	sld [smem:$0x3FAD]  }
0x28: {  	s2 =	sld [smem:$0x3FAE]  }
0x29: {  	s4 =	sld [smem:$0x3FB0]  }
0x2a: {  	p0 =	seq.s32 s5, $0x0;
	s5 =	sld [smem:$0x3FB1]  }
0x2b: {  	s6 =	sld [smem:$0x3FB2]  }
0x2c: {  	s7 =	sld [smem:$0x3FB3]  }
0x2d: {  	s3 =	simm.s32 $0x108;
	s8 =	sld [smem:$0x3FB4]  }
0x2e: {  	s3 =	simm.s32 @!p0 $0x1082;
	s9 =	sld [smem:$0x3FB5]  }
0x2f: {  	lr =	sadd.s32 s0, s3;
	s0 =	sld [smem:$0x3FAC]  }
0x30: {  	s3 =	sld [smem:$0x3FAF]  }
0x31: {  	[smem:$0x3FB8] =	sst s10  }
0x32: {  	s10 =	sld [smem:$0x3FB6];
	_ =	sdelay $0x3  }
0x33: {  	p0 =	seq.s32 s10, $0x1;
	s10 =	sld [smem:$0x3FB8];
	_ =	sdelay $0x3  }
0x34: {  	[smem:$0x3FB8] =	sst s10  }
0x35: {  	s10 =	sld [smem:$0x3FB7];
	_ =	sdelay $0x3  }
0x36: {  	p1 =	seq.s32 s10, $0x1;
	s10 =	sld [smem:$0x3FB8];
	_ =	sdelay $0x3  }
0x37: {  	[smem:$0x3FB8] =	sst s10  }
0x38: {  	s10 =	sld [smem:$0x3FB9]  }
0x39: {  	_ = 	snop;
	(pc) =	sbr.ind lr, $3  }
0x3a: {  	_ = 	snop  }
0x3b: {  	_ = 	snop  }
0x3c: {  	p2 =	seq.s32 s10, $0x1;
	s10 =	sld [smem:$0x3FB8]  }
0x3d: {  	_ =	shalt  }
0x3e: {  	_ =	shalt  }
0x3f: {  	_ =	shalt  }
0x40: {  	_ =	shalt  }
0x41: {  	_ =	shalt  }
0x42: {  	_ =	shalt  }
0x43: {  	_ =	shalt  }
0x44: {  	_ =	shalt  }
0x45: {  	_ =	shalt  }
0x46: {  	_ =	shalt  }
0x47: {  	_ =	shalt  }
0x48: {  	_ =	shalt  }
0x49: {  	_ =	shalt  }
0x4a: {  	_ =	shalt  }
0x4b: {  	_ =	shalt  }
0x4c: {  	_ =	shalt  }
0x4d: {  	_ =	shalt  }
0x4e: {  	_ =	shalt  }
0x4f: {  	_ =	shalt  }
0x50: {  	_ =	shalt  }
0x51: {  	_ =	shalt  }
0x52: {  	_ =	shalt  }
0x53: {  	_ =	shalt  }
0x54: {  	_ =	shalt  }
0x55: {  	_ =	shalt  }
0x56: {  	_ =	shalt  }
0x57: {  	_ =	shalt  }
0x58: {  	_ =	shalt  }
0x59: {  	_ =	shalt  }
0x5a: {  	_ =	shalt  }
0x5b: {  	_ =	shalt  }
0x5c: {  	_ =	shalt  }
0x5d: {  	_ =	shalt  }
0x5e: {  	_ =	shalt  }
0x5f: {  	_ =	shalt  }
0x60: {  	_ =	shalt  }
0x61: {  	_ =	shalt  }
0x62: {  	_ =	shalt  }
0x63: {  	_ =	shalt  }
0x64: {  	_ =	shalt  }
0x65: {  	_ =	shalt  }
0x66: {  	_ =	shalt  }
0x67: {  	_ =	shalt  }
0x68: {  	_ =	shalt  }
0x69: {  	_ =	shalt  }
0x6a: {  	_ =	shalt  }
0x6b: {  	_ =	shalt  }
0x6c: {  	_ =	shalt  }
0x6d: {  	_ =	shalt  }
0x6e: {  	_ =	shalt  }
0x6f: {  	_ =	shalt  }
0x70: {  	_ =	shalt  }
0x71: {  	_ =	shalt  }
0x72: {  	_ =	shalt  }
0x73: {  	_ =	shalt  }
0x74: {  	_ =	shalt  }
0x75: {  	_ =	shalt  }
0x76: {  	_ =	shalt  }
0x77: {  	_ =	shalt  }
0x78: {  	_ =	shalt  }
0x79: {  	_ =	shalt  }
0x7a: {  	_ =	shalt  }
0x7b: {  	_ =	shalt  }
0x7c: {  	_ =	shalt  }
0x7d: {  	_ =	shalt  }
0x7e: {  	_ =	shalt  }
0x7f: {  	_ =	shalt  }
0x80: {  	_ =	shalt  }
0x81: {  	_ =	shalt  }
0x82: {  	_ =	shalt  }
0x83: {  	_ =	shalt  }
0x84: {  	_ =	shalt  }
0x85: {  	_ =	shalt  }
0x86: {  	_ =	shalt  }
0x87: {  	_ =	shalt  }
.Lfunc_end0:
.L_simem_size_0:
called_computation.1_lowered:
.L_overlay_start_0:
0x88: {  	s2 =	sld [smem:$0x3FD9]  }
0x89: {  	s3 =	sld [smem:$0x3FFE];
	_ =	sdelay $0x1  }
0x8a: {  	s1 =	srdreg.scid  }
0x8b: {  	s0 =	sand.u32 $0x1, s1  }
0x8c: {  	s17 =	sshll.u32 s0, $0xA;
	s2 =	sadd.s32 s3, s2  }
0x8d: {  	s2 =	sadd.s32 s2, s17  }
0x8e: {  	[smem:$0x3FC4] =	sst s2  }
0x8f: {  	_ = 	snop  }
0x90: {  	s2 =	sld [smem:$0x3FC8]  }
0x91: {  	s18 =	sld [smem:$0x3FD0];
	(tm) =	ssettm $0x1  }
0x92: {  	s4 =	sld [smem:$0x3FFB];
	_ =	sdelay $0x3  }
0x93: {  	_ =	strace s4  }
0x94: {  	s4 =	sld [smem:$0x3FFC];
	_ =	sdelay $0x3  }
0x95: {  	_ =	strace s4  }
0x96: {  	s4 =	sld [smem:$0x3FFD];
	_ =	sdelay $0x3  }
0x97: {  	_ =	strace s4  }
0x98: {  	_ =	strace $0x8FFFFFFF  }
0x99: {  	s19 =	sld [smem:$0x3FDB];
	_ =	sdelay $0x1  }
0x9a: {  	s5 =	simm.s32 $_scs_section_size  }
0x9b: {  	s6 =	simm.s32 $_size__tile_overlayer_lowered;
	s7 =	simm.s32 $_tile_overlayer_lowered  }
0x9c: {  	s22 =	simm.s32 $0x1BFF;
	s21 =	sshll.u32 s7, $0x1;
	s4 =	sadd.s32 s5, s19  }
0x9d: {  	s8 =	simm.s32 $0x0;
	s20 =	sshll.u32 s6, $0x1;
	s6 =	sadd.s32 s21, s4  }
0x9e: {  	[timem:s8], [sflag:s22] =	dma.local [hbm:s6], s20  }
0x9f: {  	_ =	swait.ge [sflag:s22], s20  }
0xa0: {  	s5 =	ssub.s32 $0x0, s20;
	[sflag:s22] =	ssyncset.done $0x0  }
0xa1: {  	[sflag:s22] =	ssyncadd.s32 s5;
	_ =	sdelay $0x1  }
0xa2: {  	s23 =	simm.s32 $0x1B8B  }
0xa3: {  	_ =	swait.ge [sflag:s23], $0x1  }
0xa4: {  	[sflag:s23] =	ssyncset.done $0x0  }
0xa5: {  	s25 =	simm.s32 $0x1B8E;
	s24 =	sld [smem:$0x3FFE];
	[sflag:s23] =	ssyncadd.s32 $0xFFFFFFFF  }
0xa6: {  	s26 =	simm.s32 $execute0_lowered;
	[smem:$0x3FD2] =	sst s25  }
0xa7: {  	s6 =	sshll.u32 s26, $0x1;
	_ =	strace $0x80000049;
	[dreg:$0x1] =	wrdreg $0xFFFFFFFF  }
0xa8: {  	s28 =	simm.s32 $_size_execute0_lowered;
	s4 =	sadd.s32 s4, s6;
	[dreg:$0x0] =	wrdreg $0x0  }
0xa9: {  	s6 =	sshll.u32 s28, $0x1;
	[dreg:$0x2] =	wrdreg s4  }
0xaa: {  	[dreg:$0x3] =	wrdreg s6  }
0xab: {  	[dreg:$0x4] =	wrdreg $0xC0  }
0xac: {  	_ =	task [dreg:s8], $0x5FFFF  }
0xad: {  	[dreg:$0x1] =	wrdreg $0xFFFFFFFF  }
0xae: {  	[dreg:$0x0] =	wrdreg $0x60  }
0xaf: {  	[dreg:$0x2] =	wrdreg s2  }
0xb0: {  	[dreg:$0x3] =	wrdreg s24  }
0xb1: {  	[dreg:$0x4] =	wrdreg s18  }
0xb2: {  	[dreg:$0x5] =	wrdreg $0x82000  }
0xb3: {  	[dreg:$0x6] =	wrdreg $0xE3A80  }
0xb4: {  	[dreg:$0x7] =	wrdreg $0x9  }
0xb5: {  	_ =	task.clear_ibuf [dreg:s8], $0x8FFFF;
	_ =	strace $0x90000049  }
0xb6: {  	s29 =	simm.s32 $0x9;
	_ =	strace $0x8000004B  }
0xb7: {  	_ =	swait.ge [sflag:s29], $0x1  }
0xb8: {  	[sflag:s29] =	ssyncadd.s32 $0xFFFFFFFF  }
0xb9: {  	_ =	strace $0x9000004B  }
0xba: {  	_ =	sfence  }
0xbb: {  	s30 =	sld [smem:$0x0];
	_ =	sdelay $0x2  }
0xbc: {  	s31 =	sshll.u32 s1, $0xD;
	s1 =	sshrl.u32 s1, $0x2  }
0xbd: {  	s3 =	sand.u32 $0x4000, s31;
	s1 =	sadd.s32 s1, s30  }
0xbe: {  	s0 =	sor.u32 s3, s0;
	s1 =	sshll.u32 s1, $0x11  }
0xbf: {  	s0 =	sor.u32 s1, s0  }
0xc0: {  	s0 =	sadd.s32 $0x8F2B, s0  }
0xc1: {  	[sflag:s0] =	ssyncadd.remote.s32 $0x1  }
0xc2: {  	_ =	sfence.sel $0xFFFF  }
0xc3: {  	[dreg:$0x0] =	wrdreg $0xFFFFFFFF;
	(pc) =	sbr.abs _section_cstart, $3  }
0xc4: {  	[dreg:$0x1] =	wrdreg $0xFFFFFFFF  }
0xc5: {  	_ =	task.clear_ibuf [dreg:s8], $0x2FFFF;
	_ =	strace $0x9FFFFFFF  }
0xc6: {  	(tm) =	ssettm $0x7FFFFFFF  }
0xc7: {  	_ =	shalt  }
tec
execute0_lowered:
.L_overlay_start_1:
0x0: {  	(tag) =	ssettag $0x1  }
0x1: {  	s5 =	rddreg [dreg:$0x0]  }
0x2: {  	s6 =	rddreg [dreg:$0x1]  }
0x3: {  	s7 =	rddreg [dreg:$0x2]  }
0x4: {  	s4 =	rddreg [dreg:$0x3]  }
0x5: {  	s0 =	stileid.u32;
	s2 =	rddreg [dreg:$0x4]  }
0x6: {  	s9 =	srdreg.scid;
	s21 =	simm.s32 $0x4200;
	s3 =	sand.u32 $0x3, s0  }
0x7: {  	s22 =	simm.s32 $0x4400;
	s10 =	smul.u32 $0x61A8, s3;
	s3 =	simm.s32 $0x0  }
0x8: {  	s23 =	simm.s32 $0x4600;
	s25 =	simm.s32 $0x4800;
	[smem:$0x7FF] =	sst s3  }
0x9: {  	s1 =	sshrl.u32 s0, $0x2;
	_ =	strace $0x8000004A;
	[dreg:$0x11] =	wrdreg s21  }
0xa: {  	s9 =	sand.u32 $0x1, s9;
	s11 =	sshll.u32 s0, $0x7;
	[dreg:$0x12] =	wrdreg s22  }
0xb: {  	s12 =	sshll.u32 s9, $0x6;
	s24 =	ssub.s32 $0x2, s9;
	[dreg:$0x13] =	wrdreg s23  }
0xc: {  	s9 =	simm.s32 $0x5200;
	s29 =	sor.u32 s12, s11;
	[dreg:$0x14] =	wrdreg s25  }
0xd: {  	s8 =	smul.u32 $0x186A0, s1;
	s5 =	sadd.s32 s5, s29;
	[dreg:$0x19] =	wrdreg s9  }
0xe: {  	s7 =	sadd.s32 s7, s29;
	[dreg:$0x6] =	wrdreg s5  }
0xf: {  	s8 =	sadd.s32 s10, s8;
	s10 =	simm.s32 $0x5400;
	[dreg:$0x7] =	wrdreg s7  }
0x10: {  	s21 =	simm.s32 $0x6000;
	[dreg:$0x1a] =	wrdreg s10  }
0x11: {  	s22 =	simm.s32 $0x6400;
	[smem:$0x7F7] =	sst s21  }
0x12: {  	s23 =	simm.s32 $0x6600;
	[smem:$0x7F9] =	sst s22  }
0x13: {  	s1 =	sshrl.u32 s8, $0x3;
	s7 =	simm.s32 $0x4E00;
	[smem:$0x7FA] =	sst s23  }
0x14: {  	s28 =	simm.s32 $0x7000;
	s11 =	sadd.s32 s1, s6;
	[dreg:$0x17] =	wrdreg s7  }
0x15: {  	s6 =	sadd.s32 s29, s6;
	s29 =	simm.s32 $0x4A00;
	s31 =	rddreg [dreg:$0x6]  }
0x16: {  	p0 =	por $0x0, $0x0;
	s1 =	simm.s32 $0x4C00;
	[dreg:$0x15] =	wrdreg s29  }
0x17: {  	s26 =	sshrl.u32 s24, $0x1;
	s12 =	sadd.s32 $0xA00, s11;
	[dreg:$0x16] =	wrdreg s1  }
0x18: {  	s9 =	sadd.s32 $0x30D40, s2;
	s13 =	sadd.s32 $0xCD50, s11;
	[dreg:$0x8] =	wrdreg s12  }
0x19: {  	s10 =	sadd.s32 $0x493E0, s2;
	s14 =	sadd.s32 $0x190A0, s11;
	[dreg:$0x9] =	wrdreg s13  }
0x1a: {  	s5 =	simm.s32 $0x3;
	s15 =	sadd.s32 $0x253F0, s11;
	[dreg:$0xa] =	wrdreg s14  }
0x1b: {  	s21 =	simm.s32 $0x7200;
	s16 =	sadd.s32 $0x31740, s11;
	[dreg:$0xb] =	wrdreg s15  }
0x1c: {  	s22 =	simm.s32 $0x7400;
	s17 =	sadd.s32 $0x3DA90, s11;
	[dreg:$0xc] =	wrdreg s16  }
0x1d: {  	s23 =	simm.s32 $0x7600;
	s18 =	sadd.s32 $0x49DE0, s11;
	[dreg:$0xd] =	wrdreg s17  }
0x1e: {  	s7 =	sadd.s32 $0x186A0, s2;
	s19 =	sadd.s32 $0x56130, s11;
	[dreg:$0xe] =	wrdreg s18  }
0x1f: {  	s20 =	sadd.s32 $0x62600, s6;
	s6 =	ssub.s32 s24, s26;
	[dreg:$0xf] =	wrdreg s19  }
0x20: {  	s11 =	sadd.s32 $0x186A0, s4;
	s24 =	simm.s32 $0x6800;
	[dreg:$0x10] =	wrdreg s20  }
0x21: {  	s26 =	simm.s32 $0x6A00;
	s29 =	simm.s32 $0x6C00;
	[smem:$0x7FB] =	sst s24  }
0x22: {  	s14 =	sadd.s32 s8, s4;
	s16 =	sadd.s32 s8, s2;
	[smem:$0x7FC] =	sst s26  }
0x23: {  	s8 =	simm.s32 $0x5000;
	s12 =	sadd.s32 $0x30D40, s4;
	[smem:$0x7FD] =	sst s29  }
0x24: {  	s13 =	sadd.s32 $0x493E0, s4;
	s15 =	simm.s32 $0x5600;
	[dreg:$0x18] =	wrdreg s8  }
0x25: {  	s17 =	simm.s32 $0x5800;
	s18 =	simm.s32 $0x5A00;
	[dreg:$0x1b] =	wrdreg s15  }
0x26: {  	s19 =	simm.s32 $0x5C00;
	s20 =	simm.s32 $0x5E00;
	[dreg:$0x1c] =	wrdreg s17  }
0x27: {  	s26 =	simm.s32 $0x6E00;
	[dreg:$0x1d] =	wrdreg s18;
	s17 =	smax.u32 s6, $0x1  }
0x28: {  	s24 =	simm.s32 $0x7800;
	[dreg:$0x1e] =	wrdreg s19;
	p1 =	sne.s32 s17, $0x1  }
.Ltmp0:
0x29: {  	[dreg:$0x1f] =	wrdreg s20;
	s6 =	simm.s32 $0x4000;
	(pc) =	sbr.rel @!p1 .LBB2_3-.Ltmp0, $4  }
0x2a: {  	s15 =	simm.s32 $0x6200;
	s8 =	simm.s32 $0x200;
	s25 =	sshrl.u32 s14, $0x3  }
0x2b: {  	s20 =	sshrl.u32 s16, $0x3;
	s14 =	simm.s32 $0x1;
	s16 =	simm.s32 $0x7A00  }
0x2c: {  	s18 =	simm.s32 $0x7E00;
	s19 =	simm.s32 $0x8000;
	[smem:$0x7F8] =	sst s15  }
0x2d: {  	s15 =	simm.s32 $0x2;
	s30 =	sadd.s32 $0xFFFFFFFF, s17;
	s17 =	simm.s32 $0x7C00  }
0x2e: {  	[tilespmem:s3], [sflag:$0x3] =	stream.linear.gather [hbm4b:s31+s3], $0x200, $0x38;
	[tilespmem:$0x14550] =	vst v63  }
0x2f: {  	_ =	swait.ge [sflag:s5], $0x200  }
0x30: {  	[sflag:s5] =	ssyncset.done $0x0  }
0x31: {  	s29 =	rddreg [dreg:$0x7];
	[sflag:s5] =	ssyncadd.s32 $0xFFFFFE00  }
0x32: {  	[tilespmem:s8], [sflag:$0x3] =	stream.strided.gather [hbm4b:s29+s8], $0x4000, s6, s8, $0x38;
	[tilespmem:$0x14550] =	vst v63  }
0x33: {  	_ =	swait.ge [sflag:s5], $0x4000  }
0x34: {  	s29 =	sshll.u32 s0, $0x6;
	[sflag:s5] =	ssyncset.done $0x0  }
0x35: {  	s29 =	sor.u32 $0x1C02, s29;
	s31 =	rddreg [dreg:$0x8];
	[sflag:s5] =	ssyncadd.s32 $0xFFFFC000  }
0x36: {  	[spmem:s25], [sflag:s29] =	dma.local [hbm:s31], $0xC35  }
0x37: {  	_ =	swait.ge [sflag:s15], $0xC35  }
0x38: {  	[sflag:s15] =	ssyncset.done $0x0  }
0x39: {  	[sflag:s15] =	ssyncadd.s32 $0xFFFFF3CB  }
0x3a: {  	[bflag:$0x0] =	sbarrier.arrive $0xFFFF  }
0x3b: {  	s31 =	rddreg [dreg:$0x9]  }
0x3c: {  	[spmem:s20], [sflag:s29] =	dma.local [hbm:s31], $0xC35  }
0x3d: {  	s31 =	rddreg [dreg:$0x11]  }
0x3e: {  	[tilespmem:s31], [sflag:$0x1] =	stream.indirect.gather [spmem:s4], $0x1, s3, s8, $0xb8;
	[tilespmem:$0x14550] =	vst v63  }
0x3f: {  	s1 =	rddreg [dreg:$0x12]  }
0x40: {  	[tilespmem:s1], [sflag:$0x1] =	stream.indirect.gather [spmem:s11], $0x1, s3, s8, $0xb8;
	[tilespmem:$0x14550] =	vst v63  }
0x41: {  	s31 =	rddreg [dreg:$0x13]  }
0x42: {  	[tilespmem:s31], [sflag:$0x1] =	stream.indirect.gather [spmem:s12], $0x1, s3, s8, $0xb8;
	[tilespmem:$0x14550] =	vst v63  }
0x43: {  	s1 =	rddreg [dreg:$0x14]  }
0x44: {  	[tilespmem:s1], [sflag:$0x1] =	stream.indirect.gather [spmem:s13], $0x1, s3, s8, $0xb8;
	[tilespmem:$0x14550] =	vst v63  }
0x45: {  	_ =	swait.ge [sflag:s14], $0x200  }
0x46: {  	[sflag:s14] =	ssyncset.done $0x0  }
0x47: {  	[sflag:s14] =	ssyncadd.s32 $0xFFFFFE00  }
0x48: {  	_ =	swait.ge [sflag:s14], $0x200  }
0x49: {  	[sflag:s14] =	ssyncset.done $0x0  }
0x4a: {  	[sflag:s14] =	ssyncadd.s32 $0xFFFFFE00  }
0x4b: {  	_ =	swait.ge [sflag:s14], $0x200  }
0x4c: {  	[sflag:s14] =	ssyncset.done $0x0  }
0x4d: {  	[sflag:s14] =	ssyncadd.s32 $0xFFFFFE00  }
0x4e: {  	_ =	swait.ge [sflag:s14], $0x200  }
0x4f: {  	[sflag:s14] =	ssyncset.done $0x0  }
0x50: {  	[sflag:s14] =	ssyncadd.s32 $0xFFFFFE00  }
0x51: {  	[bflag:$0x0] =	sbarrier.arrive $0xFFFF  }
0x52: {  	_ =	swait.ge [sflag:s15], $0xC35  }
0x53: {  	[sflag:s15] =	ssyncset.done $0x0  }
0x54: {  	[sflag:s15] =	ssyncadd.s32 $0xFFFFF3CB  }
0x55: {  	[bflag:$0x0] =	sbarrier.arrive $0xFFFF  }
0x56: {  	s1 =	rddreg [dreg:$0xa]  }
0x57: {  	[spmem:s25], [sflag:s29] =	dma.local [hbm:s1], $0xC35  }
0x58: {  	s1 =	rddreg [dreg:$0x15]  }
0x59: {  	[tilespmem:s1], [sflag:$0x1] =	stream.indirect.gather [spmem:s2], $0x1, s3, s8, $0xb8;
	[tilespmem:$0x14550] =	vst v63  }
0x5a: {  	s31 =	rddreg [dreg:$0x16]  }
0x5b: {  	[tilespmem:s31], [sflag:$0x1] =	stream.indirect.gather [spmem:s7], $0x1, s3, s8, $0xb8;
	[tilespmem:$0x14550] =	vst v63  }
0x5c: {  	s1 =	rddreg [dreg:$0x17]  }
0x5d: {  	[tilespmem:s1], [sflag:$0x1] =	stream.indirect.gather [spmem:s9], $0x1, s3, s8, $0xb8;
	[tilespmem:$0x14550] =	vst v63  }
0x5e: {  	s31 =	rddreg [dreg:$0x18]  }
0x5f: {  	[tilespmem:s31], [sflag:$0x1] =	stream.indirect.gather [spmem:s10], $0x1, s3, s8, $0xb8;
	[tilespmem:$0x14550] =	vst v63  }
0x60: {  	_ =	swait.ge [sflag:s14], $0x200  }
0x61: {  	[sflag:s14] =	ssyncset.done $0x0  }
0x62: {  	[sflag:s14] =	ssyncadd.s32 $0xFFFFFE00  }
0x63: {  	_ =	swait.ge [sflag:s14], $0x200  }
0x64: {  	[sflag:s14] =	ssyncset.done $0x0  }
0x65: {  	[sflag:s14] =	ssyncadd.s32 $0xFFFFFE00  }
0x66: {  	_ =	swait.ge [sflag:s14], $0x200  }
0x67: {  	[sflag:s14] =	ssyncset.done $0x0  }
0x68: {  	[sflag:s14] =	ssyncadd.s32 $0xFFFFFE00  }
0x69: {  	_ =	swait.ge [sflag:s14], $0x200  }
0x6a: {  	[sflag:s14] =	ssyncset.done $0x0  }
0x6b: {  	[sflag:s14] =	ssyncadd.s32 $0xFFFFFE00  }
0x6c: {  	[bflag:$0x0] =	sbarrier.arrive $0xFFFF  }
0x6d: {  	_ =	swait.ge [sflag:s15], $0xC35  }
0x6e: {  	[sflag:s15] =	ssyncset.done $0x0  }
0x6f: {  	[sflag:s15] =	ssyncadd.s32 $0xFFFFF3CB  }
0x70: {  	[bflag:$0x0] =	sbarrier.arrive $0xFFFF  }
0x71: {  	s1 =	rddreg [dreg:$0xb]  }
0x72: {  	[spmem:s20], [sflag:s29] =	dma.local [hbm:s1], $0xC35  }
0x73: {  	s1 =	rddreg [dreg:$0x19]  }
0x74: {  	[tilespmem:s1], [sflag:$0x1] =	stream.indirect.gather [spmem:s4], $0x1, s3, s8, $0xb8;
	[tilespmem:$0x14550] =	vst v63  }
0x75: {  	s31 =	rddreg [dreg:$0x1a]  }
0x76: {  	[tilespmem:s31], [sflag:$0x1] =	stream.indirect.gather [spmem:s11], $0x1, s3, s8, $0xb8;
	[tilespmem:$0x14550] =	vst v63  }
0x77: {  	s1 =	rddreg [dreg:$0x1b]  }
0x78: {  	[tilespmem:s1], [sflag:$0x1] =	stream.indirect.gather [spmem:s12], $0x1, s3, s8, $0xb8;
	[tilespmem:$0x14550] =	vst v63  }
0x79: {  	s31 =	rddreg [dreg:$0x1c]  }
0x7a: {  	[tilespmem:s31], [sflag:$0x1] =	stream.indirect.gather [spmem:s13], $0x1, s3, s8, $0xb8;
	[tilespmem:$0x14550] =	vst v63  }
0x7b: {  	_ =	swait.ge [sflag:s14], $0x200  }
0x7c: {  	[sflag:s14] =	ssyncset.done $0x0  }
0x7d: {  	[sflag:s14] =	ssyncadd.s32 $0xFFFFFE00  }
0x7e: {  	_ =	swait.ge [sflag:s14], $0x200  }
0x7f: {  	[sflag:s14] =	ssyncset.done $0x0  }
0x80: {  	[sflag:s14] =	ssyncadd.s32 $0xFFFFFE00  }
0x81: {  	_ =	swait.ge [sflag:s14], $0x200  }
0x82: {  	[sflag:s14] =	ssyncset.done $0x0  }
0x83: {  	[sflag:s14] =	ssyncadd.s32 $0xFFFFFE00  }
0x84: {  	_ =	swait.ge [sflag:s14], $0x200  }
0x85: {  	[sflag:s14] =	ssyncset.done $0x0  }
0x86: {  	[sflag:s14] =	ssyncadd.s32 $0xFFFFFE00  }
0x87: {  	[bflag:$0x0] =	sbarrier.arrive $0xFFFF  }
0x88: {  	_ =	swait.ge [sflag:s15], $0xC35  }
0x89: {  	[sflag:s15] =	ssyncset.done $0x0  }
0x8a: {  	[sflag:s15] =	ssyncadd.s32 $0xFFFFF3CB  }
0x8b: {  	[bflag:$0x0] =	sbarrier.arrive $0xFFFF  }
0x8c: {  	s1 =	rddreg [dreg:$0xc]  }
0x8d: {  	[spmem:s25], [sflag:s29] =	dma.local [hbm:s1], $0xC35  }
0x8e: {  	s1 =	rddreg [dreg:$0x1d]  }
0x8f: {  	s31 =	rddreg [dreg:$0x1e]  }
0x90: {  	[tilespmem:s1], [sflag:$0x1] =	stream.indirect.gather [spmem:s2], $0x1, s3, s8, $0xb8;
	[tilespmem:$0x14550] =	vst v63  }
0x91: {  	s1 =	rddreg [dreg:$0x1f]  }
0x92: {  	[tilespmem:s31], [sflag:$0x1] =	stream.indirect.gather [spmem:s7], $0x1, s3, s8, $0xb8;
	[tilespmem:$0x14550] =	vst v63  }
0x93: {  	s31 =	sld [smem:$0x7F7]  }
0x94: {  	[tilespmem:s1], [sflag:$0x1] =	stream.indirect.gather [spmem:s9], $0x1, s3, s8, $0xb8;
	[tilespmem:$0x14550] =	vst v63  }
0x95: {  	_ = 	snop  }
0x96: {  	[tilespmem:s31], [sflag:$0x1] =	stream.indirect.gather [spmem:s10], $0x1, s3, s8, $0xb8;
	[tilespmem:$0x14550] =	vst v63  }
0x97: {  	_ =	swait.ge [sflag:s14], $0x200  }
0x98: {  	[sflag:s14] =	ssyncset.done $0x0  }
0x99: {  	[sflag:s14] =	ssyncadd.s32 $0xFFFFFE00  }
0x9a: {  	_ =	swait.ge [sflag:s14], $0x200  }
0x9b: {  	[sflag:s14] =	ssyncset.done $0x0  }
0x9c: {  	[sflag:s14] =	ssyncadd.s32 $0xFFFFFE00  }
0x9d: {  	_ =	swait.ge [sflag:s14], $0x200  }
0x9e: {  	[sflag:s14] =	ssyncset.done $0x0  }
0x9f: {  	[sflag:s14] =	ssyncadd.s32 $0xFFFFFE00  }
0xa0: {  	_ =	swait.ge [sflag:s14], $0x200  }
0xa1: {  	[sflag:s14] =	ssyncset.done $0x0  }
0xa2: {  	[sflag:s14] =	ssyncadd.s32 $0xFFFFFE00  }
0xa3: {  	[bflag:$0x0] =	sbarrier.arrive $0xFFFF  }
0xa4: {  	_ =	swait.ge [sflag:s15], $0xC35  }
0xa5: {  	[sflag:s15] =	ssyncset.done $0x0  }
0xa6: {  	[sflag:s15] =	ssyncadd.s32 $0xFFFFF3CB  }
0xa7: {  	[bflag:$0x0] =	sbarrier.arrive $0xFFFF  }
0xa8: {  	s1 =	rddreg [dreg:$0xd]  }
0xa9: {  	[spmem:s20], [sflag:s29] =	dma.local [hbm:s1], $0xC35  }
0xaa: {  	s1 =	sld [smem:$0x7F8];
	_ =	sdelay $0x1  }
0xab: {  	s31 =	sld [smem:$0x7F9]  }
0xac: {  	[tilespmem:s1], [sflag:$0x1] =	stream.indirect.gather [spmem:s4], $0x1, s3, s8, $0xb8;
	[tilespmem:$0x14550] =	vst v63  }
0xad: {  	s1 =	sld [smem:$0x7FA]  }
0xae: {  	[tilespmem:s31], [sflag:$0x1] =	stream.indirect.gather [spmem:s11], $0x1, s3, s8, $0xb8;
	[tilespmem:$0x14550] =	vst v63  }
0xaf: {  	s31 =	sld [smem:$0x7FB]  }
0xb0: {  	[tilespmem:s1], [sflag:$0x1] =	stream.indirect.gather [spmem:s12], $0x1, s3, s8, $0xb8;
	[tilespmem:$0x14550] =	vst v63  }
0xb1: {  	_ = 	snop  }
0xb2: {  	[tilespmem:s31], [sflag:$0x1] =	stream.indirect.gather [spmem:s13], $0x1, s3, s8, $0xb8;
	[tilespmem:$0x14550] =	vst v63  }
0xb3: {  	_ =	swait.ge [sflag:s14], $0x200  }
0xb4: {  	[sflag:s14] =	ssyncset.done $0x0  }
0xb5: {  	[sflag:s14] =	ssyncadd.s32 $0xFFFFFE00  }
0xb6: {  	_ =	swait.ge [sflag:s14], $0x200  }
0xb7: {  	[sflag:s14] =	ssyncset.done $0x0  }
0xb8: {  	[sflag:s14] =	ssyncadd.s32 $0xFFFFFE00  }
0xb9: {  	_ =	swait.ge [sflag:s14], $0x200  }
0xba: {  	[sflag:s14] =	ssyncset.done $0x0  }
0xbb: {  	[sflag:s14] =	ssyncadd.s32 $0xFFFFFE00  }
0xbc: {  	_ =	swait.ge [sflag:s14], $0x200  }
0xbd: {  	[sflag:s14] =	ssyncset.done $0x0  }
0xbe: {  	[sflag:s14] =	ssyncadd.s32 $0xFFFFFE00  }
0xbf: {  	[bflag:$0x0] =	sbarrier.arrive $0xFFFF  }
0xc0: {  	_ =	swait.ge [sflag:s15], $0xC35  }
0xc1: {  	[sflag:s15] =	ssyncset.done $0x0  }
0xc2: {  	[sflag:s15] =	ssyncadd.s32 $0xFFFFF3CB  }
0xc3: {  	[bflag:$0x0] =	sbarrier.arrive $0xFFFF  }
0xc4: {  	s1 =	rddreg [dreg:$0xe]  }
0xc5: {  	[spmem:s25], [sflag:s29] =	dma.local [hbm:s1], $0xC35  }
0xc6: {  	s1 =	sld [smem:$0x7FC];
	_ =	sdelay $0x1  }
0xc7: {  	s31 =	sld [smem:$0x7FD]  }
0xc8: {  	[tilespmem:s1], [sflag:$0x1] =	stream.indirect.gather [spmem:s2], $0x1, s3, s8, $0xb8;
	[tilespmem:$0x14550] =	vst v63  }
0xc9: {  	_ = 	snop  }
0xca: {  	[tilespmem:s31], [sflag:$0x1] =	stream.indirect.gather [spmem:s7], $0x1, s3, s8, $0xb8;
	[tilespmem:$0x14550] =	vst v63  }
0xcb: {  	_ = 	snop  }
0xcc: {  	[tilespmem:s26], [sflag:$0x1] =	stream.indirect.gather [spmem:s9], $0x1, s3, s8, $0xb8;
	[tilespmem:$0x14550] =	vst v63  }
0xcd: {  	_ = 	snop  }
0xce: {  	[tilespmem:s28], [sflag:$0x1] =	stream.indirect.gather [spmem:s10], $0x1, s3, s8, $0xb8;
	[tilespmem:$0x14550] =	vst v63  }
0xcf: {  	_ =	swait.ge [sflag:s14], $0x200  }
0xd0: {  	[sflag:s14] =	ssyncset.done $0x0  }
0xd1: {  	[sflag:s14] =	ssyncadd.s32 $0xFFFFFE00  }
0xd2: {  	_ =	swait.ge [sflag:s14], $0x200  }
0xd3: {  	[sflag:s14] =	ssyncset.done $0x0  }
0xd4: {  	[sflag:s14] =	ssyncadd.s32 $0xFFFFFE00  }
0xd5: {  	_ =	swait.ge [sflag:s14], $0x200  }
0xd6: {  	[sflag:s14] =	ssyncset.done $0x0  }
0xd7: {  	[sflag:s14] =	ssyncadd.s32 $0xFFFFFE00  }
0xd8: {  	_ =	swait.ge [sflag:s14], $0x200  }
0xd9: {  	[sflag:s14] =	ssyncset.done $0x0  }
0xda: {  	[sflag:s14] =	ssyncadd.s32 $0xFFFFFE00  }
0xdb: {  	[bflag:$0x0] =	sbarrier.arrive $0xFFFF  }
0xdc: {  	_ =	swait.ge [sflag:s15], $0xC35  }
0xdd: {  	[sflag:s15] =	ssyncset.done $0x0  }
0xde: {  	[sflag:s15] =	ssyncadd.s32 $0xFFFFF3CB  }
0xdf: {  	[bflag:$0x0] =	sbarrier.arrive $0xFFFF  }
0xe0: {  	s1 =	rddreg [dreg:$0xf]  }
0xe1: {  	[spmem:s20], [sflag:s29] =	dma.local [hbm:s1], $0xC35  }
0xe2: {  	[tilespmem:s21], [sflag:$0x1] =	stream.indirect.gather [spmem:s4], $0x1, s3, s8, $0xb8;
	[tilespmem:$0x14550] =	vst v63  }
0xe3: {  	_ = 	snop  }
0xe4: {  	[tilespmem:s22], [sflag:$0x1] =	stream.indirect.gather [spmem:s11], $0x1, s3, s8, $0xb8;
	[tilespmem:$0x14550] =	vst v63  }
0xe5: {  	_ = 	snop  }
0xe6: {  	[tilespmem:s23], [sflag:$0x1] =	stream.indirect.gather [spmem:s12], $0x1, s3, s8, $0xb8;
	[tilespmem:$0x14550] =	vst v63  }
0xe7: {  	_ = 	snop  }
0xe8: {  	[tilespmem:s24], [sflag:$0x1] =	stream.indirect.gather [spmem:s13], $0x1, s3, s8, $0xb8;
	[tilespmem:$0x14550] =	vst v63  }
0xe9: {  	_ =	swait.ge [sflag:s14], $0x200  }
0xea: {  	[sflag:s14] =	ssyncset.done $0x0  }
0xeb: {  	[sflag:s14] =	ssyncadd.s32 $0xFFFFFE00  }
0xec: {  	_ =	swait.ge [sflag:s14], $0x200  }
0xed: {  	[sflag:s14] =	ssyncset.done $0x0  }
0xee: {  	[sflag:s14] =	ssyncadd.s32 $0xFFFFFE00  }
0xef: {  	_ =	swait.ge [sflag:s14], $0x200  }
0xf0: {  	[sflag:s14] =	ssyncset.done $0x0  }
0xf1: {  	[sflag:s14] =	ssyncadd.s32 $0xFFFFFE00  }
0xf2: {  	_ =	swait.ge [sflag:s14], $0x200  }
0xf3: {  	[sflag:s14] =	ssyncset.done $0x0  }
0xf4: {  	[sflag:s14] =	ssyncadd.s32 $0xFFFFFE00  }
0xf5: {  	[bflag:$0x0] =	sbarrier.arrive $0xFFFF  }
0xf6: {  	_ =	swait.ge [sflag:s15], $0xC35  }
0xf7: {  	[sflag:s15] =	ssyncset.done $0x0  }
0xf8: {  	[sflag:s15] =	ssyncadd.s32 $0xFFFFF3CB  }
0xf9: {  	[bflag:$0x0] =	sbarrier.arrive $0xFFFF  }
0xfa: {  	[tilespmem:s16], [sflag:$0x1] =	stream.indirect.gather [spmem:s2], $0x1, s3, s8, $0xb8;
	[tilespmem:$0x14550] =	vst v63  }
0xfb: {  	_ = 	snop  }
0xfc: {  	[tilespmem:s17], [sflag:$0x1] =	stream.indirect.gather [spmem:s7], $0x1, s3, s8, $0xb8;
	[tilespmem:$0x14550] =	vst v63  }
0xfd: {  	_ = 	snop  }
0xfe: {  	[tilespmem:s18], [sflag:$0x1] =	stream.indirect.gather [spmem:s9], $0x1, s3, s8, $0xb8;
	[tilespmem:$0x14550] =	vst v63  }
0xff: {  	_ = 	snop  }
0x100: {  	[tilespmem:s19], [sflag:$0x1] =	stream.indirect.gather [spmem:s10], $0x1, s3, s8, $0xb8;
	[tilespmem:$0x14550] =	vst v63  }
0x101: {  	_ =	swait.ge [sflag:s14], $0x200  }
0x102: {  	[sflag:s14] =	ssyncset.done $0x0  }
0x103: {  	[sflag:s14] =	ssyncadd.s32 $0xFFFFFE00  }
0x104: {  	_ =	swait.ge [sflag:s14], $0x200  }
0x105: {  	[sflag:s14] =	ssyncset.done $0x0  }
0x106: {  	[sflag:s14] =	ssyncadd.s32 $0xFFFFFE00  }
0x107: {  	_ =	swait.ge [sflag:s14], $0x200  }
0x108: {  	[sflag:s14] =	ssyncset.done $0x0  }
0x109: {  	[sflag:s14] =	ssyncadd.s32 $0xFFFFFE00  }
0x10a: {  	_ =	swait.ge [sflag:s14], $0x200  }
0x10b: {  	[sflag:s14] =	ssyncset.done $0x0  }
0x10c: {  	p1 =	sne.s32 s30, $0x1;
	[sflag:s14] =	ssyncadd.s32 $0xFFFFFE00  }
.Ltmp1:
0x10d: {  	[bflag:$0x0] =	sbarrier.arrive $0xFFFF;
	(pc) =	sbr.rel @!p1 .LBB2_3-.Ltmp1, $4  }
0x10e: {  	s1 =	rddreg [dreg:$0x10]  }
0x10f: {  	[hbm4b:s1+s8] =	stream.strided.scatter [tilespmem:s8], [sflag:$0x3], $0x8000, s6, s8, $0x38;
	[tilespmem:$0x14550] =	vst v63  }
0x110: {  	s30 =	sadd.s32 $0xFFFFFFFF, s30;
	_ =	swait.ge [sflag:s5], $0x8000  }
0x111: {  	p0 =	por $0x1, $0x1;
	s31 =	rddreg [dreg:$0x6];
	[sflag:s5] =	ssyncset.done $0x0  }
.LBB2_2:
0x112: {  	[sflag:s5] =	ssyncadd.s32 $0xFFFF8000  }
0x113: {  	[tilespmem:s3], [sflag:$0x3] =	stream.linear.gather [hbm4b:s31+s3], $0x200, $0x38;
	[tilespmem:$0x14550] =	vst v63  }
0x114: {  	_ =	swait.ge [sflag:s5], $0x200  }
0x115: {  	[sflag:s5] =	ssyncset.done $0x0  }
0x116: {  	s1 =	rddreg [dreg:$0x7];
	[sflag:s5] =	ssyncadd.s32 $0xFFFFFE00  }
0x117: {  	[tilespmem:s8], [sflag:$0x3] =	stream.strided.gather [hbm4b:s1+s8], $0x4000, s6, s8, $0x38;
	[tilespmem:$0x14550] =	vst v63  }
0x118: {  	_ =	swait.ge [sflag:s5], $0x4000  }
0x119: {  	[sflag:s5] =	ssyncset.done $0x0  }
0x11a: {  	s1 =	rddreg [dreg:$0x8];
	[sflag:s5] =	ssyncadd.s32 $0xFFFFC000  }
0x11b: {  	[spmem:s25], [sflag:s29] =	dma.local [hbm:s1], $0xC35  }
0x11c: {  	_ =	swait.ge [sflag:s15], $0xC35  }
0x11d: {  	[sflag:s15] =	ssyncset.done $0x0  }
0x11e: {  	[sflag:s15] =	ssyncadd.s32 $0xFFFFF3CB  }
0x11f: {  	[bflag:$0x0] =	sbarrier.arrive $0xFFFF  }
0x120: {  	s1 =	rddreg [dreg:$0x9]  }
0x121: {  	[spmem:s20], [sflag:s29] =	dma.local [hbm:s1], $0xC35  }
0x122: {  	s1 =	rddreg [dreg:$0x11]  }
0x123: {  	[tilespmem:s1], [sflag:$0x1] =	stream.indirect.gather [spmem:s4], $0x1, s3, s8, $0xb8;
	[tilespmem:$0x14550] =	vst v63  }
0x124: {  	s31 =	rddreg [dreg:$0x12]  }
0x125: {  	[tilespmem:s31], [sflag:$0x1] =	stream.indirect.gather [spmem:s11], $0x1, s3, s8, $0xb8;
	[tilespmem:$0x14550] =	vst v63  }
0x126: {  	s1 =	rddreg [dreg:$0x13]  }
0x127: {  	[tilespmem:s1], [sflag:$0x1] =	stream.indirect.gather [spmem:s12], $0x1, s3, s8, $0xb8;
	[tilespmem:$0x14550] =	vst v63  }
0x128: {  	s31 =	rddreg [dreg:$0x14]  }
0x129: {  	[tilespmem:s31], [sflag:$0x1] =	stream.indirect.gather [spmem:s13], $0x1, s3, s8, $0xb8;
	[tilespmem:$0x14550] =	vst v63  }
0x12a: {  	_ =	swait.ge [sflag:s14], $0x200  }
0x12b: {  	[sflag:s14] =	ssyncset.done $0x0  }
0x12c: {  	[sflag:s14] =	ssyncadd.s32 $0xFFFFFE00  }
0x12d: {  	_ =	swait.ge [sflag:s14], $0x200  }
0x12e: {  	[sflag:s14] =	ssyncset.done $0x0  }
0x12f: {  	[sflag:s14] =	ssyncadd.s32 $0xFFFFFE00  }
0x130: {  	_ =	swait.ge [sflag:s14], $0x200  }
0x131: {  	[sflag:s14] =	ssyncset.done $0x0  }
0x132: {  	[sflag:s14] =	ssyncadd.s32 $0xFFFFFE00  }
0x133: {  	_ =	swait.ge [sflag:s14], $0x200  }
0x134: {  	[sflag:s14] =	ssyncset.done $0x0  }
0x135: {  	[sflag:s14] =	ssyncadd.s32 $0xFFFFFE00  }
0x136: {  	[bflag:$0x0] =	sbarrier.arrive $0xFFFF  }
0x137: {  	_ =	swait.ge [sflag:s15], $0xC35  }
0x138: {  	[sflag:s15] =	ssyncset.done $0x0  }
0x139: {  	[sflag:s15] =	ssyncadd.s32 $0xFFFFF3CB  }
0x13a: {  	[bflag:$0x0] =	sbarrier.arrive $0xFFFF  }
0x13b: {  	s1 =	rddreg [dreg:$0xa]  }
0x13c: {  	[spmem:s25], [sflag:s29] =	dma.local [hbm:s1], $0xC35  }
0x13d: {  	s1 =	rddreg [dreg:$0x15]  }
0x13e: {  	[tilespmem:s1], [sflag:$0x1] =	stream.indirect.gather [spmem:s2], $0x1, s3, s8, $0xb8;
	[tilespmem:$0x14550] =	vst v63  }
0x13f: {  	s31 =	rddreg [dreg:$0x16]  }
0x140: {  	[tilespmem:s31], [sflag:$0x1] =	stream.indirect.gather [spmem:s7], $0x1, s3, s8, $0xb8;
	[tilespmem:$0x14550] =	vst v63  }
0x141: {  	s1 =	rddreg [dreg:$0x17]  }
0x142: {  	[tilespmem:s1], [sflag:$0x1] =	stream.indirect.gather [spmem:s9], $0x1, s3, s8, $0xb8;
	[tilespmem:$0x14550] =	vst v63  }
0x143: {  	s31 =	rddreg [dreg:$0x18]  }
0x144: {  	[tilespmem:s31], [sflag:$0x1] =	stream.indirect.gather [spmem:s10], $0x1, s3, s8, $0xb8;
	[tilespmem:$0x14550] =	vst v63  }
0x145: {  	_ =	swait.ge [sflag:s14], $0x200  }
0x146: {  	[sflag:s14] =	ssyncset.done $0x0  }
0x147: {  	[sflag:s14] =	ssyncadd.s32 $0xFFFFFE00  }
0x148: {  	_ =	swait.ge [sflag:s14], $0x200  }
0x149: {  	[sflag:s14] =	ssyncset.done $0x0  }
0x14a: {  	[sflag:s14] =	ssyncadd.s32 $0xFFFFFE00  }
0x14b: {  	_ =	swait.ge [sflag:s14], $0x200  }
0x14c: {  	[sflag:s14] =	ssyncset.done $0x0  }
0x14d: {  	[sflag:s14] =	ssyncadd.s32 $0xFFFFFE00  }
0x14e: {  	_ =	swait.ge [sflag:s14], $0x200  }
0x14f: {  	[sflag:s14] =	ssyncset.done $0x0  }
0x150: {  	[sflag:s14] =	ssyncadd.s32 $0xFFFFFE00  }
0x151: {  	[bflag:$0x0] =	sbarrier.arrive $0xFFFF  }
0x152: {  	_ =	swait.ge [sflag:s15], $0xC35  }
0x153: {  	[sflag:s15] =	ssyncset.done $0x0  }
0x154: {  	[sflag:s15] =	ssyncadd.s32 $0xFFFFF3CB  }
0x155: {  	[bflag:$0x0] =	sbarrier.arrive $0xFFFF  }
0x156: {  	s1 =	rddreg [dreg:$0xb]  }
0x157: {  	[spmem:s20], [sflag:s29] =	dma.local [hbm:s1], $0xC35  }
0x158: {  	s1 =	rddreg [dreg:$0x19]  }
0x159: {  	[tilespmem:s1], [sflag:$0x1] =	stream.indirect.gather [spmem:s4], $0x1, s3, s8, $0xb8;
	[tilespmem:$0x14550] =	vst v63  }
0x15a: {  	s31 =	rddreg [dreg:$0x1a]  }
0x15b: {  	[tilespmem:s31], [sflag:$0x1] =	stream.indirect.gather [spmem:s11], $0x1, s3, s8, $0xb8;
	[tilespmem:$0x14550] =	vst v63  }
0x15c: {  	s1 =	rddreg [dreg:$0x1b]  }
0x15d: {  	[tilespmem:s1], [sflag:$0x1] =	stream.indirect.gather [spmem:s12], $0x1, s3, s8, $0xb8;
	[tilespmem:$0x14550] =	vst v63  }
0x15e: {  	s31 =	rddreg [dreg:$0x1c]  }
0x15f: {  	[tilespmem:s31], [sflag:$0x1] =	stream.indirect.gather [spmem:s13], $0x1, s3, s8, $0xb8;
	[tilespmem:$0x14550] =	vst v63  }
0x160: {  	_ =	swait.ge [sflag:s14], $0x200  }
0x161: {  	[sflag:s14] =	ssyncset.done $0x0  }
0x162: {  	[sflag:s14] =	ssyncadd.s32 $0xFFFFFE00  }
0x163: {  	_ =	swait.ge [sflag:s14], $0x200  }
0x164: {  	[sflag:s14] =	ssyncset.done $0x0  }
0x165: {  	[sflag:s14] =	ssyncadd.s32 $0xFFFFFE00  }
0x166: {  	_ =	swait.ge [sflag:s14], $0x200  }
0x167: {  	[sflag:s14] =	ssyncset.done $0x0  }
0x168: {  	[sflag:s14] =	ssyncadd.s32 $0xFFFFFE00  }
0x169: {  	_ =	swait.ge [sflag:s14], $0x200  }
0x16a: {  	[sflag:s14] =	ssyncset.done $0x0  }
0x16b: {  	[sflag:s14] =	ssyncadd.s32 $0xFFFFFE00  }
0x16c: {  	[bflag:$0x0] =	sbarrier.arrive $0xFFFF  }
0x16d: {  	_ =	swait.ge [sflag:s15], $0xC35  }
0x16e: {  	[sflag:s15] =	ssyncset.done $0x0  }
0x16f: {  	[sflag:s15] =	ssyncadd.s32 $0xFFFFF3CB  }
0x170: {  	[bflag:$0x0] =	sbarrier.arrive $0xFFFF  }
0x171: {  	s1 =	rddreg [dreg:$0xc]  }
0x172: {  	[spmem:s25], [sflag:s29] =	dma.local [hbm:s1], $0xC35  }
0x173: {  	s1 =	rddreg [dreg:$0x1d]  }
0x174: {  	s31 =	rddreg [dreg:$0x1e]  }
0x175: {  	[tilespmem:s1], [sflag:$0x1] =	stream.indirect.gather [spmem:s2], $0x1, s3, s8, $0xb8;
	[tilespmem:$0x14550] =	vst v63  }
0x176: {  	s1 =	rddreg [dreg:$0x1f]  }
0x177: {  	[tilespmem:s31], [sflag:$0x1] =	stream.indirect.gather [spmem:s7], $0x1, s3, s8, $0xb8;
	[tilespmem:$0x14550] =	vst v63  }
0x178: {  	s31 =	sld [smem:$0x7F7]  }
0x179: {  	[tilespmem:s1], [sflag:$0x1] =	stream.indirect.gather [spmem:s9], $0x1, s3, s8, $0xb8;
	[tilespmem:$0x14550] =	vst v63  }
0x17a: {  	_ = 	snop  }
0x17b: {  	[tilespmem:s31], [sflag:$0x1] =	stream.indirect.gather [spmem:s10], $0x1, s3, s8, $0xb8;
	[tilespmem:$0x14550] =	vst v63  }
0x17c: {  	_ =	swait.ge [sflag:s14], $0x200  }
0x17d: {  	[sflag:s14] =	ssyncset.done $0x0  }
0x17e: {  	[sflag:s14] =	ssyncadd.s32 $0xFFFFFE00  }
0x17f: {  	_ =	swait.ge [sflag:s14], $0x200  }
0x180: {  	[sflag:s14] =	ssyncset.done $0x0  }
0x181: {  	[sflag:s14] =	ssyncadd.s32 $0xFFFFFE00  }
0x182: {  	_ =	swait.ge [sflag:s14], $0x200  }
0x183: {  	[sflag:s14] =	ssyncset.done $0x0  }
0x184: {  	[sflag:s14] =	ssyncadd.s32 $0xFFFFFE00  }
0x185: {  	_ =	swait.ge [sflag:s14], $0x200  }
0x186: {  	[sflag:s14] =	ssyncset.done $0x0  }
0x187: {  	[sflag:s14] =	ssyncadd.s32 $0xFFFFFE00  }
0x188: {  	[bflag:$0x0] =	sbarrier.arrive $0xFFFF  }
0x189: {  	_ =	swait.ge [sflag:s15], $0xC35  }
0x18a: {  	[sflag:s15] =	ssyncset.done $0x0  }
0x18b: {  	[sflag:s15] =	ssyncadd.s32 $0xFFFFF3CB  }
0x18c: {  	[bflag:$0x0] =	sbarrier.arrive $0xFFFF  }
0x18d: {  	s1 =	rddreg [dreg:$0xd]  }
0x18e: {  	[spmem:s20], [sflag:s29] =	dma.local [hbm:s1], $0xC35  }
0x18f: {  	s1 =	sld [smem:$0x7F8];
	_ =	sdelay $0x1  }
0x190: {  	s31 =	sld [smem:$0x7F9]  }
0x191: {  	[tilespmem:s1], [sflag:$0x1] =	stream.indirect.gather [spmem:s4], $0x1, s3, s8, $0xb8;
	[tilespmem:$0x14550] =	vst v63  }
0x192: {  	s1 =	sld [smem:$0x7FA]  }
0x193: {  	[tilespmem:s31], [sflag:$0x1] =	stream.indirect.gather [spmem:s11], $0x1, s3, s8, $0xb8;
	[tilespmem:$0x14550] =	vst v63  }
0x194: {  	s31 =	sld [smem:$0x7FB]  }
0x195: {  	[tilespmem:s1], [sflag:$0x1] =	stream.indirect.gather [spmem:s12], $0x1, s3, s8, $0xb8;
	[tilespmem:$0x14550] =	vst v63  }
0x196: {  	_ = 	snop  }
0x197: {  	[tilespmem:s31], [sflag:$0x1] =	stream.indirect.gather [spmem:s13], $0x1, s3, s8, $0xb8;
	[tilespmem:$0x14550] =	vst v63  }
0x198: {  	_ =	swait.ge [sflag:s14], $0x200  }
0x199: {  	[sflag:s14] =	ssyncset.done $0x0  }
0x19a: {  	[sflag:s14] =	ssyncadd.s32 $0xFFFFFE00  }
0x19b: {  	_ =	swait.ge [sflag:s14], $0x200  }
0x19c: {  	[sflag:s14] =	ssyncset.done $0x0  }
0x19d: {  	[sflag:s14] =	ssyncadd.s32 $0xFFFFFE00  }
0x19e: {  	_ =	swait.ge [sflag:s14], $0x200  }
0x19f: {  	[sflag:s14] =	ssyncset.done $0x0  }
0x1a0: {  	[sflag:s14] =	ssyncadd.s32 $0xFFFFFE00  }
0x1a1: {  	_ =	swait.ge [sflag:s14], $0x200  }
0x1a2: {  	[sflag:s14] =	ssyncset.done $0x0  }
0x1a3: {  	[sflag:s14] =	ssyncadd.s32 $0xFFFFFE00  }
0x1a4: {  	[bflag:$0x0] =	sbarrier.arrive $0xFFFF  }
0x1a5: {  	_ =	swait.ge [sflag:s15], $0xC35  }
0x1a6: {  	[sflag:s15] =	ssyncset.done $0x0  }
0x1a7: {  	[sflag:s15] =	ssyncadd.s32 $0xFFFFF3CB  }
0x1a8: {  	[bflag:$0x0] =	sbarrier.arrive $0xFFFF  }
0x1a9: {  	s1 =	rddreg [dreg:$0xe]  }
0x1aa: {  	[spmem:s25], [sflag:s29] =	dma.local [hbm:s1], $0xC35  }
0x1ab: {  	s1 =	sld [smem:$0x7FC];
	_ =	sdelay $0x1  }
0x1ac: {  	s31 =	sld [smem:$0x7FD]  }
0x1ad: {  	[tilespmem:s1], [sflag:$0x1] =	stream.indirect.gather [spmem:s2], $0x1, s3, s8, $0xb8;
	[tilespmem:$0x14550] =	vst v63  }
0x1ae: {  	_ = 	snop  }
0x1af: {  	[tilespmem:s31], [sflag:$0x1] =	stream.indirect.gather [spmem:s7], $0x1, s3, s8, $0xb8;
	[tilespmem:$0x14550] =	vst v63  }
0x1b0: {  	_ = 	snop  }
0x1b1: {  	[tilespmem:s26], [sflag:$0x1] =	stream.indirect.gather [spmem:s9], $0x1, s3, s8, $0xb8;
	[tilespmem:$0x14550] =	vst v63  }
0x1b2: {  	_ = 	snop  }
0x1b3: {  	[tilespmem:s28], [sflag:$0x1] =	stream.indirect.gather [spmem:s10], $0x1, s3, s8, $0xb8;
	[tilespmem:$0x14550] =	vst v63  }
0x1b4: {  	_ =	swait.ge [sflag:s14], $0x200  }
0x1b5: {  	[sflag:s14] =	ssyncset.done $0x0  }
0x1b6: {  	[sflag:s14] =	ssyncadd.s32 $0xFFFFFE00  }
0x1b7: {  	_ =	swait.ge [sflag:s14], $0x200  }
0x1b8: {  	[sflag:s14] =	ssyncset.done $0x0  }
0x1b9: {  	[sflag:s14] =	ssyncadd.s32 $0xFFFFFE00  }
0x1ba: {  	_ =	swait.ge [sflag:s14], $0x200  }
0x1bb: {  	[sflag:s14] =	ssyncset.done $0x0  }
0x1bc: {  	[sflag:s14] =	ssyncadd.s32 $0xFFFFFE00  }
0x1bd: {  	_ =	swait.ge [sflag:s14], $0x200  }
0x1be: {  	[sflag:s14] =	ssyncset.done $0x0  }
0x1bf: {  	[sflag:s14] =	ssyncadd.s32 $0xFFFFFE00  }
0x1c0: {  	[bflag:$0x0] =	sbarrier.arrive $0xFFFF  }
0x1c1: {  	_ =	swait.ge [sflag:s15], $0xC35  }
0x1c2: {  	[sflag:s15] =	ssyncset.done $0x0  }
0x1c3: {  	[sflag:s15] =	ssyncadd.s32 $0xFFFFF3CB  }
0x1c4: {  	[bflag:$0x0] =	sbarrier.arrive $0xFFFF  }
0x1c5: {  	s1 =	rddreg [dreg:$0xf]  }
0x1c6: {  	[spmem:s20], [sflag:s29] =	dma.local [hbm:s1], $0xC35  }
0x1c7: {  	[tilespmem:s21], [sflag:$0x1] =	stream.indirect.gather [spmem:s4], $0x1, s3, s8, $0xb8;
	[tilespmem:$0x14550] =	vst v63  }
0x1c8: {  	_ = 	snop  }
0x1c9: {  	[tilespmem:s22], [sflag:$0x1] =	stream.indirect.gather [spmem:s11], $0x1, s3, s8, $0xb8;
	[tilespmem:$0x14550] =	vst v63  }
0x1ca: {  	_ = 	snop  }
0x1cb: {  	[tilespmem:s23], [sflag:$0x1] =	stream.indirect.gather [spmem:s12], $0x1, s3, s8, $0xb8;
	[tilespmem:$0x14550] =	vst v63  }
0x1cc: {  	_ = 	snop  }
0x1cd: {  	[tilespmem:s24], [sflag:$0x1] =	stream.indirect.gather [spmem:s13], $0x1, s3, s8, $0xb8;
	[tilespmem:$0x14550] =	vst v63  }
0x1ce: {  	_ =	swait.ge [sflag:s14], $0x200  }
0x1cf: {  	[sflag:s14] =	ssyncset.done $0x0  }
0x1d0: {  	[sflag:s14] =	ssyncadd.s32 $0xFFFFFE00  }
0x1d1: {  	_ =	swait.ge [sflag:s14], $0x200  }
0x1d2: {  	[sflag:s14] =	ssyncset.done $0x0  }
0x1d3: {  	[sflag:s14] =	ssyncadd.s32 $0xFFFFFE00  }
0x1d4: {  	_ =	swait.ge [sflag:s14], $0x200  }
0x1d5: {  	[sflag:s14] =	ssyncset.done $0x0  }
0x1d6: {  	[sflag:s14] =	ssyncadd.s32 $0xFFFFFE00  }
0x1d7: {  	_ =	swait.ge [sflag:s14], $0x200  }
0x1d8: {  	[sflag:s14] =	ssyncset.done $0x0  }
0x1d9: {  	[sflag:s14] =	ssyncadd.s32 $0xFFFFFE00  }
0x1da: {  	[bflag:$0x0] =	sbarrier.arrive $0xFFFF  }
0x1db: {  	_ =	swait.ge [sflag:s15], $0xC35  }
0x1dc: {  	[sflag:s15] =	ssyncset.done $0x0  }
0x1dd: {  	[sflag:s15] =	ssyncadd.s32 $0xFFFFF3CB  }
0x1de: {  	[bflag:$0x0] =	sbarrier.arrive $0xFFFF  }
0x1df: {  	[tilespmem:s16], [sflag:$0x1] =	stream.indirect.gather [spmem:s2], $0x1, s3, s8, $0xb8;
	[tilespmem:$0x14550] =	vst v63  }
0x1e0: {  	_ = 	snop  }
0x1e1: {  	[tilespmem:s17], [sflag:$0x1] =	stream.indirect.gather [spmem:s7], $0x1, s3, s8, $0xb8;
	[tilespmem:$0x14550] =	vst v63  }
0x1e2: {  	_ = 	snop  }
0x1e3: {  	[tilespmem:s18], [sflag:$0x1] =	stream.indirect.gather [spmem:s9], $0x1, s3, s8, $0xb8;
	[tilespmem:$0x14550] =	vst v63  }
0x1e4: {  	_ = 	snop  }
0x1e5: {  	[tilespmem:s19], [sflag:$0x1] =	stream.indirect.gather [spmem:s10], $0x1, s3, s8, $0xb8;
	[tilespmem:$0x14550] =	vst v63  }
0x1e6: {  	_ =	swait.ge [sflag:s14], $0x200  }
0x1e7: {  	[sflag:s14] =	ssyncset.done $0x0  }
0x1e8: {  	[sflag:s14] =	ssyncadd.s32 $0xFFFFFE00  }
0x1e9: {  	_ =	swait.ge [sflag:s14], $0x200  }
0x1ea: {  	[sflag:s14] =	ssyncset.done $0x0  }
0x1eb: {  	[sflag:s14] =	ssyncadd.s32 $0xFFFFFE00  }
0x1ec: {  	_ =	swait.ge [sflag:s14], $0x200  }
0x1ed: {  	[sflag:s14] =	ssyncset.done $0x0  }
0x1ee: {  	[sflag:s14] =	ssyncadd.s32 $0xFFFFFE00  }
0x1ef: {  	_ =	swait.ge [sflag:s14], $0x200  }
0x1f0: {  	[sflag:s14] =	ssyncset.done $0x0  }
0x1f1: {  	p1 =	sne.s32 s30, $0x1;
	[sflag:s14] =	ssyncadd.s32 $0xFFFFFE00  }
.Ltmp2:
0x1f2: {  	[bflag:$0x0] =	sbarrier.arrive $0xFFFF;
	(pc) =	sbr.rel @p1 .LBB2_2-.Ltmp2, $4  }
0x1f3: {  	s1 =	rddreg [dreg:$0x10]  }
0x1f4: {  	[hbm4b:s1+s8] =	stream.strided.scatter [tilespmem:s8], [sflag:$0x3], $0x8000, s6, s8, $0x38;
	[tilespmem:$0x14550] =	vst v63  }
0x1f5: {  	_ =	swait.ge [sflag:s5], $0x8000  }
0x1f6: {  	s30 =	sadd.s32 $0xFFFFFFFF, s30;
	s31 =	rddreg [dreg:$0x6];
	[sflag:s5] =	ssyncset.done $0x0  }
.LBB2_3:
0x1f7: {  	[sflag:s5] =	ssyncadd.s32 @p0 $0xFFFF8000  }
0x1f8: {  	[tilespmem:s3], [sflag:$0x3] =	stream.linear.gather [hbm4b:s31+s3], $0x200, $0x38;
	[tilespmem:$0x14550] =	vst v63  }
0x1f9: {  	_ =	swait.ge [sflag:s5], $0x200  }
0x1fa: {  	[sflag:s5] =	ssyncset.done $0x0  }
0x1fb: {  	s1 =	rddreg [dreg:$0x7];
	[sflag:s5] =	ssyncadd.s32 $0xFFFFFE00  }
0x1fc: {  	[tilespmem:s8], [sflag:$0x3] =	stream.strided.gather [hbm4b:s1+s8], $0x4000, s6, s8, $0x38;
	[tilespmem:$0x14550] =	vst v63  }
0x1fd: {  	_ =	swait.ge [sflag:s5], $0x4000  }
0x1fe: {  	s29 =	sshll.u32 s0, $0x6;
	[sflag:s5] =	ssyncset.done $0x0  }
0x1ff: {  	s29 =	sor.u32 $0x1C02, s29;
	s31 =	rddreg [dreg:$0x8];
	[sflag:s5] =	ssyncadd.s32 $0xFFFFC000  }
0x200: {  	[spmem:s25], [sflag:s29] =	dma.local [hbm:s31], $0xC35  }
0x201: {  	_ =	swait.ge [sflag:s15], $0xC35  }
0x202: {  	[sflag:s15] =	ssyncset.done $0x0  }
0x203: {  	[sflag:s15] =	ssyncadd.s32 $0xFFFFF3CB  }
0x204: {  	[bflag:$0x0] =	sbarrier.arrive $0xFFFF  }
0x205: {  	s30 =	rddreg [dreg:$0x9]  }
0x206: {  	[spmem:s20], [sflag:s29] =	dma.local [hbm:s30], $0xC35  }
0x207: {  	s1 =	rddreg [dreg:$0x11]  }
0x208: {  	[tilespmem:s1], [sflag:$0x1] =	stream.indirect.gather [spmem:s4], $0x1, s3, s8, $0xb8;
	[tilespmem:$0x14550] =	vst v63  }
0x209: {  	s30 =	rddreg [dreg:$0x12]  }
0x20a: {  	[tilespmem:s30], [sflag:$0x1] =	stream.indirect.gather [spmem:s11], $0x1, s3, s8, $0xb8;
	[tilespmem:$0x14550] =	vst v63  }
0x20b: {  	s1 =	rddreg [dreg:$0x13]  }
0x20c: {  	[tilespmem:s1], [sflag:$0x1] =	stream.indirect.gather [spmem:s12], $0x1, s3, s8, $0xb8;
	[tilespmem:$0x14550] =	vst v63  }
0x20d: {  	s31 =	rddreg [dreg:$0x14]  }
0x20e: {  	[tilespmem:s31], [sflag:$0x1] =	stream.indirect.gather [spmem:s13], $0x1, s3, s8, $0xb8;
	[tilespmem:$0x14550] =	vst v63  }
0x20f: {  	_ =	swait.ge [sflag:s14], $0x200  }
0x210: {  	[sflag:s14] =	ssyncset.done $0x0  }
0x211: {  	[sflag:s14] =	ssyncadd.s32 $0xFFFFFE00  }
0x212: {  	_ =	swait.ge [sflag:s14], $0x200  }
0x213: {  	[sflag:s14] =	ssyncset.done $0x0  }
0x214: {  	[sflag:s14] =	ssyncadd.s32 $0xFFFFFE00  }
0x215: {  	_ =	swait.ge [sflag:s14], $0x200  }
0x216: {  	[sflag:s14] =	ssyncset.done $0x0  }
0x217: {  	[sflag:s14] =	ssyncadd.s32 $0xFFFFFE00  }
0x218: {  	_ =	swait.ge [sflag:s14], $0x200  }
0x219: {  	[sflag:s14] =	ssyncset.done $0x0  }
0x21a: {  	[sflag:s14] =	ssyncadd.s32 $0xFFFFFE00  }
0x21b: {  	[bflag:$0x0] =	sbarrier.arrive $0xFFFF  }
0x21c: {  	_ =	swait.ge [sflag:s15], $0xC35  }
0x21d: {  	[sflag:s15] =	ssyncset.done $0x0  }
0x21e: {  	[sflag:s15] =	ssyncadd.s32 $0xFFFFF3CB  }
0x21f: {  	[bflag:$0x0] =	sbarrier.arrive $0xFFFF  }
0x220: {  	s30 =	rddreg [dreg:$0xa]  }
0x221: {  	[spmem:s25], [sflag:s29] =	dma.local [hbm:s30], $0xC35  }
0x222: {  	s1 =	rddreg [dreg:$0x15]  }
0x223: {  	[tilespmem:s1], [sflag:$0x1] =	stream.indirect.gather [spmem:s2], $0x1, s3, s8, $0xb8;
	[tilespmem:$0x14550] =	vst v63  }
0x224: {  	s31 =	rddreg [dreg:$0x16]  }
0x225: {  	[tilespmem:s31], [sflag:$0x1] =	stream.indirect.gather [spmem:s7], $0x1, s3, s8, $0xb8;
	[tilespmem:$0x14550] =	vst v63  }
0x226: {  	s1 =	rddreg [dreg:$0x17]  }
0x227: {  	[tilespmem:s1], [sflag:$0x1] =	stream.indirect.gather [spmem:s9], $0x1, s3, s8, $0xb8;
	[tilespmem:$0x14550] =	vst v63  }
0x228: {  	s31 =	rddreg [dreg:$0x18]  }
0x229: {  	[tilespmem:s31], [sflag:$0x1] =	stream.indirect.gather [spmem:s10], $0x1, s3, s8, $0xb8;
	[tilespmem:$0x14550] =	vst v63  }
0x22a: {  	_ =	swait.ge [sflag:s14], $0x200  }
0x22b: {  	[sflag:s14] =	ssyncset.done $0x0  }
0x22c: {  	[sflag:s14] =	ssyncadd.s32 $0xFFFFFE00  }
0x22d: {  	_ =	swait.ge [sflag:s14], $0x200  }
0x22e: {  	[sflag:s14] =	ssyncset.done $0x0  }
0x22f: {  	[sflag:s14] =	ssyncadd.s32 $0xFFFFFE00  }
0x230: {  	_ =	swait.ge [sflag:s14], $0x200  }
0x231: {  	[sflag:s14] =	ssyncset.done $0x0  }
0x232: {  	[sflag:s14] =	ssyncadd.s32 $0xFFFFFE00  }
0x233: {  	_ =	swait.ge [sflag:s14], $0x200  }
0x234: {  	[sflag:s14] =	ssyncset.done $0x0  }
0x235: {  	[sflag:s14] =	ssyncadd.s32 $0xFFFFFE00  }
0x236: {  	[bflag:$0x0] =	sbarrier.arrive $0xFFFF  }
0x237: {  	_ =	swait.ge [sflag:s15], $0xC35  }
0x238: {  	[sflag:s15] =	ssyncset.done $0x0  }
0x239: {  	[sflag:s15] =	ssyncadd.s32 $0xFFFFF3CB  }
0x23a: {  	[bflag:$0x0] =	sbarrier.arrive $0xFFFF  }
0x23b: {  	s30 =	rddreg [dreg:$0xb]  }
0x23c: {  	[spmem:s20], [sflag:s29] =	dma.local [hbm:s30], $0xC35  }
0x23d: {  	s1 =	rddreg [dreg:$0x19]  }
0x23e: {  	[tilespmem:s1], [sflag:$0x1] =	stream.indirect.gather [spmem:s4], $0x1, s3, s8, $0xb8;
	[tilespmem:$0x14550] =	vst v63  }
0x23f: {  	s31 =	rddreg [dreg:$0x1a]  }
0x240: {  	[tilespmem:s31], [sflag:$0x1] =	stream.indirect.gather [spmem:s11], $0x1, s3, s8, $0xb8;
	[tilespmem:$0x14550] =	vst v63  }
0x241: {  	s1 =	rddreg [dreg:$0x1b]  }
0x242: {  	[tilespmem:s1], [sflag:$0x1] =	stream.indirect.gather [spmem:s12], $0x1, s3, s8, $0xb8;
	[tilespmem:$0x14550] =	vst v63  }
0x243: {  	s31 =	rddreg [dreg:$0x1c]  }
0x244: {  	[tilespmem:s31], [sflag:$0x1] =	stream.indirect.gather [spmem:s13], $0x1, s3, s8, $0xb8;
	[tilespmem:$0x14550] =	vst v63  }
0x245: {  	_ =	swait.ge [sflag:s14], $0x200  }
0x246: {  	[sflag:s14] =	ssyncset.done $0x0  }
0x247: {  	[sflag:s14] =	ssyncadd.s32 $0xFFFFFE00  }
0x248: {  	_ =	swait.ge [sflag:s14], $0x200  }
0x249: {  	[sflag:s14] =	ssyncset.done $0x0  }
0x24a: {  	[sflag:s14] =	ssyncadd.s32 $0xFFFFFE00  }
0x24b: {  	_ =	swait.ge [sflag:s14], $0x200  }
0x24c: {  	[sflag:s14] =	ssyncset.done $0x0  }
0x24d: {  	[sflag:s14] =	ssyncadd.s32 $0xFFFFFE00  }
0x24e: {  	_ =	swait.ge [sflag:s14], $0x200  }
0x24f: {  	[sflag:s14] =	ssyncset.done $0x0  }
0x250: {  	[sflag:s14] =	ssyncadd.s32 $0xFFFFFE00  }
0x251: {  	[bflag:$0x0] =	sbarrier.arrive $0xFFFF  }
0x252: {  	_ =	swait.ge [sflag:s15], $0xC35  }
0x253: {  	[sflag:s15] =	ssyncset.done $0x0  }
0x254: {  	[sflag:s15] =	ssyncadd.s32 $0xFFFFF3CB  }
0x255: {  	[bflag:$0x0] =	sbarrier.arrive $0xFFFF  }
0x256: {  	s30 =	rddreg [dreg:$0xc]  }
0x257: {  	[spmem:s25], [sflag:s29] =	dma.local [hbm:s30], $0xC35  }
0x258: {  	s1 =	rddreg [dreg:$0x1d]  }
0x259: {  	s31 =	rddreg [dreg:$0x1e]  }
0x25a: {  	[tilespmem:s1], [sflag:$0x1] =	stream.indirect.gather [spmem:s2], $0x1, s3, s8, $0xb8;
	[tilespmem:$0x14550] =	vst v63  }
0x25b: {  	s1 =	rddreg [dreg:$0x1f]  }
0x25c: {  	[tilespmem:s31], [sflag:$0x1] =	stream.indirect.gather [spmem:s7], $0x1, s3, s8, $0xb8;
	[tilespmem:$0x14550] =	vst v63  }
0x25d: {  	s31 =	sld [smem:$0x7F7]  }
0x25e: {  	[tilespmem:s1], [sflag:$0x1] =	stream.indirect.gather [spmem:s9], $0x1, s3, s8, $0xb8;
	[tilespmem:$0x14550] =	vst v63  }
0x25f: {  	_ = 	snop  }
0x260: {  	[tilespmem:s31], [sflag:$0x1] =	stream.indirect.gather [spmem:s10], $0x1, s3, s8, $0xb8;
	[tilespmem:$0x14550] =	vst v63  }
0x261: {  	_ =	swait.ge [sflag:s14], $0x200  }
0x262: {  	[sflag:s14] =	ssyncset.done $0x0  }
0x263: {  	[sflag:s14] =	ssyncadd.s32 $0xFFFFFE00  }
0x264: {  	_ =	swait.ge [sflag:s14], $0x200  }
0x265: {  	[sflag:s14] =	ssyncset.done $0x0  }
0x266: {  	[sflag:s14] =	ssyncadd.s32 $0xFFFFFE00  }
0x267: {  	_ =	swait.ge [sflag:s14], $0x200  }
0x268: {  	[sflag:s14] =	ssyncset.done $0x0  }
0x269: {  	[sflag:s14] =	ssyncadd.s32 $0xFFFFFE00  }
0x26a: {  	_ =	swait.ge [sflag:s14], $0x200  }
0x26b: {  	[sflag:s14] =	ssyncset.done $0x0  }
0x26c: {  	[sflag:s14] =	ssyncadd.s32 $0xFFFFFE00  }
0x26d: {  	[bflag:$0x0] =	sbarrier.arrive $0xFFFF  }
0x26e: {  	_ =	swait.ge [sflag:s15], $0xC35  }
0x26f: {  	[sflag:s15] =	ssyncset.done $0x0  }
0x270: {  	[sflag:s15] =	ssyncadd.s32 $0xFFFFF3CB  }
0x271: {  	[bflag:$0x0] =	sbarrier.arrive $0xFFFF  }
0x272: {  	s30 =	rddreg [dreg:$0xd]  }
0x273: {  	[spmem:s20], [sflag:s29] =	dma.local [hbm:s30], $0xC35  }
0x274: {  	s1 =	sld [smem:$0x7F8];
	_ =	sdelay $0x1  }
0x275: {  	s31 =	sld [smem:$0x7F9]  }
0x276: {  	[tilespmem:s1], [sflag:$0x1] =	stream.indirect.gather [spmem:s4], $0x1, s3, s8, $0xb8;
	[tilespmem:$0x14550] =	vst v63  }
0x277: {  	s1 =	sld [smem:$0x7FA]  }
0x278: {  	[tilespmem:s31], [sflag:$0x1] =	stream.indirect.gather [spmem:s11], $0x1, s3, s8, $0xb8;
	[tilespmem:$0x14550] =	vst v63  }
0x279: {  	s31 =	sld [smem:$0x7FB]  }
0x27a: {  	[tilespmem:s1], [sflag:$0x1] =	stream.indirect.gather [spmem:s12], $0x1, s3, s8, $0xb8;
	[tilespmem:$0x14550] =	vst v63  }
0x27b: {  	_ = 	snop  }
0x27c: {  	[tilespmem:s31], [sflag:$0x1] =	stream.indirect.gather [spmem:s13], $0x1, s3, s8, $0xb8;
	[tilespmem:$0x14550] =	vst v63  }
0x27d: {  	_ =	swait.ge [sflag:s14], $0x200  }
0x27e: {  	[sflag:s14] =	ssyncset.done $0x0  }
0x27f: {  	[sflag:s14] =	ssyncadd.s32 $0xFFFFFE00  }
0x280: {  	_ =	swait.ge [sflag:s14], $0x200  }
0x281: {  	[sflag:s14] =	ssyncset.done $0x0  }
0x282: {  	[sflag:s14] =	ssyncadd.s32 $0xFFFFFE00  }
0x283: {  	_ =	swait.ge [sflag:s14], $0x200  }
0x284: {  	[sflag:s14] =	ssyncset.done $0x0  }
0x285: {  	[sflag:s14] =	ssyncadd.s32 $0xFFFFFE00  }
0x286: {  	_ =	swait.ge [sflag:s14], $0x200  }
0x287: {  	[sflag:s14] =	ssyncset.done $0x0  }
0x288: {  	[sflag:s14] =	ssyncadd.s32 $0xFFFFFE00  }
0x289: {  	[bflag:$0x0] =	sbarrier.arrive $0xFFFF  }
0x28a: {  	_ =	swait.ge [sflag:s15], $0xC35  }
0x28b: {  	[sflag:s15] =	ssyncset.done $0x0  }
0x28c: {  	[sflag:s15] =	ssyncadd.s32 $0xFFFFF3CB  }
0x28d: {  	[bflag:$0x0] =	sbarrier.arrive $0xFFFF  }
0x28e: {  	s31 =	rddreg [dreg:$0xe]  }
0x28f: {  	[spmem:s25], [sflag:s29] =	dma.local [hbm:s31], $0xC35  }
0x290: {  	s1 =	sld [smem:$0x7FC];
	_ =	sdelay $0x1  }
0x291: {  	s25 =	sld [smem:$0x7FD]  }
0x292: {  	[tilespmem:s1], [sflag:$0x1] =	stream.indirect.gather [spmem:s2], $0x1, s3, s8, $0xb8;
	[tilespmem:$0x14550] =	vst v63  }
0x293: {  	_ = 	snop  }
0x294: {  	[tilespmem:s25], [sflag:$0x1] =	stream.indirect.gather [spmem:s7], $0x1, s3, s8, $0xb8;
	[tilespmem:$0x14550] =	vst v63  }
0x295: {  	_ = 	snop  }
0x296: {  	[tilespmem:s26], [sflag:$0x1] =	stream.indirect.gather [spmem:s9], $0x1, s3, s8, $0xb8;
	[tilespmem:$0x14550] =	vst v63  }
0x297: {  	_ = 	snop  }
0x298: {  	[tilespmem:s28], [sflag:$0x1] =	stream.indirect.gather [spmem:s10], $0x1, s3, s8, $0xb8;
	[tilespmem:$0x14550] =	vst v63  }
0x299: {  	_ =	swait.ge [sflag:s14], $0x200  }
0x29a: {  	[sflag:s14] =	ssyncset.done $0x0  }
0x29b: {  	[sflag:s14] =	ssyncadd.s32 $0xFFFFFE00  }
0x29c: {  	_ =	swait.ge [sflag:s14], $0x200  }
0x29d: {  	[sflag:s14] =	ssyncset.done $0x0  }
0x29e: {  	[sflag:s14] =	ssyncadd.s32 $0xFFFFFE00  }
0x29f: {  	_ =	swait.ge [sflag:s14], $0x200  }
0x2a0: {  	[sflag:s14] =	ssyncset.done $0x0  }
0x2a1: {  	[sflag:s14] =	ssyncadd.s32 $0xFFFFFE00  }
0x2a2: {  	_ =	swait.ge [sflag:s14], $0x200  }
0x2a3: {  	[sflag:s14] =	ssyncset.done $0x0  }
0x2a4: {  	[sflag:s14] =	ssyncadd.s32 $0xFFFFFE00  }
0x2a5: {  	[bflag:$0x0] =	sbarrier.arrive $0xFFFF  }
0x2a6: {  	_ =	swait.ge [sflag:s15], $0xC35  }
0x2a7: {  	[sflag:s15] =	ssyncset.done $0x0  }
0x2a8: {  	[sflag:s15] =	ssyncadd.s32 $0xFFFFF3CB  }
0x2a9: {  	[bflag:$0x0] =	sbarrier.arrive $0xFFFF  }
0x2aa: {  	s30 =	rddreg [dreg:$0xf]  }
0x2ab: {  	[spmem:s20], [sflag:s29] =	dma.local [hbm:s30], $0xC35  }
0x2ac: {  	[tilespmem:s21], [sflag:$0x1] =	stream.indirect.gather [spmem:s4], $0x1, s3, s8, $0xb8;
	[tilespmem:$0x14550] =	vst v63  }
0x2ad: {  	_ = 	snop  }
0x2ae: {  	[tilespmem:s22], [sflag:$0x1] =	stream.indirect.gather [spmem:s11], $0x1, s3, s8, $0xb8;
	[tilespmem:$0x14550] =	vst v63  }
0x2af: {  	_ = 	snop  }
0x2b0: {  	[tilespmem:s23], [sflag:$0x1] =	stream.indirect.gather [spmem:s12], $0x1, s3, s8, $0xb8;
	[tilespmem:$0x14550] =	vst v63  }
0x2b1: {  	_ = 	snop  }
0x2b2: {  	[tilespmem:s24], [sflag:$0x1] =	stream.indirect.gather [spmem:s13], $0x1, s3, s8, $0xb8;
	[tilespmem:$0x14550] =	vst v63  }
0x2b3: {  	_ =	swait.ge [sflag:s14], $0x200  }
0x2b4: {  	[sflag:s14] =	ssyncset.done $0x0  }
0x2b5: {  	[sflag:s14] =	ssyncadd.s32 $0xFFFFFE00  }
0x2b6: {  	_ =	swait.ge [sflag:s14], $0x200  }
0x2b7: {  	[sflag:s14] =	ssyncset.done $0x0  }
0x2b8: {  	[sflag:s14] =	ssyncadd.s32 $0xFFFFFE00  }
0x2b9: {  	_ =	swait.ge [sflag:s14], $0x200  }
0x2ba: {  	[sflag:s14] =	ssyncset.done $0x0  }
0x2bb: {  	[sflag:s14] =	ssyncadd.s32 $0xFFFFFE00  }
0x2bc: {  	_ =	swait.ge [sflag:s14], $0x200  }
0x2bd: {  	[sflag:s14] =	ssyncset.done $0x0  }
0x2be: {  	[sflag:s14] =	ssyncadd.s32 $0xFFFFFE00  }
0x2bf: {  	[bflag:$0x0] =	sbarrier.arrive $0xFFFF  }
0x2c0: {  	_ =	swait.ge [sflag:s15], $0xC35  }
0x2c1: {  	[sflag:s15] =	ssyncset.done $0x0  }
0x2c2: {  	[sflag:s15] =	ssyncadd.s32 $0xFFFFF3CB  }
0x2c3: {  	[bflag:$0x0] =	sbarrier.arrive $0xFFFF  }
0x2c4: {  	[tilespmem:s16], [sflag:$0x1] =	stream.indirect.gather [spmem:s2], $0x1, s3, s8, $0xb8;
	[tilespmem:$0x14550] =	vst v63  }
0x2c5: {  	_ = 	snop  }
0x2c6: {  	[tilespmem:s17], [sflag:$0x1] =	stream.indirect.gather [spmem:s7], $0x1, s3, s8, $0xb8;
	[tilespmem:$0x14550] =	vst v63  }
0x2c7: {  	_ = 	snop  }
0x2c8: {  	[tilespmem:s18], [sflag:$0x1] =	stream.indirect.gather [spmem:s9], $0x1, s3, s8, $0xb8;
	[tilespmem:$0x14550] =	vst v63  }
0x2c9: {  	_ = 	snop  }
0x2ca: {  	[tilespmem:s19], [sflag:$0x1] =	stream.indirect.gather [spmem:s10], $0x1, s3, s8, $0xb8;
	[tilespmem:$0x14550] =	vst v63  }
0x2cb: {  	_ =	swait.ge [sflag:s14], $0x200  }
0x2cc: {  	[sflag:s14] =	ssyncset.done $0x0  }
0x2cd: {  	[sflag:s14] =	ssyncadd.s32 $0xFFFFFE00  }
0x2ce: {  	_ =	swait.ge [sflag:s14], $0x200  }
0x2cf: {  	[sflag:s14] =	ssyncset.done $0x0  }
0x2d0: {  	[sflag:s14] =	ssyncadd.s32 $0xFFFFFE00  }
0x2d1: {  	_ =	swait.ge [sflag:s14], $0x200  }
0x2d2: {  	[sflag:s14] =	ssyncset.done $0x0  }
0x2d3: {  	[sflag:s14] =	ssyncadd.s32 $0xFFFFFE00  }
0x2d4: {  	_ =	swait.ge [sflag:s14], $0x200  }
0x2d5: {  	[sflag:s14] =	ssyncset.done $0x0  }
0x2d6: {  	[sflag:s14] =	ssyncadd.s32 $0xFFFFFE00  }
0x2d7: {  	[bflag:$0x0] =	sbarrier.arrive $0xFFFF  }
0x2d8: {  	s31 =	rddreg [dreg:$0x10]  }
0x2d9: {  	[hbm4b:s31+s8] =	stream.strided.scatter [tilespmem:s8], [sflag:$0x3], $0x8000, s6, s8, $0x38;
	[tilespmem:$0x14550] =	vst v63  }
0x2da: {  	_ =	swait.ge [sflag:s5], $0x8000  }
0x2db: {  	[sflag:s5] =	ssyncset.done $0x0  }
0x2dc: {  	[sflag:s5] =	ssyncadd.s32 $0xFFFF8000  }
0x2dd: {  	_ =	sfence.sel $0x180000  }
0x2de: {  	[bflag:$0x0] =	sbarrier.arrive $0xFFFF  }
0x2df: {  	_ =	strace $0x9000004A  }
0x2e0: {  	[bflag:$0x2] =	sbarrier.arrive $0xFFFF  }
0x2e1: {  	p0 =	sne.s32 s0, $0x0;
	s0 =	rddreg [dreg:$0x5]  }
0x2e2: {  	s0 =	sadd.s32 @!p0 $0x100000, s0  }
0x2e3: {  	[sflag:s0] =	ssyncadd.tile.s32 @!p0 $0x1;
	_ =	shalt  }
.Lfunc_end2:
_tile_overlayer_lowered:
.L_overlay_start_2:
0x2e4: {  	(tag) =	ssettag $0x2  }
0x2e5: {  	s0 =	rddreg [dreg:$0x0];
	s2 =	stileid.u32  }
0x2e6: {  	s1 =	rddreg [dreg:$0x1];
	p0 =	sne.s32 s2, $0x0  }
0x2e7: {  	s3 =	rddreg [dreg:$0x2];
	[bflag:$0x3] =	sbarrier.arrive $0xFFFF;
	s2 =	simm.s32 @!p0 $0x1C03  }
0x2e8: {  	[timem:s3], [sflag:s2] =	dma.local @!p0 [hbm:s0], s1  }
0x2e9: {  	s0 =	simm.s32 @!p0 $0x3  }
0x2ea: {  	_ =	swait.ge @!p0 [sflag:s0], s1  }
0x2eb: {  	s1 =	ssub.s32 @!p0 $0x0, s1;
	[sflag:s0] =	ssyncset.done @!p0 $0x0  }
0x2ec: {  	[sflag:s0] =	ssyncadd.s32 @!p0 s1  }
0x2ed: {  	[bflag:$0x3] =	sbarrier.arrive $0xFFFF  }
0x2ee: {  	_ =	shalt  }

</sc_bundles>
